<compile_context>
chip_gen: v7x
topology: tpu7x:2x2x1
jax: 0.10.2.dev20260603
libtpu: 0.0.44.dev20260713+nightly
codegen_flags: <defaults>
</compile_context>

<pallas_src>
import jax
import jax.numpy as jnp
from jax import lax
from jax.experimental import pallas as pl
from jax.experimental.pallas import tpu as pltpu
from jax.experimental.pallas import tpu_sc as plsc

NUM_CORES = 2
NUM_SUBCORES = 16
NUM_WORKERS = NUM_CORES * NUM_SUBCORES

BATCH = 16384
SEQ_LEN = 10
EMBED_DIM = 256
TOTAL_ROWS = BATCH * SEQ_LEN

ROWS_PER_WORKER = TOTAL_ROWS // NUM_WORKERS
CHUNK = 128
CHUNKS_PER_WORKER = ROWS_PER_WORKER // CHUNK
NBUF = 3
LANES = 16
VECS = EMBED_DIM // LANES
L_SHIFT = 14


def _embed_body(idx_hbm, table_hbm, pos_hbm, out_hbm, idx_v, pos_v, rows_v,
                gsem0, gsem1, gsem2, osem0, osem1, osem2):
    gsems = (gsem0, gsem1, gsem2)
    osems = (osem0, osem1, osem2)
    wid = lax.axis_index("s") * NUM_CORES + lax.axis_index("c")
    base_row = wid * ROWS_PER_WORKER

    pltpu.sync_copy(idx_hbm.at[wid], idx_v)
    pltpu.sync_copy(pos_hbm, pos_v)

    def gather_start(g, buf):
        pltpu.async_copy(table_hbm.at[idx_v.at[g]], rows_v.at[buf],
                         gsems[buf])

    def gather_wait(g, buf):
        pltpu.make_async_copy(table_hbm.at[idx_v.at[g]], rows_v.at[buf],
                              gsems[buf]).wait()

    def out_start(g, buf):
        pltpu.async_copy(
            rows_v.at[buf], out_hbm.at[pl.ds(base_row + g * CHUNK, CHUNK)],
            osems[buf])

    def out_wait(g, buf):
        pltpu.make_async_copy(
            rows_v.at[buf], out_hbm.at[pl.ds(base_row + g * CHUNK, CHUNK)],
            osems[buf]).wait()

    def add_pos(g, buf):
        l = (base_row + g * CHUNK) >> L_SHIFT
        prow = [pos_v[l, pl.ds(j * LANES, LANES)] for j in range(VECS)]

        def row_body(row, carry):
            for j in range(VECS):
                sl = pl.ds(j * LANES, LANES)
                rows_v[buf, row, sl] = rows_v[buf, row, sl] + prow[j]
            return carry
        lax.fori_loop(0, CHUNK, row_body, 0)

    def step(g, b):
        gather_wait(g, b)
        add_pos(g, b)
        out_start(g, b)
        @pl.when(g + 2 < CHUNKS_PER_WORKER)
        def _():
            @pl.when(g >= 1)
            def _():
                out_wait(g - 1, (b + 2) % NBUF)
            gather_start(g + 2, (b + 2) % NBUF)

    gather_start(0, 0)
    gather_start(1, 1)

    def triple_body(p, carry):
        for b in range(NBUF):
            step(p * NBUF + b, b)
        return carry

    lax.fori_loop(0, (CHUNKS_PER_WORKER - 1) // NBUF, triple_body, 0)

    g_last = CHUNKS_PER_WORKER - 1
    gather_wait(g_last, g_last % NBUF)
    add_pos(g_last, g_last % NBUF)
    out_start(g_last, g_last % NBUF)

    for g in range(CHUNKS_PER_WORKER - NBUF, CHUNKS_PER_WORKER):
        out_wait(g, g % NBUF)


def kernel(x, token_table, position_table):
    batch, seq_len = x.shape
    idx = x.T.reshape(NUM_WORKERS, CHUNKS_PER_WORKER, CHUNK).astype(jnp.int32)

    mesh = plsc.VectorSubcoreMesh(core_axis_name="c", subcore_axis_name="s")
    run = pl.kernel(
        _embed_body,
        out_type=jax.ShapeDtypeStruct((TOTAL_ROWS, EMBED_DIM), jnp.float32),
        mesh=mesh,
        scratch_types=(
            [pltpu.VMEM((CHUNKS_PER_WORKER, CHUNK), jnp.int32),
             pltpu.VMEM((SEQ_LEN, EMBED_DIM), jnp.float32),
             pltpu.VMEM((NBUF, CHUNK, EMBED_DIM), jnp.float32)]
            + [pltpu.SemaphoreType.DMA] * (2 * NBUF)
        ),
    )
    out = run(idx, token_table, position_table)
    return out.reshape(seq_len, batch, EMBED_DIM).transpose(1, 0, 2)

# --- scband reference (transcript-rebuilt; emitter-appended) ---
"""Pipeline reference for scband-embeddings-20985210208863 (READ-ONLY COPY).

The authoritative reference and input builder live on the scoring server;
editing this copy changes nothing except your own understanding.
"""

import jax, jax.numpy as jnp
import numpy as np

VOCAB = 100000
EMBED_DIM = 256
MAX_LEN = 10
BATCH = 16384
SEQ_LEN = 10

def setup_inputs(seed: int = 0) -> dict:
    key = jax.random.key(seed)
    k1, k2, k3 = jax.random.split(key, 3)
    x = jax.random.randint(k1, (BATCH, SEQ_LEN), 0, VOCAB, dtype=jnp.int64 if jax.config.jax_enable_x64 else jnp.int32)
    token_table = jax.random.normal(k2, (VOCAB, EMBED_DIM), dtype=jnp.float32)
    position_table = jax.random.normal(k3, (MAX_LEN, EMBED_DIM), dtype=jnp.float32)
    return {"x": x, "token_table": token_table, "position_table": position_table}

def reference(x, token_table, position_table):
    seq_len = x.shape[1]
    token_embedding = jnp.take(token_table, x, axis=0)  # [B, L, D]
    pos_idx = jnp.arange(0, seq_len).reshape(1, seq_len)
    position_embedding = jnp.take(position_table, pos_idx, axis=0)  # [1, L, D]
    return token_embedding + position_embedding

if __name__ == "__main__":
    import jax
    _d = setup_inputs()
    print(jax.jit(kernel)(*tuple(_d.values())))

</pallas_src>

<mosaic_0001>
#map = affine_map<(d0, d1) -> (0, 0, 0)>
#map1 = affine_map<(d0, d1) -> (0, 0)>
module attributes {stable_mosaic.version = 14 : i64} {
  func.func @_embed_body(%arg0: i32, %arg1: i32, %arg2: memref<32x40x128xi32, #tpu.memory_space<hbm>>, %arg3: memref<100000x256xf32, #tpu.memory_space<hbm>>, %arg4: memref<10x256xf32, #tpu.memory_space<hbm>>, %arg5: memref<163840x256xf32, #tpu.memory_space<hbm>>, %arg6: memref<40x128xi32, #tpu.memory_space<vmem>>, %arg7: memref<10x256xf32, #tpu.memory_space<vmem>>, %arg8: memref<3x128x256xf32, #tpu.memory_space<vmem>>, %arg9: memref<!tpu.dma_semaphore, #tpu.memory_space<semaphore_mem>>, %arg10: memref<!tpu.dma_semaphore, #tpu.memory_space<semaphore_mem>>, %arg11: memref<!tpu.dma_semaphore, #tpu.memory_space<semaphore_mem>>, %arg12: memref<!tpu.dma_semaphore, #tpu.memory_space<semaphore_mem>>, %arg13: memref<!tpu.dma_semaphore, #tpu.memory_space<semaphore_mem>>, %arg14: memref<!tpu.dma_semaphore, #tpu.memory_space<semaphore_mem>>) attributes {dimension_semantics = [#tpu.dimension_semantics<core_parallel>, #tpu.dimension_semantics<subcore_parallel>], iteration_bounds = array<i64: 2, 16>, scalar_prefetch = 0 : i64, scratch_operands = 9 : i64, tpu.core_type = #tpu.core_type<sc_vector_subcore>, window_params = [{transform_indices = #map}, {transform_indices = #map1}, {transform_indices = #map1}, {transform_indices = #map1}]} {
    %mul3A = arith.constant 2 : i32
    %mul3A_0 = arith.muli %arg1, %mul3A : i32
    %add3A = arith.addi %mul3A_0, %arg0 : i32
    %mul3A_1 = arith.constant 5120 : i32
    %mul3A_2 = arith.muli %add3A, %mul3A_1 : i32
    "tpu.region"() ({
      %run_scoped3A = tpu.sem_alloc : memref<!tpu.dma_semaphore, #tpu.memory_space<semaphore_mem>>
      %dma_start3A_174 = arith.constant 0 : i32
      %dma_start3A_175 = arith.constant 0 : i32
      %dma_start3A_176 = tpu.memref_slice %arg2[%add3A, %dma_start3A_174, %dma_start3A_175] : memref<32x40x128xi32, #tpu.memory_space<hbm>> -> memref<1x40x128xi32, #tpu.memory_space<hbm>>
      %dma_start3A_177 = tpu.memref_squeeze %dma_start3A_176 : memref<1x40x128xi32, #tpu.memory_space<hbm>> -> memref<40x128xi32, #tpu.memory_space<hbm>>
      %dma_start3A_178 = arith.constant 0 : i32
      %dma_start3A_179 = arith.constant 0 : i32
      %dma_start3A_180 = tpu.memref_slice %arg2[%add3A, %dma_start3A_178, %dma_start3A_179] : memref<32x40x128xi32, #tpu.memory_space<hbm>> -> memref<1x40x128xi32, #tpu.memory_space<hbm>>
      %dma_start3A_181 = tpu.memref_squeeze %dma_start3A_180 : memref<1x40x128xi32, #tpu.memory_space<hbm>> -> memref<40x128xi32, #tpu.memory_space<hbm>>
      tpu.enqueue_dma source(%dma_start3A_181 : memref<40x128xi32, #tpu.memory_space<hbm>>) target(%arg6 : memref<40x128xi32, #tpu.memory_space<vmem>>) target_semaphore(%run_scoped3A : memref<!tpu.dma_semaphore, #tpu.memory_space<semaphore_mem>>)
      %dma_wait3A_182 = arith.constant 0 : i32
      %dma_wait3A_183 = arith.constant 0 : i32
      %dma_wait3A_184 = tpu.memref_slice %arg2[%add3A, %dma_wait3A_182, %dma_wait3A_183] : memref<32x40x128xi32, #tpu.memory_space<hbm>> -> memref<1x40x128xi32, #tpu.memory_space<hbm>>
      %dma_wait3A_185 = tpu.memref_squeeze %dma_wait3A_184 : memref<1x40x128xi32, #tpu.memory_space<hbm>> -> memref<40x128xi32, #tpu.memory_space<hbm>>
      %dma_wait3A_186 = arith.constant 0 : i32
      %dma_wait3A_187 = arith.constant 0 : i32
      %dma_wait3A_188 = tpu.memref_slice %arg2[%add3A, %dma_wait3A_186, %dma_wait3A_187] : memref<32x40x128xi32, #tpu.memory_space<hbm>> -> memref<1x40x128xi32, #tpu.memory_space<hbm>>
      %dma_wait3A_189 = tpu.memref_squeeze %dma_wait3A_188 : memref<1x40x128xi32, #tpu.memory_space<hbm>> -> memref<40x128xi32, #tpu.memory_space<hbm>>
      tpu.wait_dma2 semaphore(%run_scoped3A : memref<!tpu.dma_semaphore, #tpu.memory_space<semaphore_mem>>) src(%dma_wait3A_189 : memref<40x128xi32, #tpu.memory_space<hbm>>) dst(%arg6 : memref<40x128xi32, #tpu.memory_space<vmem>>)
      tpu.yield
    }) : () -> ()
    "tpu.region"() ({
      %run_scoped3A = tpu.sem_alloc : memref<!tpu.dma_semaphore, #tpu.memory_space<semaphore_mem>>
      tpu.enqueue_dma source(%arg4 : memref<10x256xf32, #tpu.memory_space<hbm>>) target(%arg7 : memref<10x256xf32, #tpu.memory_space<vmem>>) target_semaphore(%run_scoped3A : memref<!tpu.dma_semaphore, #tpu.memory_space<semaphore_mem>>)
      tpu.wait_dma2 semaphore(%run_scoped3A : memref<!tpu.dma_semaphore, #tpu.memory_space<semaphore_mem>>) src(%arg4 : memref<10x256xf32, #tpu.memory_space<hbm>>) dst(%arg7 : memref<10x256xf32, #tpu.memory_space<vmem>>)
      tpu.yield
    }) : () -> ()
    %dma_start3A = arith.constant 0 : i32
    %dma_start3A_3 = arith.constant 0 : i32
    %dma_start3A_4 = arith.constant 0 : i32
    %dma_start3A_5 = arith.constant 0 : i32
    %dma_start3A_6 = tpu.memref_slice %arg8[%dma_start3A_3, %dma_start3A_4, %dma_start3A_5] : memref<3x128x256xf32, #tpu.memory_space<vmem>> -> memref<1x128x256xf32, #tpu.memory_space<vmem>>
    %dma_start3A_7 = tpu.memref_squeeze %dma_start3A_6 : memref<1x128x256xf32, #tpu.memory_space<vmem>> -> memref<128x256xf32, #tpu.memory_space<vmem>>
    %dma_start3A_8 = arith.constant 0 : i32
    %dma_start3A_9 = tpu.memref_slice %arg6[%dma_start3A, %dma_start3A_8] : memref<40x128xi32, #tpu.memory_space<vmem>> -> memref<1x128xi32, #tpu.memory_space<vmem>>
    %dma_start3A_10 = tpu.memref_squeeze %dma_start3A_9 : memref<1x128xi32, #tpu.memory_space<vmem>> -> memref<128xi32, #tpu.memory_space<vmem>>
    %dma_start3A_11 = arith.constant 0 : i32
    %dma_start3A_12 = arith.constant 0 : i32
    %dma_start3A_13 = tpu.memref_slice %arg3[%dma_start3A_11, %dma_start3A_12] : memref<100000x256xf32, #tpu.memory_space<hbm>> -> memref<100000x256xf32, #tpu.memory_space<hbm>>
    tpu.enqueue_indirect_dma source(%dma_start3A_13 : memref<100000x256xf32, #tpu.memory_space<hbm>>) target(%dma_start3A_7 : memref<128x256xf32, #tpu.memory_space<vmem>>) offsets(%dma_start3A_10 : memref<128xi32, #tpu.memory_space<vmem>>) semaphore(%arg9 : memref<!tpu.dma_semaphore, #tpu.memory_space<semaphore_mem>>)
    %dma_start3A_14 = arith.constant 1 : i32
    %dma_start3A_15 = arith.constant 1 : i32
    %dma_start3A_16 = arith.constant 0 : i32
    %dma_start3A_17 = arith.constant 0 : i32
    %dma_start3A_18 = tpu.memref_slice %arg8[%dma_start3A_15, %dma_start3A_16, %dma_start3A_17] : memref<3x128x256xf32, #tpu.memory_space<vmem>> -> memref<1x128x256xf32, #tpu.memory_space<vmem>>
    %dma_start3A_19 = tpu.memref_squeeze %dma_start3A_18 : memref<1x128x256xf32, #tpu.memory_space<vmem>> -> memref<128x256xf32, #tpu.memory_space<vmem>>
    %dma_start3A_20 = arith.constant 0 : i32
    %dma_start3A_21 = tpu.memref_slice %arg6[%dma_start3A_14, %dma_start3A_20] : memref<40x128xi32, #tpu.memory_space<vmem>> -> memref<1x128xi32, #tpu.memory_space<vmem>>
    %dma_start3A_22 = tpu.memref_squeeze %dma_start3A_21 : memref<1x128xi32, #tpu.memory_space<vmem>> -> memref<128xi32, #tpu.memory_space<vmem>>
    %dma_start3A_23 = arith.constant 0 : i32
    %dma_start3A_24 = arith.constant 0 : i32
    %dma_start3A_25 = tpu.memref_slice %arg3[%dma_start3A_23, %dma_start3A_24] : memref<100000x256xf32, #tpu.memory_space<hbm>> -> memref<100000x256xf32, #tpu.memory_space<hbm>>
    tpu.enqueue_indirect_dma source(%dma_start3A_25 : memref<100000x256xf32, #tpu.memory_space<hbm>>) target(%dma_start3A_19 : memref<128x256xf32, #tpu.memory_space<vmem>>) offsets(%dma_start3A_22 : memref<128xi32, #tpu.memory_space<vmem>>) semaphore(%arg10 : memref<!tpu.dma_semaphore, #tpu.memory_space<semaphore_mem>>)
    %scan3A = arith.constant 0 : i32
    %scan3A_26 = arith.constant 0 : i32
    %scan3A_27 = arith.constant 13 : i32
    %scan3A_28 = arith.addi %scan3A_26, %scan3A_27 : i32
    %scan3A_29 = arith.constant 1 : i32
    scf.for %scan3A_174 = %scan3A_26 to %scan3A_28 step %scan3A_29  : i32 {
      %mul3A_175 = arith.constant 3 : i32
      %mul3A_176 = arith.muli %scan3A_174, %mul3A_175 : i32
      %add3A_177 = arith.constant 0 : i32
      %add3A_178 = arith.addi %mul3A_176, %add3A_177 : i32
      %dma_wait3A_179 = arith.constant 0 : i32
      %dma_wait3A_180 = arith.constant 0 : i32
      %dma_wait3A_181 = arith.constant 0 : i32
      %dma_wait3A_182 = tpu.memref_slice %arg8[%dma_wait3A_179, %dma_wait3A_180, %dma_wait3A_181] : memref<3x128x256xf32, #tpu.memory_space<vmem>> -> memref<1x128x256xf32, #tpu.memory_space<vmem>>
      %dma_wait3A_183 = tpu.memref_squeeze %dma_wait3A_182 : memref<1x128x256xf32, #tpu.memory_space<vmem>> -> memref<128x256xf32, #tpu.memory_space<vmem>>
      %dma_wait3A_184 = arith.constant 0 : i32
      %dma_wait3A_185 = tpu.memref_slice %arg6[%add3A_178, %dma_wait3A_184] : memref<40x128xi32, #tpu.memory_space<vmem>> -> memref<1x128xi32, #tpu.memory_space<vmem>>
      %dma_wait3A_186 = tpu.memref_squeeze %dma_wait3A_185 : memref<1x128xi32, #tpu.memory_space<vmem>> -> memref<128xi32, #tpu.memory_space<vmem>>
      %dma_wait3A_187 = arith.constant 0 : i32
      %dma_wait3A_188 = arith.constant 0 : i32
      %dma_wait3A_189 = tpu.memref_slice %arg3[%dma_wait3A_187, %dma_wait3A_188] : memref<100000x256xf32, #tpu.memory_space<hbm>> -> memref<100000x256xf32, #tpu.memory_space<hbm>>
      tpu.wait_indirect_dma semaphore(%arg9 : memref<!tpu.dma_semaphore, #tpu.memory_space<semaphore_mem>>) src(%dma_wait3A_189 : memref<100000x256xf32, #tpu.memory_space<hbm>>) dst(%dma_wait3A_183 : memref<128x256xf32, #tpu.memory_space<vmem>>)
      %mul3A_190 = arith.constant 128 : i32
      %mul3A_191 = arith.muli %add3A_178, %mul3A_190 : i32
      %add3A_192 = arith.addi %mul3A_2, %mul3A_191 : i32
      %shift_right_arithmetic3A_193 = arith.constant 14 : i32
      %shift_right_arithmetic3A_194 = arith.shrsi %add3A_192, %shift_right_arithmetic3A_193 : i32
      %get3A_195 = arith.index_cast %shift_right_arithmetic3A_194 : i32 to index
      %get3A_196 = arith.constant 0 : index
      %get3A_197 = tpu.vector_load %arg7[%get3A_195, %get3A_196] {strides = array<i32>} : memref<10x256xf32, #tpu.memory_space<vmem>>, vector<1x16xf32>,
      %get3A_198 = vector.shape_cast %get3A_197 : vector<1x16xf32> to vector<16xf32>
      %get3A_199 = arith.index_cast %shift_right_arithmetic3A_194 : i32 to index
      %get3A_200 = arith.constant 16 : index
      %get3A_201 = tpu.vector_load %arg7[%get3A_199, %get3A_200] {strides = array<i32>} : memref<10x256xf32, #tpu.memory_space<vmem>>, vector<1x16xf32>,
      %get3A_202 = vector.shape_cast %get3A_201 : vector<1x16xf32> to vector<16xf32>
      %get3A_203 = arith.index_cast %shift_right_arithmetic3A_194 : i32 to index
      %get3A_204 = arith.constant 32 : index
      %get3A_205 = tpu.vector_load %arg7[%get3A_203, %get3A_204] {strides = array<i32>} : memref<10x256xf32, #tpu.memory_space<vmem>>, vector<1x16xf32>,
      %get3A_206 = vector.shape_cast %get3A_205 : vector<1x16xf32> to vector<16xf32>
      %get3A_207 = arith.index_cast %shift_right_arithmetic3A_194 : i32 to index
      %get3A_208 = arith.constant 48 : index
      %get3A_209 = tpu.vector_load %arg7[%get3A_207, %get3A_208] {strides = array<i32>} : memref<10x256xf32, #tpu.memory_space<vmem>>, vector<1x16xf32>,
      %get3A_210 = vector.shape_cast %get3A_209 : vector<1x16xf32> to vector<16xf32>
      %get3A_211 = arith.index_cast %shift_right_arithmetic3A_194 : i32 to index
      %get3A_212 = arith.constant 64 : index
      %get3A_213 = tpu.vector_load %arg7[%get3A_211, %get3A_212] {strides = array<i32>} : memref<10x256xf32, #tpu.memory_space<vmem>>, vector<1x16xf32>,
      %get3A_214 = vector.shape_cast %get3A_213 : vector<1x16xf32> to vector<16xf32>
      %get3A_215 = arith.index_cast %shift_right_arithmetic3A_194 : i32 to index
      %get3A_216 = arith.constant 80 : index
      %get3A_217 = tpu.vector_load %arg7[%get3A_215, %get3A_216] {strides = array<i32>} : memref<10x256xf32, #tpu.memory_space<vmem>>, vector<1x16xf32>,
      %get3A_218 = vector.shape_cast %get3A_217 : vector<1x16xf32> to vector<16xf32>
      %get3A_219 = arith.index_cast %shift_right_arithmetic3A_194 : i32 to index
      %get3A_220 = arith.constant 96 : index
      %get3A_221 = tpu.vector_load %arg7[%get3A_219, %get3A_220] {strides = array<i32>} : memref<10x256xf32, #tpu.memory_space<vmem>>, vector<1x16xf32>,
      %get3A_222 = vector.shape_cast %get3A_221 : vector<1x16xf32> to vector<16xf32>
      %get3A_223 = arith.index_cast %shift_right_arithmetic3A_194 : i32 to index
      %get3A_224 = arith.constant 112 : index
      %get3A_225 = tpu.vector_load %arg7[%get3A_223, %get3A_224] {strides = array<i32>} : memref<10x256xf32, #tpu.memory_space<vmem>>, vector<1x16xf32>,
      %get3A_226 = vector.shape_cast %get3A_225 : vector<1x16xf32> to vector<16xf32>
      %get3A_227 = arith.index_cast %shift_right_arithmetic3A_194 : i32 to index
      %get3A_228 = arith.constant 128 : index
      %get3A_229 = tpu.vector_load %arg7[%get3A_227, %get3A_228] {strides = array<i32>} : memref<10x256xf32, #tpu.memory_space<vmem>>, vector<1x16xf32>,
      %get3A_230 = vector.shape_cast %get3A_229 : vector<1x16xf32> to vector<16xf32>
      %get3A_231 = arith.index_cast %shift_right_arithmetic3A_194 : i32 to index
      %get3A_232 = arith.constant 144 : index
      %get3A_233 = tpu.vector_load %arg7[%get3A_231, %get3A_232] {strides = array<i32>} : memref<10x256xf32, #tpu.memory_space<vmem>>, vector<1x16xf32>,
      %get3A_234 = vector.shape_cast %get3A_233 : vector<1x16xf32> to vector<16xf32>
      %get3A_235 = arith.index_cast %shift_right_arithmetic3A_194 : i32 to index
      %get3A_236 = arith.constant 160 : index
      %get3A_237 = tpu.vector_load %arg7[%get3A_235, %get3A_236] {strides = array<i32>} : memref<10x256xf32, #tpu.memory_space<vmem>>, vector<1x16xf32>,
      %get3A_238 = vector.shape_cast %get3A_237 : vector<1x16xf32> to vector<16xf32>
      %get3A_239 = arith.index_cast %shift_right_arithmetic3A_194 : i32 to index
      %get3A_240 = arith.constant 176 : index
      %get3A_241 = tpu.vector_load %arg7[%get3A_239, %get3A_240] {strides = array<i32>} : memref<10x256xf32, #tpu.memory_space<vmem>>, vector<1x16xf32>,
      %get3A_242 = vector.shape_cast %get3A_241 : vector<1x16xf32> to vector<16xf32>
      %get3A_243 = arith.index_cast %shift_right_arithmetic3A_194 : i32 to index
      %get3A_244 = arith.constant 192 : index
      %get3A_245 = tpu.vector_load %arg7[%get3A_243, %get3A_244] {strides = array<i32>} : memref<10x256xf32, #tpu.memory_space<vmem>>, vector<1x16xf32>,
      %get3A_246 = vector.shape_cast %get3A_245 : vector<1x16xf32> to vector<16xf32>
      %get3A_247 = arith.index_cast %shift_right_arithmetic3A_194 : i32 to index
      %get3A_248 = arith.constant 208 : index
      %get3A_249 = tpu.vector_load %arg7[%get3A_247, %get3A_248] {strides = array<i32>} : memref<10x256xf32, #tpu.memory_space<vmem>>, vector<1x16xf32>,
      %get3A_250 = vector.shape_cast %get3A_249 : vector<1x16xf32> to vector<16xf32>
      %get3A_251 = arith.index_cast %shift_right_arithmetic3A_194 : i32 to index
      %get3A_252 = arith.constant 224 : index
      %get3A_253 = tpu.vector_load %arg7[%get3A_251, %get3A_252] {strides = array<i32>} : memref<10x256xf32, #tpu.memory_space<vmem>>, vector<1x16xf32>,
      %get3A_254 = vector.shape_cast %get3A_253 : vector<1x16xf32> to vector<16xf32>
      %get3A_255 = arith.index_cast %shift_right_arithmetic3A_194 : i32 to index
      %get3A_256 = arith.constant 240 : index
      %get3A_257 = tpu.vector_load %arg7[%get3A_255, %get3A_256] {strides = array<i32>} : memref<10x256xf32, #tpu.memory_space<vmem>>, vector<1x16xf32>,
      %get3A_258 = vector.shape_cast %get3A_257 : vector<1x16xf32> to vector<16xf32>
      %scan3A_259 = arith.constant 0 : i32
      %scan3A_260 = arith.constant 0 : i32
      %scan3A_261 = arith.constant 128 : i32
      %scan3A_262 = arith.addi %scan3A_260, %scan3A_261 : i32
      %scan3A_263 = arith.constant 1 : i32
      scf.for %scan3A_511 = %scan3A_260 to %scan3A_262 step %scan3A_263  : i32 {
        %get3A_512 = arith.constant 0 : i32
        %get3A_513 = arith.index_cast %get3A_512 : i32 to index
        %get3A_514 = arith.index_cast %scan3A_511 : i32 to index
        %get3A_515 = arith.constant 0 : index
        %get3A_516 = tpu.vector_load %arg8[%get3A_513, %get3A_514, %get3A_515] {strides = array<i32>} : memref<3x128x256xf32, #tpu.memory_space<vmem>>, vector<1x1x16xf32>,
        %get3A_517 = vector.shape_cast %get3A_516 : vector<1x1x16xf32> to vector<16xf32>
        %add3A_518 = arith.addf %get3A_517, %get3A_198 : vector<16xf32>
        %swap3A = arith.constant 0 : i32
        %swap3A_519 = arith.index_cast %swap3A : i32 to index
        %swap3A_520 = arith.index_cast %scan3A_511 : i32 to index
        %swap3A_521 = arith.constant 0 : index
        %swap3A_522 = tpu.vector_load %arg8[%swap3A_519, %swap3A_520, %swap3A_521] {strides = array<i32>} : memref<3x128x256xf32, #tpu.memory_space<vmem>>, vector<1x1x16xf32>,
        %swap3A_523 = vector.shape_cast %swap3A_522 : vector<1x1x16xf32> to vector<16xf32>
        %swap3A_524 = vector.shape_cast %add3A_518 : vector<16xf32> to vector<1x1x16xf32>
        tpu.vector_store %arg8[%swap3A_519, %swap3A_520, %swap3A_521], %swap3A_524 {strides = array<i32>} : memref<3x128x256xf32, #tpu.memory_space<vmem>>, vector<1x1x16xf32>,
        %get3A_525 = arith.constant 0 : i32
        %get3A_526 = arith.index_cast %get3A_525 : i32 to index
        %get3A_527 = arith.index_cast %scan3A_511 : i32 to index
        %get3A_528 = arith.constant 16 : index
        %get3A_529 = tpu.vector_load %arg8[%get3A_526, %get3A_527, %get3A_528] {strides = array<i32>} : memref<3x128x256xf32, #tpu.memory_space<vmem>>, vector<1x1x16xf32>,
        %get3A_530 = vector.shape_cast %get3A_529 : vector<1x1x16xf32> to vector<16xf32>
        %add3A_531 = arith.addf %get3A_530, %get3A_202 : vector<16xf32>
        %swap3A_532 = arith.constant 0 : i32
        %swap3A_533 = arith.index_cast %swap3A_532 : i32 to index
        %swap3A_534 = arith.index_cast %scan3A_511 : i32 to index
        %swap3A_535 = arith.constant 16 : index
        %swap3A_536 = tpu.vector_load %arg8[%swap3A_533, %swap3A_534, %swap3A_535] {strides = array<i32>} : memref<3x128x256xf32, #tpu.memory_space<vmem>>, vector<1x1x16xf32>,
        %swap3A_537 = vector.shape_cast %swap3A_536 : vector<1x1x16xf32> to vector<16xf32>
        %swap3A_538 = vector.shape_cast %add3A_531 : vector<16xf32> to vector<1x1x16xf32>
        tpu.vector_store %arg8[%swap3A_533, %swap3A_534, %swap3A_535], %swap3A_538 {strides = array<i32>} : memref<3x128x256xf32, #tpu.memory_space<vmem>>, vector<1x1x16xf32>,
        %get3A_539 = arith.constant 0 : i32
        %get3A_540 = arith.index_cast %get3A_539 : i32 to index
        %get3A_541 = arith.index_cast %scan3A_511 : i32 to index
        %get3A_542 = arith.constant 32 : index
        %get3A_543 = tpu.vector_load %arg8[%get3A_540, %get3A_541, %get3A_542] {strides = array<i32>} : memref<3x128x256xf32, #tpu.memory_space<vmem>>, vector<1x1x16xf32>,
        %get3A_544 = vector.shape_cast %get3A_543 : vector<1x1x16xf32> to vector<16xf32>
        %add3A_545 = arith.addf %get3A_544, %get3A_206 : vector<16xf32>
        %swap3A_546 = arith.constant 0 : i32
        %swap3A_547 = arith.index_cast %swap3A_546 : i32 to index
        %swap3A_548 = arith.index_cast %scan3A_511 : i32 to index
        %swap3A_549 = arith.constant 32 : index
        %swap3A_550 = tpu.vector_load %arg8[%swap3A_547, %swap3A_548, %swap3A_549] {strides = array<i32>} : memref<3x128x256xf32, #tpu.memory_space<vmem>>, vector<1x1x16xf32>,
        %swap3A_551 = vector.shape_cast %swap3A_550 : vector<1x1x16xf32> to vector<16xf32>
        %swap3A_552 = vector.shape_cast %add3A_545 : vector<16xf32> to vector<1x1x16xf32>
        tpu.vector_store %arg8[%swap3A_547, %swap3A_548, %swap3A_549], %swap3A_552 {strides = array<i32>} : memref<3x128x256xf32, #tpu.memory_space<vmem>>, vector<1x1x16xf32>,
        %get3A_553 = arith.constant 0 : i32
        %get3A_554 = arith.index_cast %get3A_553 : i32 to index
        %get3A_555 = arith.index_cast %scan3A_511 : i32 to index
        %get3A_556 = arith.constant 48 : index
        %get3A_557 = tpu.vector_load %arg8[%get3A_554, %get3A_555, %get3A_556] {strides = array<i32>} : memref<3x128x256xf32, #tpu.memory_space<vmem>>, vector<1x1x16xf32>,
        %get3A_558 = vector.shape_cast %get3A_557 : vector<1x1x16xf32> to vector<16xf32>
        %add3A_559 = arith.addf %get3A_558, %get3A_210 : vector<16xf32>
        %swap3A_560 = arith.constant 0 : i32
        %swap3A_561 = arith.index_cast %swap3A_560 : i32 to index
        %swap3A_562 = arith.index_cast %scan3A_511 : i32 to index
        %swap3A_563 = arith.constant 48 : index
        %swap3A_564 = tpu.vector_load %arg8[%swap3A_561, %swap3A_562, %swap3A_563] {strides = array<i32>} : memref<3x128x256xf32, #tpu.memory_space<vmem>>, vector<1x1x16xf32>,
        %swap3A_565 = vector.shape_cast %swap3A_564 : vector<1x1x16xf32> to vector<16xf32>
        %swap3A_566 = vector.shape_cast %add3A_559 : vector<16xf32> to vector<1x1x16xf32>
        tpu.vector_store %arg8[%swap3A_561, %swap3A_562, %swap3A_563], %swap3A_566 {strides = array<i32>} : memref<3x128x256xf32, #tpu.memory_space<vmem>>, vector<1x1x16xf32>,
        %get3A_567 = arith.constant 0 : i32
        %get3A_568 = arith.index_cast %get3A_567 : i32 to index
        %get3A_569 = arith.index_cast %scan3A_511 : i32 to index
        %get3A_570 = arith.constant 64 : index
        %get3A_571 = tpu.vector_load %arg8[%get3A_568, %get3A_569, %get3A_570] {strides = array<i32>} : memref<3x128x256xf32, #tpu.memory_space<vmem>>, vector<1x1x16xf32>,
        %get3A_572 = vector.shape_cast %get3A_571 : vector<1x1x16xf32> to vector<16xf32>
        %add3A_573 = arith.addf %get3A_572, %get3A_214 : vector<16xf32>
        %swap3A_574 = arith.constant 0 : i32
        %swap3A_575 = arith.index_cast %swap3A_574 : i32 to index
        %swap3A_576 = arith.index_cast %scan3A_511 : i32 to index
        %swap3A_577 = arith.constant 64 : index
        %swap3A_578 = tpu.vector_load %arg8[%swap3A_575, %swap3A_576, %swap3A_577] {strides = array<i32>} : memref<3x128x256xf32, #tpu.memory_space<vmem>>, vector<1x1x16xf32>,
        %swap3A_579 = vector.shape_cast %swap3A_578 : vector<1x1x16xf32> to vector<16xf32>
        %swap3A_580 = vector.shape_cast %add3A_573 : vector<16xf32> to vector<1x1x16xf32>
        tpu.vector_store %arg8[%swap3A_575, %swap3A_576, %swap3A_577], %swap3A_580 {strides = array<i32>} : memref<3x128x256xf32, #tpu.memory_space<vmem>>, vector<1x1x16xf32>,
        %get3A_581 = arith.constant 0 : i32
        %get3A_582 = arith.index_cast %get3A_581 : i32 to index
        %get3A_583 = arith.index_cast %scan3A_511 : i32 to index
        %get3A_584 = arith.constant 80 : index
        %get3A_585 = tpu.vector_load %arg8[%get3A_582, %get3A_583, %get3A_584] {strides = array<i32>} : memref<3x128x256xf32, #tpu.memory_space<vmem>>, vector<1x1x16xf32>,
        %get3A_586 = vector.shape_cast %get3A_585 : vector<1x1x16xf32> to vector<16xf32>
        %add3A_587 = arith.addf %get3A_586, %get3A_218 : vector<16xf32>
        %swap3A_588 = arith.constant 0 : i32
        %swap3A_589 = arith.index_cast %swap3A_588 : i32 to index
        %swap3A_590 = arith.index_cast %scan3A_511 : i32 to index
        %swap3A_591 = arith.constant 80 : index
        %swap3A_592 = tpu.vector_load %arg8[%swap3A_589, %swap3A_590, %swap3A_591] {strides = array<i32>} : memref<3x128x256xf32, #tpu.memory_space<vmem>>, vector<1x1x16xf32>,
        %swap3A_593 = vector.shape_cast %swap3A_592 : vector<1x1x16xf32> to vector<16xf32>
        %swap3A_594 = vector.shape_cast %add3A_587 : vector<16xf32> to vector<1x1x16xf32>
        tpu.vector_store %arg8[%swap3A_589, %swap3A_590, %swap3A_591], %swap3A_594 {strides = array<i32>} : memref<3x128x256xf32, #tpu.memory_space<vmem>>, vector<1x1x16xf32>,
        %get3A_595 = arith.constant 0 : i32
        %get3A_596 = arith.index_cast %get3A_595 : i32 to index
        %get3A_597 = arith.index_cast %scan3A_511 : i32 to index
        %get3A_598 = arith.constant 96 : index
        %get3A_599 = tpu.vector_load %arg8[%get3A_596, %get3A_597, %get3A_598] {strides = array<i32>} : memref<3x128x256xf32, #tpu.memory_space<vmem>>, vector<1x1x16xf32>,
        %get3A_600 = vector.shape_cast %get3A_599 : vector<1x1x16xf32> to vector<16xf32>
        %add3A_601 = arith.addf %get3A_600, %get3A_222 : vector<16xf32>
        %swap3A_602 = arith.constant 0 : i32
        %swap3A_603 = arith.index_cast %swap3A_602 : i32 to index
        %swap3A_604 = arith.index_cast %scan3A_511 : i32 to index
        %swap3A_605 = arith.constant 96 : index
        %swap3A_606 = tpu.vector_load %arg8[%swap3A_603, %swap3A_604, %swap3A_605] {strides = array<i32>} : memref<3x128x256xf32, #tpu.memory_space<vmem>>, vector<1x1x16xf32>,
        %swap3A_607 = vector.shape_cast %swap3A_606 : vector<1x1x16xf32> to vector<16xf32>
        %swap3A_608 = vector.shape_cast %add3A_601 : vector<16xf32> to vector<1x1x16xf32>
        tpu.vector_store %arg8[%swap3A_603, %swap3A_604, %swap3A_605], %swap3A_608 {strides = array<i32>} : memref<3x128x256xf32, #tpu.memory_space<vmem>>, vector<1x1x16xf32>,
        %get3A_609 = arith.constant 0 : i32
        %get3A_610 = arith.index_cast %get3A_609 : i32 to index
        %get3A_611 = arith.index_cast %scan3A_511 : i32 to index
        %get3A_612 = arith.constant 112 : index
        %get3A_613 = tpu.vector_load %arg8[%get3A_610, %get3A_611, %get3A_612] {strides = array<i32>} : memref<3x128x256xf32, #tpu.memory_space<vmem>>, vector<1x1x16xf32>,
        %get3A_614 = vector.shape_cast %get3A_613 : vector<1x1x16xf32> to vector<16xf32>
        %add3A_615 = arith.addf %get3A_614, %get3A_226 : vector<16xf32>
        %swap3A_616 = arith.constant 0 : i32
        %swap3A_617 = arith.index_cast %swap3A_616 : i32 to index
        %swap3A_618 = arith.index_cast %scan3A_511 : i32 to index
        %swap3A_619 = arith.constant 112 : index
        %swap3A_620 = tpu.vector_load %arg8[%swap3A_617, %swap3A_618, %swap3A_619] {strides = array<i32>} : memref<3x128x256xf32, #tpu.memory_space<vmem>>, vector<1x1x16xf32>,
        %swap3A_621 = vector.shape_cast %swap3A_620 : vector<1x1x16xf32> to vector<16xf32>
        %swap3A_622 = vector.shape_cast %add3A_615 : vector<16xf32> to vector<1x1x16xf32>
        tpu.vector_store %arg8[%swap3A_617, %swap3A_618, %swap3A_619], %swap3A_622 {strides = array<i32>} : memref<3x128x256xf32, #tpu.memory_space<vmem>>, vector<1x1x16xf32>,
        %get3A_623 = arith.constant 0 : i32
        %get3A_624 = arith.index_cast %get3A_623 : i32 to index
        %get3A_625 = arith.index_cast %scan3A_511 : i32 to index
        %get3A_626 = arith.constant 128 : index
        %get3A_627 = tpu.vector_load %arg8[%get3A_624, %get3A_625, %get3A_626] {strides = array<i32>} : memref<3x128x256xf32, #tpu.memory_space<vmem>>, vector<1x1x16xf32>,
        %get3A_628 = vector.shape_cast %get3A_627 : vector<1x1x16xf32> to vector<16xf32>
        %add3A_629 = arith.addf %get3A_628, %get3A_230 : vector<16xf32>
        %swap3A_630 = arith.constant 0 : i32
        %swap3A_631 = arith.index_cast %swap3A_630 : i32 to index
        %swap3A_632 = arith.index_cast %scan3A_511 : i32 to index
        %swap3A_633 = arith.constant 128 : index
        %swap3A_634 = tpu.vector_load %arg8[%swap3A_631, %swap3A_632, %swap3A_633] {strides = array<i32>} : memref<3x128x256xf32, #tpu.memory_space<vmem>>, vector<1x1x16xf32>,
        %swap3A_635 = vector.shape_cast %swap3A_634 : vector<1x1x16xf32> to vector<16xf32>
        %swap3A_636 = vector.shape_cast %add3A_629 : vector<16xf32> to vector<1x1x16xf32>
        tpu.vector_store %arg8[%swap3A_631, %swap3A_632, %swap3A_633], %swap3A_636 {strides = array<i32>} : memref<3x128x256xf32, #tpu.memory_space<vmem>>, vector<1x1x16xf32>,
        %get3A_637 = arith.constant 0 : i32
        %get3A_638 = arith.index_cast %get3A_637 : i32 to index
        %get3A_639 = arith.index_cast %scan3A_511 : i32 to index
        %get3A_640 = arith.constant 144 : index
        %get3A_641 = tpu.vector_load %arg8[%get3A_638, %get3A_639, %get3A_640] {strides = array<i32>} : memref<3x128x256xf32, #tpu.memory_space<vmem>>, vector<1x1x16xf32>,
        %get3A_642 = vector.shape_cast %get3A_641 : vector<1x1x16xf32> to vector<16xf32>
        %add3A_643 = arith.addf %get3A_642, %get3A_234 : vector<16xf32>
        %swap3A_644 = arith.constant 0 : i32
        %swap3A_645 = arith.index_cast %swap3A_644 : i32 to index
        %swap3A_646 = arith.index_cast %scan3A_511 : i32 to index
        %swap3A_647 = arith.constant 144 : index
        %swap3A_648 = tpu.vector_load %arg8[%swap3A_645, %swap3A_646, %swap3A_647] {strides = array<i32>} : memref<3x128x256xf32, #tpu.memory_space<vmem>>, vector<1x1x16xf32>,
        %swap3A_649 = vector.shape_cast %swap3A_648 : vector<1x1x16xf32> to vector<16xf32>
        %swap3A_650 = vector.shape_cast %add3A_643 : vector<16xf32> to vector<1x1x16xf32>
        tpu.vector_store %arg8[%swap3A_645, %swap3A_646, %swap3A_647], %swap3A_650 {strides = array<i32>} : memref<3x128x256xf32, #tpu.memory_space<vmem>>, vector<1x1x16xf32>,
        %get3A_651 = arith.constant 0 : i32
        %get3A_652 = arith.index_cast %get3A_651 : i32 to index
        %get3A_653 = arith.index_cast %scan3A_511 : i32 to index
        %get3A_654 = arith.constant 160 : index
        %get3A_655 = tpu.vector_load %arg8[%get3A_652, %get3A_653, %get3A_654] {strides = array<i32>} : memref<3x128x256xf32, #tpu.memory_space<vmem>>, vector<1x1x16xf32>,
        %get3A_656 = vector.shape_cast %get3A_655 : vector<1x1x16xf32> to vector<16xf32>
        %add3A_657 = arith.addf %get3A_656, %get3A_238 : vector<16xf32>
        %swap3A_658 = arith.constant 0 : i32
        %swap3A_659 = arith.index_cast %swap3A_658 : i32 to index
        %swap3A_660 = arith.index_cast %scan3A_511 : i32 to index
        %swap3A_661 = arith.constant 160 : index
        %swap3A_662 = tpu.vector_load %arg8[%swap3A_659, %swap3A_660, %swap3A_661] {strides = array<i32>} : memref<3x128x256xf32, #tpu.memory_space<vmem>>, vector<1x1x16xf32>,
        %swap3A_663 = vector.shape_cast %swap3A_662 : vector<1x1x16xf32> to vector<16xf32>
        %swap3A_664 = vector.shape_cast %add3A_657 : vector<16xf32> to vector<1x1x16xf32>
        tpu.vector_store %arg8[%swap3A_659, %swap3A_660, %swap3A_661], %swap3A_664 {strides = array<i32>} : memref<3x128x256xf32, #tpu.memory_space<vmem>>, vector<1x1x16xf32>,
        %get3A_665 = arith.constant 0 : i32
        %get3A_666 = arith.index_cast %get3A_665 : i32 to index
        %get3A_667 = arith.index_cast %scan3A_511 : i32 to index
        %get3A_668 = arith.constant 176 : index
        %get3A_669 = tpu.vector_load %arg8[%get3A_666, %get3A_667, %get3A_668] {strides = array<i32>} : memref<3x128x256xf32, #tpu.memory_space<vmem>>, vector<1x1x16xf32>,
        %get3A_670 = vector.shape_cast %get3A_669 : vector<1x1x16xf32> to vector<16xf32>
        %add3A_671 = arith.addf %get3A_670, %get3A_242 : vector<16xf32>
        %swap3A_672 = arith.constant 0 : i32
        %swap3A_673 = arith.index_cast %swap3A_672 : i32 to index
        %swap3A_674 = arith.index_cast %scan3A_511 : i32 to index
        %swap3A_675 = arith.constant 176 : index
        %swap3A_676 = tpu.vector_load %arg8[%swap3A_673, %swap3A_674, %swap3A_675] {strides = array<i32>} : memref<3x128x256xf32, #tpu.memory_space<vmem>>, vector<1x1x16xf32>,
        %swap3A_677 = vector.shape_cast %swap3A_676 : vector<1x1x16xf32> to vector<16xf32>
        %swap3A_678 = vector.shape_cast %add3A_671 : vector<16xf32> to vector<1x1x16xf32>
        tpu.vector_store %arg8[%swap3A_673, %swap3A_674, %swap3A_675], %swap3A_678 {strides = array<i32>} : memref<3x128x256xf32, #tpu.memory_space<vmem>>, vector<1x1x16xf32>,
        %get3A_679 = arith.constant 0 : i32
        %get3A_680 = arith.index_cast %get3A_679 : i32 to index
        %get3A_681 = arith.index_cast %scan3A_511 : i32 to index
        %get3A_682 = arith.constant 192 : index
        %get3A_683 = tpu.vector_load %arg8[%get3A_680, %get3A_681, %get3A_682] {strides = array<i32>} : memref<3x128x256xf32, #tpu.memory_space<vmem>>, vector<1x1x16xf32>,
        %get3A_684 = vector.shape_cast %get3A_683 : vector<1x1x16xf32> to vector<16xf32>
        %add3A_685 = arith.addf %get3A_684, %get3A_246 : vector<16xf32>
        %swap3A_686 = arith.constant 0 : i32
        %swap3A_687 = arith.index_cast %swap3A_686 : i32 to index
        %swap3A_688 = arith.index_cast %scan3A_511 : i32 to index
        %swap3A_689 = arith.constant 192 : index
        %swap3A_690 = tpu.vector_load %arg8[%swap3A_687, %swap3A_688, %swap3A_689] {strides = array<i32>} : memref<3x128x256xf32, #tpu.memory_space<vmem>>, vector<1x1x16xf32>,
        %swap3A_691 = vector.shape_cast %swap3A_690 : vector<1x1x16xf32> to vector<16xf32>
        %swap3A_692 = vector.shape_cast %add3A_685 : vector<16xf32> to vector<1x1x16xf32>
        tpu.vector_store %arg8[%swap3A_687, %swap3A_688, %swap3A_689], %swap3A_692 {strides = array<i32>} : memref<3x128x256xf32, #tpu.memory_space<vmem>>, vector<1x1x16xf32>,
        %get3A_693 = arith.constant 0 : i32
        %get3A_694 = arith.index_cast %get3A_693 : i32 to index
        %get3A_695 = arith.index_cast %scan3A_511 : i32 to index
        %get3A_696 = arith.constant 208 : index
        %get3A_697 = tpu.vector_load %arg8[%get3A_694, %get3A_695, %get3A_696] {strides = array<i32>} : memref<3x128x256xf32, #tpu.memory_space<vmem>>, vector<1x1x16xf32>,
        %get3A_698 = vector.shape_cast %get3A_697 : vector<1x1x16xf32> to vector<16xf32>
        %add3A_699 = arith.addf %get3A_698, %get3A_250 : vector<16xf32>
        %swap3A_700 = arith.constant 0 : i32
        %swap3A_701 = arith.index_cast %swap3A_700 : i32 to index
        %swap3A_702 = arith.index_cast %scan3A_511 : i32 to index
        %swap3A_703 = arith.constant 208 : index
        %swap3A_704 = tpu.vector_load %arg8[%swap3A_701, %swap3A_702, %swap3A_703] {strides = array<i32>} : memref<3x128x256xf32, #tpu.memory_space<vmem>>, vector<1x1x16xf32>,
        %swap3A_705 = vector.shape_cast %swap3A_704 : vector<1x1x16xf32> to vector<16xf32>
        %swap3A_706 = vector.shape_cast %add3A_699 : vector<16xf32> to vector<1x1x16xf32>
        tpu.vector_store %arg8[%swap3A_701, %swap3A_702, %swap3A_703], %swap3A_706 {strides = array<i32>} : memref<3x128x256xf32, #tpu.memory_space<vmem>>, vector<1x1x16xf32>,
        %get3A_707 = arith.constant 0 : i32
        %get3A_708 = arith.index_cast %get3A_707 : i32 to index
        %get3A_709 = arith.index_cast %scan3A_511 : i32 to index
        %get3A_710 = arith.constant 224 : index
        %get3A_711 = tpu.vector_load %arg8[%get3A_708, %get3A_709, %get3A_710] {strides = array<i32>} : memref<3x128x256xf32, #tpu.memory_space<vmem>>, vector<1x1x16xf32>,
        %get3A_712 = vector.shape_cast %get3A_711 : vector<1x1x16xf32> to vector<16xf32>
        %add3A_713 = arith.addf %get3A_712, %get3A_254 : vector<16xf32>
        %swap3A_714 = arith.constant 0 : i32
        %swap3A_715 = arith.index_cast %swap3A_714 : i32 to index
        %swap3A_716 = arith.index_cast %scan3A_511 : i32 to index
        %swap3A_717 = arith.constant 224 : index
        %swap3A_718 = tpu.vector_load %arg8[%swap3A_715, %swap3A_716, %swap3A_717] {strides = array<i32>} : memref<3x128x256xf32, #tpu.memory_space<vmem>>, vector<1x1x16xf32>,
        %swap3A_719 = vector.shape_cast %swap3A_718 : vector<1x1x16xf32> to vector<16xf32>
        %swap3A_720 = vector.shape_cast %add3A_713 : vector<16xf32> to vector<1x1x16xf32>
        tpu.vector_store %arg8[%swap3A_715, %swap3A_716, %swap3A_717], %swap3A_720 {strides = array<i32>} : memref<3x128x256xf32, #tpu.memory_space<vmem>>, vector<1x1x16xf32>,
        %get3A_721 = arith.constant 0 : i32
        %get3A_722 = arith.index_cast %get3A_721 : i32 to index
        %get3A_723 = arith.index_cast %scan3A_511 : i32 to index
        %get3A_724 = arith.constant 240 : index
        %get3A_725 = tpu.vector_load %arg8[%get3A_722, %get3A_723, %get3A_724] {strides = array<i32>} : memref<3x128x256xf32, #tpu.memory_space<vmem>>, vector<1x1x16xf32>,
        %get3A_726 = vector.shape_cast %get3A_725 : vector<1x1x16xf32> to vector<16xf32>
        %add3A_727 = arith.addf %get3A_726, %get3A_258 : vector<16xf32>
        %swap3A_728 = arith.constant 0 : i32
        %swap3A_729 = arith.index_cast %swap3A_728 : i32 to index
        %swap3A_730 = arith.index_cast %scan3A_511 : i32 to index
        %swap3A_731 = arith.constant 240 : index
        %swap3A_732 = tpu.vector_load %arg8[%swap3A_729, %swap3A_730, %swap3A_731] {strides = array<i32>} : memref<3x128x256xf32, #tpu.memory_space<vmem>>, vector<1x1x16xf32>,
        %swap3A_733 = vector.shape_cast %swap3A_732 : vector<1x1x16xf32> to vector<16xf32>
        %swap3A_734 = vector.shape_cast %add3A_727 : vector<16xf32> to vector<1x1x16xf32>
        tpu.vector_store %arg8[%swap3A_729, %swap3A_730, %swap3A_731], %swap3A_734 {strides = array<i32>} : memref<3x128x256xf32, #tpu.memory_space<vmem>>, vector<1x1x16xf32>,
      }
      %scan3A_264 = arith.constant 128 : i32
      %mul3A_265 = arith.constant 128 : i32
      %mul3A_266 = arith.muli %add3A_178, %mul3A_265 : i32
      %add3A_267 = arith.addi %mul3A_2, %mul3A_266 : i32
      %dma_start3A_268 = arith.constant 0 : i32
      %dma_start3A_269 = arith.constant 0 : i32
      %dma_start3A_270 = arith.constant 0 : i32
      %dma_start3A_271 = tpu.memref_slice %arg8[%dma_start3A_268, %dma_start3A_269, %dma_start3A_270] : memref<3x128x256xf32, #tpu.memory_space<vmem>> -> memref<1x128x256xf32, #tpu.memory_space<vmem>>
      %dma_start3A_272 = tpu.memref_squeeze %dma_start3A_271 : memref<1x128x256xf32, #tpu.memory_space<vmem>> -> memref<128x256xf32, #tpu.memory_space<vmem>>
      %dma_start3A_273 = arith.constant 0 : i32
      %dma_start3A_274 = tpu.memref_slice %arg5[%add3A_267, %dma_start3A_273] : memref<163840x256xf32, #tpu.memory_space<hbm>> -> memref<128x256xf32, #tpu.memory_space<hbm>>
      %dma_start3A_275 = arith.constant 0 : i32
      %dma_start3A_276 = tpu.memref_slice %arg5[%add3A_267, %dma_start3A_275] : memref<163840x256xf32, #tpu.memory_space<hbm>> -> memref<128x256xf32, #tpu.memory_space<hbm>>
      %dma_start3A_277 = arith.constant 0 : i32
      %dma_start3A_278 = arith.constant 0 : i32
      %dma_start3A_279 = tpu.memref_slice %arg8[%dma_start3A_268, %dma_start3A_277, %dma_start3A_278] : memref<3x128x256xf32, #tpu.memory_space<vmem>> -> memref<1x128x256xf32, #tpu.memory_space<vmem>>
      %dma_start3A_280 = tpu.memref_squeeze %dma_start3A_279 : memref<1x128x256xf32, #tpu.memory_space<vmem>> -> memref<128x256xf32, #tpu.memory_space<vmem>>
      tpu.enqueue_dma source(%dma_start3A_280 : memref<128x256xf32, #tpu.memory_space<vmem>>) target(%dma_start3A_276 : memref<128x256xf32, #tpu.memory_space<hbm>>) target_semaphore(%arg12 : memref<!tpu.dma_semaphore, #tpu.memory_space<semaphore_mem>>)
      %add3A_281 = arith.constant 2 : i32
      %add3A_282 = arith.addi %add3A_178, %add3A_281 : i32
      %lt3A = arith.constant 40 : i32
      %lt3A_283 = arith.cmpi slt, %add3A_282, %lt3A : i32
      %convert_element_type3A = arith.extui %lt3A_283 : i1 to i32
      %cond3A = arith.constant 0 : i32
      %cond3A_284 = arith.cmpi ne, %convert_element_type3A, %cond3A : i32
      scf.if %cond3A_284 {
        %ge3A = arith.constant 1 : i32
        %ge3A_511 = arith.cmpi sge, %add3A_178, %ge3A : i32
        %convert_element_type3A_512 = arith.extui %ge3A_511 : i1 to i32
        %cond3A_513 = arith.constant 0 : i32
        %cond3A_514 = arith.cmpi ne, %convert_element_type3A_512, %cond3A_513 : i32
        scf.if %cond3A_514 {
          %sub3A = arith.constant 1 : i32
          %sub3A_528 = arith.subi %add3A_178, %sub3A : i32
          %mul3A_529 = arith.constant 128 : i32
          %mul3A_530 = arith.muli %sub3A_528, %mul3A_529 : i32
          %add3A_531 = arith.addi %mul3A_2, %mul3A_530 : i32
          %dma_wait3A_532 = arith.constant 2 : i32
          %dma_wait3A_533 = arith.constant 0 : i32
          %dma_wait3A_534 = arith.constant 0 : i32
          %dma_wait3A_535 = tpu.memref_slice %arg8[%dma_wait3A_532, %dma_wait3A_533, %dma_wait3A_534] : memref<3x128x256xf32, #tpu.memory_space<vmem>> -> memref<1x128x256xf32, #tpu.memory_space<vmem>>
          %dma_wait3A_536 = tpu.memref_squeeze %dma_wait3A_535 : memref<1x128x256xf32, #tpu.memory_space<vmem>> -> memref<128x256xf32, #tpu.memory_space<vmem>>
          %dma_wait3A_537 = arith.constant 0 : i32
          %dma_wait3A_538 = tpu.memref_slice %arg5[%add3A_531, %dma_wait3A_537] : memref<163840x256xf32, #tpu.memory_space<hbm>> -> memref<128x256xf32, #tpu.memory_space<hbm>>
          %dma_wait3A_539 = arith.constant 0 : i32
          %dma_wait3A_540 = tpu.memref_slice %arg5[%add3A_531, %dma_wait3A_539] : memref<163840x256xf32, #tpu.memory_space<hbm>> -> memref<128x256xf32, #tpu.memory_space<hbm>>
          %dma_wait3A_541 = arith.constant 0 : i32
          %dma_wait3A_542 = arith.constant 0 : i32
          %dma_wait3A_543 = tpu.memref_slice %arg8[%dma_wait3A_532, %dma_wait3A_541, %dma_wait3A_542] : memref<3x128x256xf32, #tpu.memory_space<vmem>> -> memref<1x128x256xf32, #tpu.memory_space<vmem>>
          %dma_wait3A_544 = tpu.memref_squeeze %dma_wait3A_543 : memref<1x128x256xf32, #tpu.memory_space<vmem>> -> memref<128x256xf32, #tpu.memory_space<vmem>>
          tpu.wait_dma2 semaphore(%arg14 : memref<!tpu.dma_semaphore, #tpu.memory_space<semaphore_mem>>) src(%dma_wait3A_544 : memref<128x256xf32, #tpu.memory_space<vmem>>) dst(%dma_wait3A_540 : memref<128x256xf32, #tpu.memory_space<hbm>>)
        } else {
        }
        %add3A_515 = arith.constant 2 : i32
        %add3A_516 = arith.addi %add3A_178, %add3A_515 : i32
        %dma_start3A_517 = arith.constant 2 : i32
        %dma_start3A_518 = arith.constant 0 : i32
        %dma_start3A_519 = arith.constant 0 : i32
        %dma_start3A_520 = tpu.memref_slice %arg8[%dma_start3A_517, %dma_start3A_518, %dma_start3A_519] : memref<3x128x256xf32, #tpu.memory_space<vmem>> -> memref<1x128x256xf32, #tpu.memory_space<vmem>>
        %dma_start3A_521 = tpu.memref_squeeze %dma_start3A_520 : memref<1x128x256xf32, #tpu.memory_space<vmem>> -> memref<128x256xf32, #tpu.memory_space<vmem>>
        %dma_start3A_522 = arith.constant 0 : i32
        %dma_start3A_523 = tpu.memref_slice %arg6[%add3A_516, %dma_start3A_522] : memref<40x128xi32, #tpu.memory_space<vmem>> -> memref<1x128xi32, #tpu.memory_space<vmem>>
        %dma_start3A_524 = tpu.memref_squeeze %dma_start3A_523 : memref<1x128xi32, #tpu.memory_space<vmem>> -> memref<128xi32, #tpu.memory_space<vmem>>
        %dma_start3A_525 = arith.constant 0 : i32
        %dma_start3A_526 = arith.constant 0 : i32
        %dma_start3A_527 = tpu.memref_slice %arg3[%dma_start3A_525, %dma_start3A_526] : memref<100000x256xf32, #tpu.memory_space<hbm>> -> memref<100000x256xf32, #tpu.memory_space<hbm>>
        tpu.enqueue_indirect_dma source(%dma_start3A_527 : memref<100000x256xf32, #tpu.memory_space<hbm>>) target(%dma_start3A_521 : memref<128x256xf32, #tpu.memory_space<vmem>>) offsets(%dma_start3A_524 : memref<128xi32, #tpu.memory_space<vmem>>) semaphore(%arg11 : memref<!tpu.dma_semaphore, #tpu.memory_space<semaphore_mem>>)
      } else {
      }
      %mul3A_285 = arith.constant 3 : i32
      %mul3A_286 = arith.muli %scan3A_174, %mul3A_285 : i32
      %add3A_287 = arith.constant 1 : i32
      %add3A_288 = arith.addi %mul3A_286, %add3A_287 : i32
      %dma_wait3A_289 = arith.constant 1 : i32
      %dma_wait3A_290 = arith.constant 0 : i32
      %dma_wait3A_291 = arith.constant 0 : i32
      %dma_wait3A_292 = tpu.memref_slice %arg8[%dma_wait3A_289, %dma_wait3A_290, %dma_wait3A_291] : memref<3x128x256xf32, #tpu.memory_space<vmem>> -> memref<1x128x256xf32, #tpu.memory_space<vmem>>
      %dma_wait3A_293 = tpu.memref_squeeze %dma_wait3A_292 : memref<1x128x256xf32, #tpu.memory_space<vmem>> -> memref<128x256xf32, #tpu.memory_space<vmem>>
      %dma_wait3A_294 = arith.constant 0 : i32
      %dma_wait3A_295 = tpu.memref_slice %arg6[%add3A_288, %dma_wait3A_294] : memref<40x128xi32, #tpu.memory_space<vmem>> -> memref<1x128xi32, #tpu.memory_space<vmem>>
      %dma_wait3A_296 = tpu.memref_squeeze %dma_wait3A_295 : memref<1x128xi32, #tpu.memory_space<vmem>> -> memref<128xi32, #tpu.memory_space<vmem>>
      %dma_wait3A_297 = arith.constant 0 : i32
      %dma_wait3A_298 = arith.constant 0 : i32
      %dma_wait3A_299 = tpu.memref_slice %arg3[%dma_wait3A_297, %dma_wait3A_298] : memref<100000x256xf32, #tpu.memory_space<hbm>> -> memref<100000x256xf32, #tpu.memory_space<hbm>>
      tpu.wait_indirect_dma semaphore(%arg10 : memref<!tpu.dma_semaphore, #tpu.memory_space<semaphore_mem>>) src(%dma_wait3A_299 : memref<100000x256xf32, #tpu.memory_space<hbm>>) dst(%dma_wait3A_293 : memref<128x256xf32, #tpu.memory_space<vmem>>)
      %mul3A_300 = arith.constant 128 : i32
      %mul3A_301 = arith.muli %add3A_288, %mul3A_300 : i32
      %add3A_302 = arith.addi %mul3A_2, %mul3A_301 : i32
      %shift_right_arithmetic3A_303 = arith.constant 14 : i32
      %shift_right_arithmetic3A_304 = arith.shrsi %add3A_302, %shift_right_arithmetic3A_303 : i32
      %get3A_305 = arith.index_cast %shift_right_arithmetic3A_304 : i32 to index
      %get3A_306 = arith.constant 0 : index
      %get3A_307 = tpu.vector_load %arg7[%get3A_305, %get3A_306] {strides = array<i32>} : memref<10x256xf32, #tpu.memory_space<vmem>>, vector<1x16xf32>,
      %get3A_308 = vector.shape_cast %get3A_307 : vector<1x16xf32> to vector<16xf32>
      %get3A_309 = arith.index_cast %shift_right_arithmetic3A_304 : i32 to index
      %get3A_310 = arith.constant 16 : index
      %get3A_311 = tpu.vector_load %arg7[%get3A_309, %get3A_310] {strides = array<i32>} : memref<10x256xf32, #tpu.memory_space<vmem>>, vector<1x16xf32>,
      %get3A_312 = vector.shape_cast %get3A_311 : vector<1x16xf32> to vector<16xf32>
      %get3A_313 = arith.index_cast %shift_right_arithmetic3A_304 : i32 to index
      %get3A_314 = arith.constant 32 : index
      %get3A_315 = tpu.vector_load %arg7[%get3A_313, %get3A_314] {strides = array<i32>} : memref<10x256xf32, #tpu.memory_space<vmem>>, vector<1x16xf32>,
      %get3A_316 = vector.shape_cast %get3A_315 : vector<1x16xf32> to vector<16xf32>
      %get3A_317 = arith.index_cast %shift_right_arithmetic3A_304 : i32 to index
      %get3A_318 = arith.constant 48 : index
      %get3A_319 = tpu.vector_load %arg7[%get3A_317, %get3A_318] {strides = array<i32>} : memref<10x256xf32, #tpu.memory_space<vmem>>, vector<1x16xf32>,
      %get3A_320 = vector.shape_cast %get3A_319 : vector<1x16xf32> to vector<16xf32>
      %get3A_321 = arith.index_cast %shift_right_arithmetic3A_304 : i32 to index
      %get3A_322 = arith.constant 64 : index
      %get3A_323 = tpu.vector_load %arg7[%get3A_321, %get3A_322] {strides = array<i32>} : memref<10x256xf32, #tpu.memory_space<vmem>>, vector<1x16xf32>,
      %get3A_324 = vector.shape_cast %get3A_323 : vector<1x16xf32> to vector<16xf32>
      %get3A_325 = arith.index_cast %shift_right_arithmetic3A_304 : i32 to index
      %get3A_326 = arith.constant 80 : index
      %get3A_327 = tpu.vector_load %arg7[%get3A_325, %get3A_326] {strides = array<i32>} : memref<10x256xf32, #tpu.memory_space<vmem>>, vector<1x16xf32>,
      %get3A_328 = vector.shape_cast %get3A_327 : vector<1x16xf32> to vector<16xf32>
      %get3A_329 = arith.index_cast %shift_right_arithmetic3A_304 : i32 to index
      %get3A_330 = arith.constant 96 : index
      %get3A_331 = tpu.vector_load %arg7[%get3A_329, %get3A_330] {strides = array<i32>} : memref<10x256xf32, #tpu.memory_space<vmem>>, vector<1x16xf32>,
      %get3A_332 = vector.shape_cast %get3A_331 : vector<1x16xf32> to vector<16xf32>
      %get3A_333 = arith.index_cast %shift_right_arithmetic3A_304 : i32 to index
      %get3A_334 = arith.constant 112 : index
      %get3A_335 = tpu.vector_load %arg7[%get3A_333, %get3A_334] {strides = array<i32>} : memref<10x256xf32, #tpu.memory_space<vmem>>, vector<1x16xf32>,
      %get3A_336 = vector.shape_cast %get3A_335 : vector<1x16xf32> to vector<16xf32>
      %get3A_337 = arith.index_cast %shift_right_arithmetic3A_304 : i32 to index
      %get3A_338 = arith.constant 128 : index
      %get3A_339 = tpu.vector_load %arg7[%get3A_337, %get3A_338] {strides = array<i32>} : memref<10x256xf32, #tpu.memory_space<vmem>>, vector<1x16xf32>,
      %get3A_340 = vector.shape_cast %get3A_339 : vector<1x16xf32> to vector<16xf32>
      %get3A_341 = arith.index_cast %shift_right_arithmetic3A_304 : i32 to index
      %get3A_342 = arith.constant 144 : index
      %get3A_343 = tpu.vector_load %arg7[%get3A_341, %get3A_342] {strides = array<i32>} : memref<10x256xf32, #tpu.memory_space<vmem>>, vector<1x16xf32>,
      %get3A_344 = vector.shape_cast %get3A_343 : vector<1x16xf32> to vector<16xf32>
      %get3A_345 = arith.index_cast %shift_right_arithmetic3A_304 : i32 to index
      %get3A_346 = arith.constant 160 : index
      %get3A_347 = tpu.vector_load %arg7[%get3A_345, %get3A_346] {strides = array<i32>} : memref<10x256xf32, #tpu.memory_space<vmem>>, vector<1x16xf32>,
      %get3A_348 = vector.shape_cast %get3A_347 : vector<1x16xf32> to vector<16xf32>
      %get3A_349 = arith.index_cast %shift_right_arithmetic3A_304 : i32 to index
      %get3A_350 = arith.constant 176 : index
      %get3A_351 = tpu.vector_load %arg7[%get3A_349, %get3A_350] {strides = array<i32>} : memref<10x256xf32, #tpu.memory_space<vmem>>, vector<1x16xf32>,
      %get3A_352 = vector.shape_cast %get3A_351 : vector<1x16xf32> to vector<16xf32>
      %get3A_353 = arith.index_cast %shift_right_arithmetic3A_304 : i32 to index
      %get3A_354 = arith.constant 192 : index
      %get3A_355 = tpu.vector_load %arg7[%get3A_353, %get3A_354] {strides = array<i32>} : memref<10x256xf32, #tpu.memory_space<vmem>>, vector<1x16xf32>,
      %get3A_356 = vector.shape_cast %get3A_355 : vector<1x16xf32> to vector<16xf32>
      %get3A_357 = arith.index_cast %shift_right_arithmetic3A_304 : i32 to index
      %get3A_358 = arith.constant 208 : index
      %get3A_359 = tpu.vector_load %arg7[%get3A_357, %get3A_358] {strides = array<i32>} : memref<10x256xf32, #tpu.memory_space<vmem>>, vector<1x16xf32>,
      %get3A_360 = vector.shape_cast %get3A_359 : vector<1x16xf32> to vector<16xf32>
      %get3A_361 = arith.index_cast %shift_right_arithmetic3A_304 : i32 to index
      %get3A_362 = arith.constant 224 : index
      %get3A_363 = tpu.vector_load %arg7[%get3A_361, %get3A_362] {strides = array<i32>} : memref<10x256xf32, #tpu.memory_space<vmem>>, vector<1x16xf32>,
      %get3A_364 = vector.shape_cast %get3A_363 : vector<1x16xf32> to vector<16xf32>
      %get3A_365 = arith.index_cast %shift_right_arithmetic3A_304 : i32 to index
      %get3A_366 = arith.constant 240 : index
      %get3A_367 = tpu.vector_load %arg7[%get3A_365, %get3A_366] {strides = array<i32>} : memref<10x256xf32, #tpu.memory_space<vmem>>, vector<1x16xf32>,
      %get3A_368 = vector.shape_cast %get3A_367 : vector<1x16xf32> to vector<16xf32>
      %scan3A_369 = arith.constant 0 : i32
      %scan3A_370 = arith.constant 0 : i32
      %scan3A_371 = arith.constant 128 : i32
      %scan3A_372 = arith.addi %scan3A_370, %scan3A_371 : i32
      %scan3A_373 = arith.constant 1 : i32
      scf.for %scan3A_511 = %scan3A_370 to %scan3A_372 step %scan3A_373  : i32 {
        %get3A_512 = arith.constant 1 : i32
        %get3A_513 = arith.index_cast %get3A_512 : i32 to index
        %get3A_514 = arith.index_cast %scan3A_511 : i32 to index
        %get3A_515 = arith.constant 0 : index
        %get3A_516 = tpu.vector_load %arg8[%get3A_513, %get3A_514, %get3A_515] {strides = array<i32>} : memref<3x128x256xf32, #tpu.memory_space<vmem>>, vector<1x1x16xf32>,
        %get3A_517 = vector.shape_cast %get3A_516 : vector<1x1x16xf32> to vector<16xf32>
        %add3A_518 = arith.addf %get3A_517, %get3A_308 : vector<16xf32>
        %swap3A = arith.constant 1 : i32
        %swap3A_519 = arith.index_cast %swap3A : i32 to index
        %swap3A_520 = arith.index_cast %scan3A_511 : i32 to index
        %swap3A_521 = arith.constant 0 : index
        %swap3A_522 = tpu.vector_load %arg8[%swap3A_519, %swap3A_520, %swap3A_521] {strides = array<i32>} : memref<3x128x256xf32, #tpu.memory_space<vmem>>, vector<1x1x16xf32>,
        %swap3A_523 = vector.shape_cast %swap3A_522 : vector<1x1x16xf32> to vector<16xf32>
        %swap3A_524 = vector.shape_cast %add3A_518 : vector<16xf32> to vector<1x1x16xf32>
        tpu.vector_store %arg8[%swap3A_519, %swap3A_520, %swap3A_521], %swap3A_524 {strides = array<i32>} : memref<3x128x256xf32, #tpu.memory_space<vmem>>, vector<1x1x16xf32>,
        %get3A_525 = arith.constant 1 : i32
        %get3A_526 = arith.index_cast %get3A_525 : i32 to index
        %get3A_527 = arith.index_cast %scan3A_511 : i32 to index
        %get3A_528 = arith.constant 16 : index
        %get3A_529 = tpu.vector_load %arg8[%get3A_526, %get3A_527, %get3A_528] {strides = array<i32>} : memref<3x128x256xf32, #tpu.memory_space<vmem>>, vector<1x1x16xf32>,
        %get3A_530 = vector.shape_cast %get3A_529 : vector<1x1x16xf32> to vector<16xf32>
        %add3A_531 = arith.addf %get3A_530, %get3A_312 : vector<16xf32>
        %swap3A_532 = arith.constant 1 : i32
        %swap3A_533 = arith.index_cast %swap3A_532 : i32 to index
        %swap3A_534 = arith.index_cast %scan3A_511 : i32 to index
        %swap3A_535 = arith.constant 16 : index
        %swap3A_536 = tpu.vector_load %arg8[%swap3A_533, %swap3A_534, %swap3A_535] {strides = array<i32>} : memref<3x128x256xf32, #tpu.memory_space<vmem>>, vector<1x1x16xf32>,
        %swap3A_537 = vector.shape_cast %swap3A_536 : vector<1x1x16xf32> to vector<16xf32>
        %swap3A_538 = vector.shape_cast %add3A_531 : vector<16xf32> to vector<1x1x16xf32>
        tpu.vector_store %arg8[%swap3A_533, %swap3A_534, %swap3A_535], %swap3A_538 {strides = array<i32>} : memref<3x128x256xf32, #tpu.memory_space<vmem>>, vector<1x1x16xf32>,
        %get3A_539 = arith.constant 1 : i32
        %get3A_540 = arith.index_cast %get3A_539 : i32 to index
        %get3A_541 = arith.index_cast %scan3A_511 : i32 to index
        %get3A_542 = arith.constant 32 : index
        %get3A_543 = tpu.vector_load %arg8[%get3A_540, %get3A_541, %get3A_542] {strides = array<i32>} : memref<3x128x256xf32, #tpu.memory_space<vmem>>, vector<1x1x16xf32>,
        %get3A_544 = vector.shape_cast %get3A_543 : vector<1x1x16xf32> to vector<16xf32>
        %add3A_545 = arith.addf %get3A_544, %get3A_316 : vector<16xf32>
        %swap3A_546 = arith.constant 1 : i32
        %swap3A_547 = arith.index_cast %swap3A_546 : i32 to index
        %swap3A_548 = arith.index_cast %scan3A_511 : i32 to index
        %swap3A_549 = arith.constant 32 : index
        %swap3A_550 = tpu.vector_load %arg8[%swap3A_547, %swap3A_548, %swap3A_549] {strides = array<i32>} : memref<3x128x256xf32, #tpu.memory_space<vmem>>, vector<1x1x16xf32>,
        %swap3A_551 = vector.shape_cast %swap3A_550 : vector<1x1x16xf32> to vector<16xf32>
        %swap3A_552 = vector.shape_cast %add3A_545 : vector<16xf32> to vector<1x1x16xf32>
        tpu.vector_store %arg8[%swap3A_547, %swap3A_548, %swap3A_549], %swap3A_552 {strides = array<i32>} : memref<3x128x256xf32, #tpu.memory_space<vmem>>, vector<1x1x16xf32>,
        %get3A_553 = arith.constant 1 : i32
        %get3A_554 = arith.index_cast %get3A_553 : i32 to index
        %get3A_555 = arith.index_cast %scan3A_511 : i32 to index
        %get3A_556 = arith.constant 48 : index
        %get3A_557 = tpu.vector_load %arg8[%get3A_554, %get3A_555, %get3A_556] {strides = array<i32>} : memref<3x128x256xf32, #tpu.memory_space<vmem>>, vector<1x1x16xf32>,
        %get3A_558 = vector.shape_cast %get3A_557 : vector<1x1x16xf32> to vector<16xf32>
        %add3A_559 = arith.addf %get3A_558, %get3A_320 : vector<16xf32>
        %swap3A_560 = arith.constant 1 : i32
        %swap3A_561 = arith.index_cast %swap3A_560 : i32 to index
        %swap3A_562 = arith.index_cast %scan3A_511 : i32 to index
        %swap3A_563 = arith.constant 48 : index
        %swap3A_564 = tpu.vector_load %arg8[%swap3A_561, %swap3A_562, %swap3A_563] {strides = array<i32>} : memref<3x128x256xf32, #tpu.memory_space<vmem>>, vector<1x1x16xf32>,
        %swap3A_565 = vector.shape_cast %swap3A_564 : vector<1x1x16xf32> to vector<16xf32>
        %swap3A_566 = vector.shape_cast %add3A_559 : vector<16xf32> to vector<1x1x16xf32>
        tpu.vector_store %arg8[%swap3A_561, %swap3A_562, %swap3A_563], %swap3A_566 {strides = array<i32>} : memref<3x128x256xf32, #tpu.memory_space<vmem>>, vector<1x1x16xf32>,
        %get3A_567 = arith.constant 1 : i32
        %get3A_568 = arith.index_cast %get3A_567 : i32 to index
        %get3A_569 = arith.index_cast %scan3A_511 : i32 to index
        %get3A_570 = arith.constant 64 : index
        %get3A_571 = tpu.vector_load %arg8[%get3A_568, %get3A_569, %get3A_570] {strides = array<i32>} : memref<3x128x256xf32, #tpu.memory_space<vmem>>, vector<1x1x16xf32>,
        %get3A_572 = vector.shape_cast %get3A_571 : vector<1x1x16xf32> to vector<16xf32>
        %add3A_573 = arith.addf %get3A_572, %get3A_324 : vector<16xf32>
        %swap3A_574 = arith.constant 1 : i32
        %swap3A_575 = arith.index_cast %swap3A_574 : i32 to index
        %swap3A_576 = arith.index_cast %scan3A_511 : i32 to index
        %swap3A_577 = arith.constant 64 : index
        %swap3A_578 = tpu.vector_load %arg8[%swap3A_575, %swap3A_576, %swap3A_577] {strides = array<i32>} : memref<3x128x256xf32, #tpu.memory_space<vmem>>, vector<1x1x16xf32>,
        %swap3A_579 = vector.shape_cast %swap3A_578 : vector<1x1x16xf32> to vector<16xf32>
        %swap3A_580 = vector.shape_cast %add3A_573 : vector<16xf32> to vector<1x1x16xf32>
        tpu.vector_store %arg8[%swap3A_575, %swap3A_576, %swap3A_577], %swap3A_580 {strides = array<i32>} : memref<3x128x256xf32, #tpu.memory_space<vmem>>, vector<1x1x16xf32>,
        %get3A_581 = arith.constant 1 : i32
        %get3A_582 = arith.index_cast %get3A_581 : i32 to index
        %get3A_583 = arith.index_cast %scan3A_511 : i32 to index
        %get3A_584 = arith.constant 80 : index
        %get3A_585 = tpu.vector_load %arg8[%get3A_582, %get3A_583, %get3A_584] {strides = array<i32>} : memref<3x128x256xf32, #tpu.memory_space<vmem>>, vector<1x1x16xf32>,
        %get3A_586 = vector.shape_cast %get3A_585 : vector<1x1x16xf32> to vector<16xf32>
        %add3A_587 = arith.addf %get3A_586, %get3A_328 : vector<16xf32>
        %swap3A_588 = arith.constant 1 : i32
        %swap3A_589 = arith.index_cast %swap3A_588 : i32 to index
        %swap3A_590 = arith.index_cast %scan3A_511 : i32 to index
        %swap3A_591 = arith.constant 80 : index
        %swap3A_592 = tpu.vector_load %arg8[%swap3A_589, %swap3A_590, %swap3A_591] {strides = array<i32>} : memref<3x128x256xf32, #tpu.memory_space<vmem>>, vector<1x1x16xf32>,
        %swap3A_593 = vector.shape_cast %swap3A_592 : vector<1x1x16xf32> to vector<16xf32>
        %swap3A_594 = vector.shape_cast %add3A_587 : vector<16xf32> to vector<1x1x16xf32>
        tpu.vector_store %arg8[%swap3A_589, %swap3A_590, %swap3A_591], %swap3A_594 {strides = array<i32>} : memref<3x128x256xf32, #tpu.memory_space<vmem>>, vector<1x1x16xf32>,
        %get3A_595 = arith.constant 1 : i32
        %get3A_596 = arith.index_cast %get3A_595 : i32 to index
        %get3A_597 = arith.index_cast %scan3A_511 : i32 to index
        %get3A_598 = arith.constant 96 : index
        %get3A_599 = tpu.vector_load %arg8[%get3A_596, %get3A_597, %get3A_598] {strides = array<i32>} : memref<3x128x256xf32, #tpu.memory_space<vmem>>, vector<1x1x16xf32>,
        %get3A_600 = vector.shape_cast %get3A_599 : vector<1x1x16xf32> to vector<16xf32>
        %add3A_601 = arith.addf %get3A_600, %get3A_332 : vector<16xf32>
        %swap3A_602 = arith.constant 1 : i32
        %swap3A_603 = arith.index_cast %swap3A_602 : i32 to index
        %swap3A_604 = arith.index_cast %scan3A_511 : i32 to index
        %swap3A_605 = arith.constant 96 : index
        %swap3A_606 = tpu.vector_load %arg8[%swap3A_603, %swap3A_604, %swap3A_605] {strides = array<i32>} : memref<3x128x256xf32, #tpu.memory_space<vmem>>, vector<1x1x16xf32>,
        %swap3A_607 = vector.shape_cast %swap3A_606 : vector<1x1x16xf32> to vector<16xf32>
        %swap3A_608 = vector.shape_cast %add3A_601 : vector<16xf32> to vector<1x1x16xf32>
        tpu.vector_store %arg8[%swap3A_603, %swap3A_604, %swap3A_605], %swap3A_608 {strides = array<i32>} : memref<3x128x256xf32, #tpu.memory_space<vmem>>, vector<1x1x16xf32>,
        %get3A_609 = arith.constant 1 : i32
        %get3A_610 = arith.index_cast %get3A_609 : i32 to index
        %get3A_611 = arith.index_cast %scan3A_511 : i32 to index
        %get3A_612 = arith.constant 112 : index
        %get3A_613 = tpu.vector_load %arg8[%get3A_610, %get3A_611, %get3A_612] {strides = array<i32>} : memref<3x128x256xf32, #tpu.memory_space<vmem>>, vector<1x1x16xf32>,
        %get3A_614 = vector.shape_cast %get3A_613 : vector<1x1x16xf32> to vector<16xf32>
        %add3A_615 = arith.addf %get3A_614, %get3A_336 : vector<16xf32>
        %swap3A_616 = arith.constant 1 : i32
        %swap3A_617 = arith.index_cast %swap3A_616 : i32 to index
        %swap3A_618 = arith.index_cast %scan3A_511 : i32 to index
        %swap3A_619 = arith.constant 112 : index
        %swap3A_620 = tpu.vector_load %arg8[%swap3A_617, %swap3A_618, %swap3A_619] {strides = array<i32>} : memref<3x128x256xf32, #tpu.memory_space<vmem>>, vector<1x1x16xf32>,
        %swap3A_621 = vector.shape_cast %swap3A_620 : vector<1x1x16xf32> to vector<16xf32>
        %swap3A_622 = vector.shape_cast %add3A_615 : vector<16xf32> to vector<1x1x16xf32>
        tpu.vector_store %arg8[%swap3A_617, %swap3A_618, %swap3A_619], %swap3A_622 {strides = array<i32>} : memref<3x128x256xf32, #tpu.memory_space<vmem>>, vector<1x1x16xf32>,
        %get3A_623 = arith.constant 1 : i32
        %get3A_624 = arith.index_cast %get3A_623 : i32 to index
        %get3A_625 = arith.index_cast %scan3A_511 : i32 to index
        %get3A_626 = arith.constant 128 : index
        %get3A_627 = tpu.vector_load %arg8[%get3A_624, %get3A_625, %get3A_626] {strides = array<i32>} : memref<3x128x256xf32, #tpu.memory_space<vmem>>, vector<1x1x16xf32>,
        %get3A_628 = vector.shape_cast %get3A_627 : vector<1x1x16xf32> to vector<16xf32>
        %add3A_629 = arith.addf %get3A_628, %get3A_340 : vector<16xf32>
        %swap3A_630 = arith.constant 1 : i32
        %swap3A_631 = arith.index_cast %swap3A_630 : i32 to index
        %swap3A_632 = arith.index_cast %scan3A_511 : i32 to index
        %swap3A_633 = arith.constant 128 : index
        %swap3A_634 = tpu.vector_load %arg8[%swap3A_631, %swap3A_632, %swap3A_633] {strides = array<i32>} : memref<3x128x256xf32, #tpu.memory_space<vmem>>, vector<1x1x16xf32>,
        %swap3A_635 = vector.shape_cast %swap3A_634 : vector<1x1x16xf32> to vector<16xf32>
        %swap3A_636 = vector.shape_cast %add3A_629 : vector<16xf32> to vector<1x1x16xf32>
        tpu.vector_store %arg8[%swap3A_631, %swap3A_632, %swap3A_633], %swap3A_636 {strides = array<i32>} : memref<3x128x256xf32, #tpu.memory_space<vmem>>, vector<1x1x16xf32>,
        %get3A_637 = arith.constant 1 : i32
        %get3A_638 = arith.index_cast %get3A_637 : i32 to index
        %get3A_639 = arith.index_cast %scan3A_511 : i32 to index
        %get3A_640 = arith.constant 144 : index
        %get3A_641 = tpu.vector_load %arg8[%get3A_638, %get3A_639, %get3A_640] {strides = array<i32>} : memref<3x128x256xf32, #tpu.memory_space<vmem>>, vector<1x1x16xf32>,
        %get3A_642 = vector.shape_cast %get3A_641 : vector<1x1x16xf32> to vector<16xf32>
        %add3A_643 = arith.addf %get3A_642, %get3A_344 : vector<16xf32>
        %swap3A_644 = arith.constant 1 : i32
        %swap3A_645 = arith.index_cast %swap3A_644 : i32 to index
        %swap3A_646 = arith.index_cast %scan3A_511 : i32 to index
        %swap3A_647 = arith.constant 144 : index
        %swap3A_648 = tpu.vector_load %arg8[%swap3A_645, %swap3A_646, %swap3A_647] {strides = array<i32>} : memref<3x128x256xf32, #tpu.memory_space<vmem>>, vector<1x1x16xf32>,
        %swap3A_649 = vector.shape_cast %swap3A_648 : vector<1x1x16xf32> to vector<16xf32>
        %swap3A_650 = vector.shape_cast %add3A_643 : vector<16xf32> to vector<1x1x16xf32>
        tpu.vector_store %arg8[%swap3A_645, %swap3A_646, %swap3A_647], %swap3A_650 {strides = array<i32>} : memref<3x128x256xf32, #tpu.memory_space<vmem>>, vector<1x1x16xf32>,
        %get3A_651 = arith.constant 1 : i32
        %get3A_652 = arith.index_cast %get3A_651 : i32 to index
        %get3A_653 = arith.index_cast %scan3A_511 : i32 to index
        %get3A_654 = arith.constant 160 : index
        %get3A_655 = tpu.vector_load %arg8[%get3A_652, %get3A_653, %get3A_654] {strides = array<i32>} : memref<3x128x256xf32, #tpu.memory_space<vmem>>, vector<1x1x16xf32>,
        %get3A_656 = vector.shape_cast %get3A_655 : vector<1x1x16xf32> to vector<16xf32>
        %add3A_657 = arith.addf %get3A_656, %get3A_348 : vector<16xf32>
        %swap3A_658 = arith.constant 1 : i32
        %swap3A_659 = arith.index_cast %swap3A_658 : i32 to index
        %swap3A_660 = arith.index_cast %scan3A_511 : i32 to index
        %swap3A_661 = arith.constant 160 : index
        %swap3A_662 = tpu.vector_load %arg8[%swap3A_659, %swap3A_660, %swap3A_661] {strides = array<i32>} : memref<3x128x256xf32, #tpu.memory_space<vmem>>, vector<1x1x16xf32>,
        %swap3A_663 = vector.shape_cast %swap3A_662 : vector<1x1x16xf32> to vector<16xf32>
        %swap3A_664 = vector.shape_cast %add3A_657 : vector<16xf32> to vector<1x1x16xf32>
        tpu.vector_store %arg8[%swap3A_659, %swap3A_660, %swap3A_661], %swap3A_664 {strides = array<i32>} : memref<3x128x256xf32, #tpu.memory_space<vmem>>, vector<1x1x16xf32>,
        %get3A_665 = arith.constant 1 : i32
        %get3A_666 = arith.index_cast %get3A_665 : i32 to index
        %get3A_667 = arith.index_cast %scan3A_511 : i32 to index
        %get3A_668 = arith.constant 176 : index
        %get3A_669 = tpu.vector_load %arg8[%get3A_666, %get3A_667, %get3A_668] {strides = array<i32>} : memref<3x128x256xf32, #tpu.memory_space<vmem>>, vector<1x1x16xf32>,
        %get3A_670 = vector.shape_cast %get3A_669 : vector<1x1x16xf32> to vector<16xf32>
        %add3A_671 = arith.addf %get3A_670, %get3A_352 : vector<16xf32>
        %swap3A_672 = arith.constant 1 : i32
        %swap3A_673 = arith.index_cast %swap3A_672 : i32 to index
        %swap3A_674 = arith.index_cast %scan3A_511 : i32 to index
        %swap3A_675 = arith.constant 176 : index
        %swap3A_676 = tpu.vector_load %arg8[%swap3A_673, %swap3A_674, %swap3A_675] {strides = array<i32>} : memref<3x128x256xf32, #tpu.memory_space<vmem>>, vector<1x1x16xf32>,
        %swap3A_677 = vector.shape_cast %swap3A_676 : vector<1x1x16xf32> to vector<16xf32>
        %swap3A_678 = vector.shape_cast %add3A_671 : vector<16xf32> to vector<1x1x16xf32>
        tpu.vector_store %arg8[%swap3A_673, %swap3A_674, %swap3A_675], %swap3A_678 {strides = array<i32>} : memref<3x128x256xf32, #tpu.memory_space<vmem>>, vector<1x1x16xf32>,
        %get3A_679 = arith.constant 1 : i32
        %get3A_680 = arith.index_cast %get3A_679 : i32 to index
        %get3A_681 = arith.index_cast %scan3A_511 : i32 to index
        %get3A_682 = arith.constant 192 : index
        %get3A_683 = tpu.vector_load %arg8[%get3A_680, %get3A_681, %get3A_682] {strides = array<i32>} : memref<3x128x256xf32, #tpu.memory_space<vmem>>, vector<1x1x16xf32>,
        %get3A_684 = vector.shape_cast %get3A_683 : vector<1x1x16xf32> to vector<16xf32>
        %add3A_685 = arith.addf %get3A_684, %get3A_356 : vector<16xf32>
        %swap3A_686 = arith.constant 1 : i32
        %swap3A_687 = arith.index_cast %swap3A_686 : i32 to index
        %swap3A_688 = arith.index_cast %scan3A_511 : i32 to index
        %swap3A_689 = arith.constant 192 : index
        %swap3A_690 = tpu.vector_load %arg8[%swap3A_687, %swap3A_688, %swap3A_689] {strides = array<i32>} : memref<3x128x256xf32, #tpu.memory_space<vmem>>, vector<1x1x16xf32>,
        %swap3A_691 = vector.shape_cast %swap3A_690 : vector<1x1x16xf32> to vector<16xf32>
        %swap3A_692 = vector.shape_cast %add3A_685 : vector<16xf32> to vector<1x1x16xf32>
        tpu.vector_store %arg8[%swap3A_687, %swap3A_688, %swap3A_689], %swap3A_692 {strides = array<i32>} : memref<3x128x256xf32, #tpu.memory_space<vmem>>, vector<1x1x16xf32>,
        %get3A_693 = arith.constant 1 : i32
        %get3A_694 = arith.index_cast %get3A_693 : i32 to index
        %get3A_695 = arith.index_cast %scan3A_511 : i32 to index
        %get3A_696 = arith.constant 208 : index
        %get3A_697 = tpu.vector_load %arg8[%get3A_694, %get3A_695, %get3A_696] {strides = array<i32>} : memref<3x128x256xf32, #tpu.memory_space<vmem>>, vector<1x1x16xf32>,
        %get3A_698 = vector.shape_cast %get3A_697 : vector<1x1x16xf32> to vector<16xf32>
        %add3A_699 = arith.addf %get3A_698, %get3A_360 : vector<16xf32>
        %swap3A_700 = arith.constant 1 : i32
        %swap3A_701 = arith.index_cast %swap3A_700 : i32 to index
        %swap3A_702 = arith.index_cast %scan3A_511 : i32 to index
        %swap3A_703 = arith.constant 208 : index
        %swap3A_704 = tpu.vector_load %arg8[%swap3A_701, %swap3A_702, %swap3A_703] {strides = array<i32>} : memref<3x128x256xf32, #tpu.memory_space<vmem>>, vector<1x1x16xf32>,
        %swap3A_705 = vector.shape_cast %swap3A_704 : vector<1x1x16xf32> to vector<16xf32>
        %swap3A_706 = vector.shape_cast %add3A_699 : vector<16xf32> to vector<1x1x16xf32>
        tpu.vector_store %arg8[%swap3A_701, %swap3A_702, %swap3A_703], %swap3A_706 {strides = array<i32>} : memref<3x128x256xf32, #tpu.memory_space<vmem>>, vector<1x1x16xf32>,
        %get3A_707 = arith.constant 1 : i32
        %get3A_708 = arith.index_cast %get3A_707 : i32 to index
        %get3A_709 = arith.index_cast %scan3A_511 : i32 to index
        %get3A_710 = arith.constant 224 : index
        %get3A_711 = tpu.vector_load %arg8[%get3A_708, %get3A_709, %get3A_710] {strides = array<i32>} : memref<3x128x256xf32, #tpu.memory_space<vmem>>, vector<1x1x16xf32>,
        %get3A_712 = vector.shape_cast %get3A_711 : vector<1x1x16xf32> to vector<16xf32>
        %add3A_713 = arith.addf %get3A_712, %get3A_364 : vector<16xf32>
        %swap3A_714 = arith.constant 1 : i32
        %swap3A_715 = arith.index_cast %swap3A_714 : i32 to index
        %swap3A_716 = arith.index_cast %scan3A_511 : i32 to index
        %swap3A_717 = arith.constant 224 : index
        %swap3A_718 = tpu.vector_load %arg8[%swap3A_715, %swap3A_716, %swap3A_717] {strides = array<i32>} : memref<3x128x256xf32, #tpu.memory_space<vmem>>, vector<1x1x16xf32>,
        %swap3A_719 = vector.shape_cast %swap3A_718 : vector<1x1x16xf32> to vector<16xf32>
        %swap3A_720 = vector.shape_cast %add3A_713 : vector<16xf32> to vector<1x1x16xf32>
        tpu.vector_store %arg8[%swap3A_715, %swap3A_716, %swap3A_717], %swap3A_720 {strides = array<i32>} : memref<3x128x256xf32, #tpu.memory_space<vmem>>, vector<1x1x16xf32>,
        %get3A_721 = arith.constant 1 : i32
        %get3A_722 = arith.index_cast %get3A_721 : i32 to index
        %get3A_723 = arith.index_cast %scan3A_511 : i32 to index
        %get3A_724 = arith.constant 240 : index
        %get3A_725 = tpu.vector_load %arg8[%get3A_722, %get3A_723, %get3A_724] {strides = array<i32>} : memref<3x128x256xf32, #tpu.memory_space<vmem>>, vector<1x1x16xf32>,
        %get3A_726 = vector.shape_cast %get3A_725 : vector<1x1x16xf32> to vector<16xf32>
        %add3A_727 = arith.addf %get3A_726, %get3A_368 : vector<16xf32>
        %swap3A_728 = arith.constant 1 : i32
        %swap3A_729 = arith.index_cast %swap3A_728 : i32 to index
        %swap3A_730 = arith.index_cast %scan3A_511 : i32 to index
        %swap3A_731 = arith.constant 240 : index
        %swap3A_732 = tpu.vector_load %arg8[%swap3A_729, %swap3A_730, %swap3A_731] {strides = array<i32>} : memref<3x128x256xf32, #tpu.memory_space<vmem>>, vector<1x1x16xf32>,
        %swap3A_733 = vector.shape_cast %swap3A_732 : vector<1x1x16xf32> to vector<16xf32>
        %swap3A_734 = vector.shape_cast %add3A_727 : vector<16xf32> to vector<1x1x16xf32>
        tpu.vector_store %arg8[%swap3A_729, %swap3A_730, %swap3A_731], %swap3A_734 {strides = array<i32>} : memref<3x128x256xf32, #tpu.memory_space<vmem>>, vector<1x1x16xf32>,
      }
      %scan3A_374 = arith.constant 128 : i32
      %mul3A_375 = arith.constant 128 : i32
      %mul3A_376 = arith.muli %add3A_288, %mul3A_375 : i32
      %add3A_377 = arith.addi %mul3A_2, %mul3A_376 : i32
      %dma_start3A_378 = arith.constant 1 : i32
      %dma_start3A_379 = arith.constant 0 : i32
      %dma_start3A_380 = arith.constant 0 : i32
      %dma_start3A_381 = tpu.memref_slice %arg8[%dma_start3A_378, %dma_start3A_379, %dma_start3A_380] : memref<3x128x256xf32, #tpu.memory_space<vmem>> -> memref<1x128x256xf32, #tpu.memory_space<vmem>>
      %dma_start3A_382 = tpu.memref_squeeze %dma_start3A_381 : memref<1x128x256xf32, #tpu.memory_space<vmem>> -> memref<128x256xf32, #tpu.memory_space<vmem>>
      %dma_start3A_383 = arith.constant 0 : i32
      %dma_start3A_384 = tpu.memref_slice %arg5[%add3A_377, %dma_start3A_383] : memref<163840x256xf32, #tpu.memory_space<hbm>> -> memref<128x256xf32, #tpu.memory_space<hbm>>
      %dma_start3A_385 = arith.constant 0 : i32
      %dma_start3A_386 = tpu.memref_slice %arg5[%add3A_377, %dma_start3A_385] : memref<163840x256xf32, #tpu.memory_space<hbm>> -> memref<128x256xf32, #tpu.memory_space<hbm>>
      %dma_start3A_387 = arith.constant 0 : i32
      %dma_start3A_388 = arith.constant 0 : i32
      %dma_start3A_389 = tpu.memref_slice %arg8[%dma_start3A_378, %dma_start3A_387, %dma_start3A_388] : memref<3x128x256xf32, #tpu.memory_space<vmem>> -> memref<1x128x256xf32, #tpu.memory_space<vmem>>
      %dma_start3A_390 = tpu.memref_squeeze %dma_start3A_389 : memref<1x128x256xf32, #tpu.memory_space<vmem>> -> memref<128x256xf32, #tpu.memory_space<vmem>>
      tpu.enqueue_dma source(%dma_start3A_390 : memref<128x256xf32, #tpu.memory_space<vmem>>) target(%dma_start3A_386 : memref<128x256xf32, #tpu.memory_space<hbm>>) target_semaphore(%arg13 : memref<!tpu.dma_semaphore, #tpu.memory_space<semaphore_mem>>)
      %add3A_391 = arith.constant 2 : i32
      %add3A_392 = arith.addi %add3A_288, %add3A_391 : i32
      %lt3A_393 = arith.constant 40 : i32
      %lt3A_394 = arith.cmpi slt, %add3A_392, %lt3A_393 : i32
      %convert_element_type3A_395 = arith.extui %lt3A_394 : i1 to i32
      %cond3A_396 = arith.constant 0 : i32
      %cond3A_397 = arith.cmpi ne, %convert_element_type3A_395, %cond3A_396 : i32
      scf.if %cond3A_397 {
        %ge3A = arith.constant 1 : i32
        %ge3A_511 = arith.cmpi sge, %add3A_288, %ge3A : i32
        %convert_element_type3A_512 = arith.extui %ge3A_511 : i1 to i32
        %cond3A_513 = arith.constant 0 : i32
        %cond3A_514 = arith.cmpi ne, %convert_element_type3A_512, %cond3A_513 : i32
        scf.if %cond3A_514 {
          %sub3A = arith.constant 1 : i32
          %sub3A_528 = arith.subi %add3A_288, %sub3A : i32
          %mul3A_529 = arith.constant 128 : i32
          %mul3A_530 = arith.muli %sub3A_528, %mul3A_529 : i32
          %add3A_531 = arith.addi %mul3A_2, %mul3A_530 : i32
          %dma_wait3A_532 = arith.constant 0 : i32
          %dma_wait3A_533 = arith.constant 0 : i32
          %dma_wait3A_534 = arith.constant 0 : i32
          %dma_wait3A_535 = tpu.memref_slice %arg8[%dma_wait3A_532, %dma_wait3A_533, %dma_wait3A_534] : memref<3x128x256xf32, #tpu.memory_space<vmem>> -> memref<1x128x256xf32, #tpu.memory_space<vmem>>
          %dma_wait3A_536 = tpu.memref_squeeze %dma_wait3A_535 : memref<1x128x256xf32, #tpu.memory_space<vmem>> -> memref<128x256xf32, #tpu.memory_space<vmem>>
          %dma_wait3A_537 = arith.constant 0 : i32
          %dma_wait3A_538 = tpu.memref_slice %arg5[%add3A_531, %dma_wait3A_537] : memref<163840x256xf32, #tpu.memory_space<hbm>> -> memref<128x256xf32, #tpu.memory_space<hbm>>
          %dma_wait3A_539 = arith.constant 0 : i32
          %dma_wait3A_540 = tpu.memref_slice %arg5[%add3A_531, %dma_wait3A_539] : memref<163840x256xf32, #tpu.memory_space<hbm>> -> memref<128x256xf32, #tpu.memory_space<hbm>>
          %dma_wait3A_541 = arith.constant 0 : i32
          %dma_wait3A_542 = arith.constant 0 : i32
          %dma_wait3A_543 = tpu.memref_slice %arg8[%dma_wait3A_532, %dma_wait3A_541, %dma_wait3A_542] : memref<3x128x256xf32, #tpu.memory_space<vmem>> -> memref<1x128x256xf32, #tpu.memory_space<vmem>>
          %dma_wait3A_544 = tpu.memref_squeeze %dma_wait3A_543 : memref<1x128x256xf32, #tpu.memory_space<vmem>> -> memref<128x256xf32, #tpu.memory_space<vmem>>
          tpu.wait_dma2 semaphore(%arg12 : memref<!tpu.dma_semaphore, #tpu.memory_space<semaphore_mem>>) src(%dma_wait3A_544 : memref<128x256xf32, #tpu.memory_space<vmem>>) dst(%dma_wait3A_540 : memref<128x256xf32, #tpu.memory_space<hbm>>)
        } else {
        }
        %add3A_515 = arith.constant 2 : i32
        %add3A_516 = arith.addi %add3A_288, %add3A_515 : i32
        %dma_start3A_517 = arith.constant 0 : i32
        %dma_start3A_518 = arith.constant 0 : i32
        %dma_start3A_519 = arith.constant 0 : i32
        %dma_start3A_520 = tpu.memref_slice %arg8[%dma_start3A_517, %dma_start3A_518, %dma_start3A_519] : memref<3x128x256xf32, #tpu.memory_space<vmem>> -> memref<1x128x256xf32, #tpu.memory_space<vmem>>
        %dma_start3A_521 = tpu.memref_squeeze %dma_start3A_520 : memref<1x128x256xf32, #tpu.memory_space<vmem>> -> memref<128x256xf32, #tpu.memory_space<vmem>>
        %dma_start3A_522 = arith.constant 0 : i32
        %dma_start3A_523 = tpu.memref_slice %arg6[%add3A_516, %dma_start3A_522] : memref<40x128xi32, #tpu.memory_space<vmem>> -> memref<1x128xi32, #tpu.memory_space<vmem>>
        %dma_start3A_524 = tpu.memref_squeeze %dma_start3A_523 : memref<1x128xi32, #tpu.memory_space<vmem>> -> memref<128xi32, #tpu.memory_space<vmem>>
        %dma_start3A_525 = arith.constant 0 : i32
        %dma_start3A_526 = arith.constant 0 : i32
        %dma_start3A_527 = tpu.memref_slice %arg3[%dma_start3A_525, %dma_start3A_526] : memref<100000x256xf32, #tpu.memory_space<hbm>> -> memref<100000x256xf32, #tpu.memory_space<hbm>>
        tpu.enqueue_indirect_dma source(%dma_start3A_527 : memref<100000x256xf32, #tpu.memory_space<hbm>>) target(%dma_start3A_521 : memref<128x256xf32, #tpu.memory_space<vmem>>) offsets(%dma_start3A_524 : memref<128xi32, #tpu.memory_space<vmem>>) semaphore(%arg9 : memref<!tpu.dma_semaphore, #tpu.memory_space<semaphore_mem>>)
      } else {
      }
      %mul3A_398 = arith.constant 3 : i32
      %mul3A_399 = arith.muli %scan3A_174, %mul3A_398 : i32
      %add3A_400 = arith.constant 2 : i32
      %add3A_401 = arith.addi %mul3A_399, %add3A_400 : i32
      %dma_wait3A_402 = arith.constant 2 : i32
      %dma_wait3A_403 = arith.constant 0 : i32
      %dma_wait3A_404 = arith.constant 0 : i32
      %dma_wait3A_405 = tpu.memref_slice %arg8[%dma_wait3A_402, %dma_wait3A_403, %dma_wait3A_404] : memref<3x128x256xf32, #tpu.memory_space<vmem>> -> memref<1x128x256xf32, #tpu.memory_space<vmem>>
      %dma_wait3A_406 = tpu.memref_squeeze %dma_wait3A_405 : memref<1x128x256xf32, #tpu.memory_space<vmem>> -> memref<128x256xf32, #tpu.memory_space<vmem>>
      %dma_wait3A_407 = arith.constant 0 : i32
      %dma_wait3A_408 = tpu.memref_slice %arg6[%add3A_401, %dma_wait3A_407] : memref<40x128xi32, #tpu.memory_space<vmem>> -> memref<1x128xi32, #tpu.memory_space<vmem>>
      %dma_wait3A_409 = tpu.memref_squeeze %dma_wait3A_408 : memref<1x128xi32, #tpu.memory_space<vmem>> -> memref<128xi32, #tpu.memory_space<vmem>>
      %dma_wait3A_410 = arith.constant 0 : i32
      %dma_wait3A_411 = arith.constant 0 : i32
      %dma_wait3A_412 = tpu.memref_slice %arg3[%dma_wait3A_410, %dma_wait3A_411] : memref<100000x256xf32, #tpu.memory_space<hbm>> -> memref<100000x256xf32, #tpu.memory_space<hbm>>
      tpu.wait_indirect_dma semaphore(%arg11 : memref<!tpu.dma_semaphore, #tpu.memory_space<semaphore_mem>>) src(%dma_wait3A_412 : memref<100000x256xf32, #tpu.memory_space<hbm>>) dst(%dma_wait3A_406 : memref<128x256xf32, #tpu.memory_space<vmem>>)
      %mul3A_413 = arith.constant 128 : i32
      %mul3A_414 = arith.muli %add3A_401, %mul3A_413 : i32
      %add3A_415 = arith.addi %mul3A_2, %mul3A_414 : i32
      %shift_right_arithmetic3A_416 = arith.constant 14 : i32
      %shift_right_arithmetic3A_417 = arith.shrsi %add3A_415, %shift_right_arithmetic3A_416 : i32
      %get3A_418 = arith.index_cast %shift_right_arithmetic3A_417 : i32 to index
      %get3A_419 = arith.constant 0 : index
      %get3A_420 = tpu.vector_load %arg7[%get3A_418, %get3A_419] {strides = array<i32>} : memref<10x256xf32, #tpu.memory_space<vmem>>, vector<1x16xf32>,
      %get3A_421 = vector.shape_cast %get3A_420 : vector<1x16xf32> to vector<16xf32>
      %get3A_422 = arith.index_cast %shift_right_arithmetic3A_417 : i32 to index
      %get3A_423 = arith.constant 16 : index
      %get3A_424 = tpu.vector_load %arg7[%get3A_422, %get3A_423] {strides = array<i32>} : memref<10x256xf32, #tpu.memory_space<vmem>>, vector<1x16xf32>,
      %get3A_425 = vector.shape_cast %get3A_424 : vector<1x16xf32> to vector<16xf32>
      %get3A_426 = arith.index_cast %shift_right_arithmetic3A_417 : i32 to index
      %get3A_427 = arith.constant 32 : index
      %get3A_428 = tpu.vector_load %arg7[%get3A_426, %get3A_427] {strides = array<i32>} : memref<10x256xf32, #tpu.memory_space<vmem>>, vector<1x16xf32>,
      %get3A_429 = vector.shape_cast %get3A_428 : vector<1x16xf32> to vector<16xf32>
      %get3A_430 = arith.index_cast %shift_right_arithmetic3A_417 : i32 to index
      %get3A_431 = arith.constant 48 : index
      %get3A_432 = tpu.vector_load %arg7[%get3A_430, %get3A_431] {strides = array<i32>} : memref<10x256xf32, #tpu.memory_space<vmem>>, vector<1x16xf32>,
      %get3A_433 = vector.shape_cast %get3A_432 : vector<1x16xf32> to vector<16xf32>
      %get3A_434 = arith.index_cast %shift_right_arithmetic3A_417 : i32 to index
      %get3A_435 = arith.constant 64 : index
      %get3A_436 = tpu.vector_load %arg7[%get3A_434, %get3A_435] {strides = array<i32>} : memref<10x256xf32, #tpu.memory_space<vmem>>, vector<1x16xf32>,
      %get3A_437 = vector.shape_cast %get3A_436 : vector<1x16xf32> to vector<16xf32>
      %get3A_438 = arith.index_cast %shift_right_arithmetic3A_417 : i32 to index
      %get3A_439 = arith.constant 80 : index
      %get3A_440 = tpu.vector_load %arg7[%get3A_438, %get3A_439] {strides = array<i32>} : memref<10x256xf32, #tpu.memory_space<vmem>>, vector<1x16xf32>,
      %get3A_441 = vector.shape_cast %get3A_440 : vector<1x16xf32> to vector<16xf32>
      %get3A_442 = arith.index_cast %shift_right_arithmetic3A_417 : i32 to index
      %get3A_443 = arith.constant 96 : index
      %get3A_444 = tpu.vector_load %arg7[%get3A_442, %get3A_443] {strides = array<i32>} : memref<10x256xf32, #tpu.memory_space<vmem>>, vector<1x16xf32>,
      %get3A_445 = vector.shape_cast %get3A_444 : vector<1x16xf32> to vector<16xf32>
      %get3A_446 = arith.index_cast %shift_right_arithmetic3A_417 : i32 to index
      %get3A_447 = arith.constant 112 : index
      %get3A_448 = tpu.vector_load %arg7[%get3A_446, %get3A_447] {strides = array<i32>} : memref<10x256xf32, #tpu.memory_space<vmem>>, vector<1x16xf32>,
      %get3A_449 = vector.shape_cast %get3A_448 : vector<1x16xf32> to vector<16xf32>
      %get3A_450 = arith.index_cast %shift_right_arithmetic3A_417 : i32 to index
      %get3A_451 = arith.constant 128 : index
      %get3A_452 = tpu.vector_load %arg7[%get3A_450, %get3A_451] {strides = array<i32>} : memref<10x256xf32, #tpu.memory_space<vmem>>, vector<1x16xf32>,
      %get3A_453 = vector.shape_cast %get3A_452 : vector<1x16xf32> to vector<16xf32>
      %get3A_454 = arith.index_cast %shift_right_arithmetic3A_417 : i32 to index
      %get3A_455 = arith.constant 144 : index
      %get3A_456 = tpu.vector_load %arg7[%get3A_454, %get3A_455] {strides = array<i32>} : memref<10x256xf32, #tpu.memory_space<vmem>>, vector<1x16xf32>,
      %get3A_457 = vector.shape_cast %get3A_456 : vector<1x16xf32> to vector<16xf32>
      %get3A_458 = arith.index_cast %shift_right_arithmetic3A_417 : i32 to index
      %get3A_459 = arith.constant 160 : index
      %get3A_460 = tpu.vector_load %arg7[%get3A_458, %get3A_459] {strides = array<i32>} : memref<10x256xf32, #tpu.memory_space<vmem>>, vector<1x16xf32>,
      %get3A_461 = vector.shape_cast %get3A_460 : vector<1x16xf32> to vector<16xf32>
      %get3A_462 = arith.index_cast %shift_right_arithmetic3A_417 : i32 to index
      %get3A_463 = arith.constant 176 : index
      %get3A_464 = tpu.vector_load %arg7[%get3A_462, %get3A_463] {strides = array<i32>} : memref<10x256xf32, #tpu.memory_space<vmem>>, vector<1x16xf32>,
      %get3A_465 = vector.shape_cast %get3A_464 : vector<1x16xf32> to vector<16xf32>
      %get3A_466 = arith.index_cast %shift_right_arithmetic3A_417 : i32 to index
      %get3A_467 = arith.constant 192 : index
      %get3A_468 = tpu.vector_load %arg7[%get3A_466, %get3A_467] {strides = array<i32>} : memref<10x256xf32, #tpu.memory_space<vmem>>, vector<1x16xf32>,
      %get3A_469 = vector.shape_cast %get3A_468 : vector<1x16xf32> to vector<16xf32>
      %get3A_470 = arith.index_cast %shift_right_arithmetic3A_417 : i32 to index
      %get3A_471 = arith.constant 208 : index
      %get3A_472 = tpu.vector_load %arg7[%get3A_470, %get3A_471] {strides = array<i32>} : memref<10x256xf32, #tpu.memory_space<vmem>>, vector<1x16xf32>,
      %get3A_473 = vector.shape_cast %get3A_472 : vector<1x16xf32> to vector<16xf32>
      %get3A_474 = arith.index_cast %shift_right_arithmetic3A_417 : i32 to index
      %get3A_475 = arith.constant 224 : index
      %get3A_476 = tpu.vector_load %arg7[%get3A_474, %get3A_475] {strides = array<i32>} : memref<10x256xf32, #tpu.memory_space<vmem>>, vector<1x16xf32>,
      %get3A_477 = vector.shape_cast %get3A_476 : vector<1x16xf32> to vector<16xf32>
      %get3A_478 = arith.index_cast %shift_right_arithmetic3A_417 : i32 to index
      %get3A_479 = arith.constant 240 : index
      %get3A_480 = tpu.vector_load %arg7[%get3A_478, %get3A_479] {strides = array<i32>} : memref<10x256xf32, #tpu.memory_space<vmem>>, vector<1x16xf32>,
      %get3A_481 = vector.shape_cast %get3A_480 : vector<1x16xf32> to vector<16xf32>
      %scan3A_482 = arith.constant 0 : i32
      %scan3A_483 = arith.constant 0 : i32
      %scan3A_484 = arith.constant 128 : i32
      %scan3A_485 = arith.addi %scan3A_483, %scan3A_484 : i32
      %scan3A_486 = arith.constant 1 : i32
      scf.for %scan3A_511 = %scan3A_483 to %scan3A_485 step %scan3A_486  : i32 {
        %get3A_512 = arith.constant 2 : i32
        %get3A_513 = arith.index_cast %get3A_512 : i32 to index
        %get3A_514 = arith.index_cast %scan3A_511 : i32 to index
        %get3A_515 = arith.constant 0 : index
        %get3A_516 = tpu.vector_load %arg8[%get3A_513, %get3A_514, %get3A_515] {strides = array<i32>} : memref<3x128x256xf32, #tpu.memory_space<vmem>>, vector<1x1x16xf32>,
        %get3A_517 = vector.shape_cast %get3A_516 : vector<1x1x16xf32> to vector<16xf32>
        %add3A_518 = arith.addf %get3A_517, %get3A_421 : vector<16xf32>
        %swap3A = arith.constant 2 : i32
        %swap3A_519 = arith.index_cast %swap3A : i32 to index
        %swap3A_520 = arith.index_cast %scan3A_511 : i32 to index
        %swap3A_521 = arith.constant 0 : index
        %swap3A_522 = tpu.vector_load %arg8[%swap3A_519, %swap3A_520, %swap3A_521] {strides = array<i32>} : memref<3x128x256xf32, #tpu.memory_space<vmem>>, vector<1x1x16xf32>,
        %swap3A_523 = vector.shape_cast %swap3A_522 : vector<1x1x16xf32> to vector<16xf32>
        %swap3A_524 = vector.shape_cast %add3A_518 : vector<16xf32> to vector<1x1x16xf32>
        tpu.vector_store %arg8[%swap3A_519, %swap3A_520, %swap3A_521], %swap3A_524 {strides = array<i32>} : memref<3x128x256xf32, #tpu.memory_space<vmem>>, vector<1x1x16xf32>,
        %get3A_525 = arith.constant 2 : i32
        %get3A_526 = arith.index_cast %get3A_525 : i32 to index
        %get3A_527 = arith.index_cast %scan3A_511 : i32 to index
        %get3A_528 = arith.constant 16 : index
        %get3A_529 = tpu.vector_load %arg8[%get3A_526, %get3A_527, %get3A_528] {strides = array<i32>} : memref<3x128x256xf32, #tpu.memory_space<vmem>>, vector<1x1x16xf32>,
        %get3A_530 = vector.shape_cast %get3A_529 : vector<1x1x16xf32> to vector<16xf32>
        %add3A_531 = arith.addf %get3A_530, %get3A_425 : vector<16xf32>
        %swap3A_532 = arith.constant 2 : i32
        %swap3A_533 = arith.index_cast %swap3A_532 : i32 to index
        %swap3A_534 = arith.index_cast %scan3A_511 : i32 to index
        %swap3A_535 = arith.constant 16 : index
        %swap3A_536 = tpu.vector_load %arg8[%swap3A_533, %swap3A_534, %swap3A_535] {strides = array<i32>} : memref<3x128x256xf32, #tpu.memory_space<vmem>>, vector<1x1x16xf32>,
        %swap3A_537 = vector.shape_cast %swap3A_536 : vector<1x1x16xf32> to vector<16xf32>
        %swap3A_538 = vector.shape_cast %add3A_531 : vector<16xf32> to vector<1x1x16xf32>
        tpu.vector_store %arg8[%swap3A_533, %swap3A_534, %swap3A_535], %swap3A_538 {strides = array<i32>} : memref<3x128x256xf32, #tpu.memory_space<vmem>>, vector<1x1x16xf32>,
        %get3A_539 = arith.constant 2 : i32
        %get3A_540 = arith.index_cast %get3A_539 : i32 to index
        %get3A_541 = arith.index_cast %scan3A_511 : i32 to index
        %get3A_542 = arith.constant 32 : index
        %get3A_543 = tpu.vector_load %arg8[%get3A_540, %get3A_541, %get3A_542] {strides = array<i32>} : memref<3x128x256xf32, #tpu.memory_space<vmem>>, vector<1x1x16xf32>,
        %get3A_544 = vector.shape_cast %get3A_543 : vector<1x1x16xf32> to vector<16xf32>
        %add3A_545 = arith.addf %get3A_544, %get3A_429 : vector<16xf32>
        %swap3A_546 = arith.constant 2 : i32
        %swap3A_547 = arith.index_cast %swap3A_546 : i32 to index
        %swap3A_548 = arith.index_cast %scan3A_511 : i32 to index
        %swap3A_549 = arith.constant 32 : index
        %swap3A_550 = tpu.vector_load %arg8[%swap3A_547, %swap3A_548, %swap3A_549] {strides = array<i32>} : memref<3x128x256xf32, #tpu.memory_space<vmem>>, vector<1x1x16xf32>,
        %swap3A_551 = vector.shape_cast %swap3A_550 : vector<1x1x16xf32> to vector<16xf32>
        %swap3A_552 = vector.shape_cast %add3A_545 : vector<16xf32> to vector<1x1x16xf32>
        tpu.vector_store %arg8[%swap3A_547, %swap3A_548, %swap3A_549], %swap3A_552 {strides = array<i32>} : memref<3x128x256xf32, #tpu.memory_space<vmem>>, vector<1x1x16xf32>,
        %get3A_553 = arith.constant 2 : i32
        %get3A_554 = arith.index_cast %get3A_553 : i32 to index
        %get3A_555 = arith.index_cast %scan3A_511 : i32 to index
        %get3A_556 = arith.constant 48 : index
        %get3A_557 = tpu.vector_load %arg8[%get3A_554, %get3A_555, %get3A_556] {strides = array<i32>} : memref<3x128x256xf32, #tpu.memory_space<vmem>>, vector<1x1x16xf32>,
        %get3A_558 = vector.shape_cast %get3A_557 : vector<1x1x16xf32> to vector<16xf32>
        %add3A_559 = arith.addf %get3A_558, %get3A_433 : vector<16xf32>
        %swap3A_560 = arith.constant 2 : i32
        %swap3A_561 = arith.index_cast %swap3A_560 : i32 to index
        %swap3A_562 = arith.index_cast %scan3A_511 : i32 to index
        %swap3A_563 = arith.constant 48 : index
        %swap3A_564 = tpu.vector_load %arg8[%swap3A_561, %swap3A_562, %swap3A_563] {strides = array<i32>} : memref<3x128x256xf32, #tpu.memory_space<vmem>>, vector<1x1x16xf32>,
        %swap3A_565 = vector.shape_cast %swap3A_564 : vector<1x1x16xf32> to vector<16xf32>
        %swap3A_566 = vector.shape_cast %add3A_559 : vector<16xf32> to vector<1x1x16xf32>
        tpu.vector_store %arg8[%swap3A_561, %swap3A_562, %swap3A_563], %swap3A_566 {strides = array<i32>} : memref<3x128x256xf32, #tpu.memory_space<vmem>>, vector<1x1x16xf32>,
        %get3A_567 = arith.constant 2 : i32
        %get3A_568 = arith.index_cast %get3A_567 : i32 to index
        %get3A_569 = arith.index_cast %scan3A_511 : i32 to index
        %get3A_570 = arith.constant 64 : index
        %get3A_571 = tpu.vector_load %arg8[%get3A_568, %get3A_569, %get3A_570] {strides = array<i32>} : memref<3x128x256xf32, #tpu.memory_space<vmem>>, vector<1x1x16xf32>,
        %get3A_572 = vector.shape_cast %get3A_571 : vector<1x1x16xf32> to vector<16xf32>
        %add3A_573 = arith.addf %get3A_572, %get3A_437 : vector<16xf32>
        %swap3A_574 = arith.constant 2 : i32
        %swap3A_575 = arith.index_cast %swap3A_574 : i32 to index
        %swap3A_576 = arith.index_cast %scan3A_511 : i32 to index
        %swap3A_577 = arith.constant 64 : index
        %swap3A_578 = tpu.vector_load %arg8[%swap3A_575, %swap3A_576, %swap3A_577] {strides = array<i32>} : memref<3x128x256xf32, #tpu.memory_space<vmem>>, vector<1x1x16xf32>,
        %swap3A_579 = vector.shape_cast %swap3A_578 : vector<1x1x16xf32> to vector<16xf32>
        %swap3A_580 = vector.shape_cast %add3A_573 : vector<16xf32> to vector<1x1x16xf32>
        tpu.vector_store %arg8[%swap3A_575, %swap3A_576, %swap3A_577], %swap3A_580 {strides = array<i32>} : memref<3x128x256xf32, #tpu.memory_space<vmem>>, vector<1x1x16xf32>,
        %get3A_581 = arith.constant 2 : i32
        %get3A_582 = arith.index_cast %get3A_581 : i32 to index
        %get3A_583 = arith.index_cast %scan3A_511 : i32 to index
        %get3A_584 = arith.constant 80 : index
        %get3A_585 = tpu.vector_load %arg8[%get3A_582, %get3A_583, %get3A_584] {strides = array<i32>} : memref<3x128x256xf32, #tpu.memory_space<vmem>>, vector<1x1x16xf32>,
        %get3A_586 = vector.shape_cast %get3A_585 : vector<1x1x16xf32> to vector<16xf32>
        %add3A_587 = arith.addf %get3A_586, %get3A_441 : vector<16xf32>
        %swap3A_588 = arith.constant 2 : i32
        %swap3A_589 = arith.index_cast %swap3A_588 : i32 to index
        %swap3A_590 = arith.index_cast %scan3A_511 : i32 to index
        %swap3A_591 = arith.constant 80 : index
        %swap3A_592 = tpu.vector_load %arg8[%swap3A_589, %swap3A_590, %swap3A_591] {strides = array<i32>} : memref<3x128x256xf32, #tpu.memory_space<vmem>>, vector<1x1x16xf32>,
        %swap3A_593 = vector.shape_cast %swap3A_592 : vector<1x1x16xf32> to vector<16xf32>
        %swap3A_594 = vector.shape_cast %add3A_587 : vector<16xf32> to vector<1x1x16xf32>
        tpu.vector_store %arg8[%swap3A_589, %swap3A_590, %swap3A_591], %swap3A_594 {strides = array<i32>} : memref<3x128x256xf32, #tpu.memory_space<vmem>>, vector<1x1x16xf32>,
        %get3A_595 = arith.constant 2 : i32
        %get3A_596 = arith.index_cast %get3A_595 : i32 to index
        %get3A_597 = arith.index_cast %scan3A_511 : i32 to index
        %get3A_598 = arith.constant 96 : index
        %get3A_599 = tpu.vector_load %arg8[%get3A_596, %get3A_597, %get3A_598] {strides = array<i32>} : memref<3x128x256xf32, #tpu.memory_space<vmem>>, vector<1x1x16xf32>,
        %get3A_600 = vector.shape_cast %get3A_599 : vector<1x1x16xf32> to vector<16xf32>
        %add3A_601 = arith.addf %get3A_600, %get3A_445 : vector<16xf32>
        %swap3A_602 = arith.constant 2 : i32
        %swap3A_603 = arith.index_cast %swap3A_602 : i32 to index
        %swap3A_604 = arith.index_cast %scan3A_511 : i32 to index
        %swap3A_605 = arith.constant 96 : index
        %swap3A_606 = tpu.vector_load %arg8[%swap3A_603, %swap3A_604, %swap3A_605] {strides = array<i32>} : memref<3x128x256xf32, #tpu.memory_space<vmem>>, vector<1x1x16xf32>,
        %swap3A_607 = vector.shape_cast %swap3A_606 : vector<1x1x16xf32> to vector<16xf32>
        %swap3A_608 = vector.shape_cast %add3A_601 : vector<16xf32> to vector<1x1x16xf32>
        tpu.vector_store %arg8[%swap3A_603, %swap3A_604, %swap3A_605], %swap3A_608 {strides = array<i32>} : memref<3x128x256xf32, #tpu.memory_space<vmem>>, vector<1x1x16xf32>,
        %get3A_609 = arith.constant 2 : i32
        %get3A_610 = arith.index_cast %get3A_609 : i32 to index
        %get3A_611 = arith.index_cast %scan3A_511 : i32 to index
        %get3A_612 = arith.constant 112 : index
        %get3A_613 = tpu.vector_load %arg8[%get3A_610, %get3A_611, %get3A_612] {strides = array<i32>} : memref<3x128x256xf32, #tpu.memory_space<vmem>>, vector<1x1x16xf32>,
        %get3A_614 = vector.shape_cast %get3A_613 : vector<1x1x16xf32> to vector<16xf32>
        %add3A_615 = arith.addf %get3A_614, %get3A_449 : vector<16xf32>
        %swap3A_616 = arith.constant 2 : i32
        %swap3A_617 = arith.index_cast %swap3A_616 : i32 to index
        %swap3A_618 = arith.index_cast %scan3A_511 : i32 to index
        %swap3A_619 = arith.constant 112 : index
        %swap3A_620 = tpu.vector_load %arg8[%swap3A_617, %swap3A_618, %swap3A_619] {strides = array<i32>} : memref<3x128x256xf32, #tpu.memory_space<vmem>>, vector<1x1x16xf32>,
        %swap3A_621 = vector.shape_cast %swap3A_620 : vector<1x1x16xf32> to vector<16xf32>
        %swap3A_622 = vector.shape_cast %add3A_615 : vector<16xf32> to vector<1x1x16xf32>
        tpu.vector_store %arg8[%swap3A_617, %swap3A_618, %swap3A_619], %swap3A_622 {strides = array<i32>} : memref<3x128x256xf32, #tpu.memory_space<vmem>>, vector<1x1x16xf32>,
        %get3A_623 = arith.constant 2 : i32
        %get3A_624 = arith.index_cast %get3A_623 : i32 to index
        %get3A_625 = arith.index_cast %scan3A_511 : i32 to index
        %get3A_626 = arith.constant 128 : index
        %get3A_627 = tpu.vector_load %arg8[%get3A_624, %get3A_625, %get3A_626] {strides = array<i32>} : memref<3x128x256xf32, #tpu.memory_space<vmem>>, vector<1x1x16xf32>,
        %get3A_628 = vector.shape_cast %get3A_627 : vector<1x1x16xf32> to vector<16xf32>
        %add3A_629 = arith.addf %get3A_628, %get3A_453 : vector<16xf32>
        %swap3A_630 = arith.constant 2 : i32
        %swap3A_631 = arith.index_cast %swap3A_630 : i32 to index
        %swap3A_632 = arith.index_cast %scan3A_511 : i32 to index
        %swap3A_633 = arith.constant 128 : index
        %swap3A_634 = tpu.vector_load %arg8[%swap3A_631, %swap3A_632, %swap3A_633] {strides = array<i32>} : memref<3x128x256xf32, #tpu.memory_space<vmem>>, vector<1x1x16xf32>,
        %swap3A_635 = vector.shape_cast %swap3A_634 : vector<1x1x16xf32> to vector<16xf32>
        %swap3A_636 = vector.shape_cast %add3A_629 : vector<16xf32> to vector<1x1x16xf32>
        tpu.vector_store %arg8[%swap3A_631, %swap3A_632, %swap3A_633], %swap3A_636 {strides = array<i32>} : memref<3x128x256xf32, #tpu.memory_space<vmem>>, vector<1x1x16xf32>,
        %get3A_637 = arith.constant 2 : i32
        %get3A_638 = arith.index_cast %get3A_637 : i32 to index
        %get3A_639 = arith.index_cast %scan3A_511 : i32 to index
        %get3A_640 = arith.constant 144 : index
        %get3A_641 = tpu.vector_load %arg8[%get3A_638, %get3A_639, %get3A_640] {strides = array<i32>} : memref<3x128x256xf32, #tpu.memory_space<vmem>>, vector<1x1x16xf32>,
        %get3A_642 = vector.shape_cast %get3A_641 : vector<1x1x16xf32> to vector<16xf32>
        %add3A_643 = arith.addf %get3A_642, %get3A_457 : vector<16xf32>
        %swap3A_644 = arith.constant 2 : i32
        %swap3A_645 = arith.index_cast %swap3A_644 : i32 to index
        %swap3A_646 = arith.index_cast %scan3A_511 : i32 to index
        %swap3A_647 = arith.constant 144 : index
        %swap3A_648 = tpu.vector_load %arg8[%swap3A_645, %swap3A_646, %swap3A_647] {strides = array<i32>} : memref<3x128x256xf32, #tpu.memory_space<vmem>>, vector<1x1x16xf32>,
        %swap3A_649 = vector.shape_cast %swap3A_648 : vector<1x1x16xf32> to vector<16xf32>
        %swap3A_650 = vector.shape_cast %add3A_643 : vector<16xf32> to vector<1x1x16xf32>
        tpu.vector_store %arg8[%swap3A_645, %swap3A_646, %swap3A_647], %swap3A_650 {strides = array<i32>} : memref<3x128x256xf32, #tpu.memory_space<vmem>>, vector<1x1x16xf32>,
        %get3A_651 = arith.constant 2 : i32
        %get3A_652 = arith.index_cast %get3A_651 : i32 to index
        %get3A_653 = arith.index_cast %scan3A_511 : i32 to index
        %get3A_654 = arith.constant 160 : index
        %get3A_655 = tpu.vector_load %arg8[%get3A_652, %get3A_653, %get3A_654] {strides = array<i32>} : memref<3x128x256xf32, #tpu.memory_space<vmem>>, vector<1x1x16xf32>,
        %get3A_656 = vector.shape_cast %get3A_655 : vector<1x1x16xf32> to vector<16xf32>
        %add3A_657 = arith.addf %get3A_656, %get3A_461 : vector<16xf32>
        %swap3A_658 = arith.constant 2 : i32
        %swap3A_659 = arith.index_cast %swap3A_658 : i32 to index
        %swap3A_660 = arith.index_cast %scan3A_511 : i32 to index
        %swap3A_661 = arith.constant 160 : index
        %swap3A_662 = tpu.vector_load %arg8[%swap3A_659, %swap3A_660, %swap3A_661] {strides = array<i32>} : memref<3x128x256xf32, #tpu.memory_space<vmem>>, vector<1x1x16xf32>,
        %swap3A_663 = vector.shape_cast %swap3A_662 : vector<1x1x16xf32> to vector<16xf32>
        %swap3A_664 = vector.shape_cast %add3A_657 : vector<16xf32> to vector<1x1x16xf32>
        tpu.vector_store %arg8[%swap3A_659, %swap3A_660, %swap3A_661], %swap3A_664 {strides = array<i32>} : memref<3x128x256xf32, #tpu.memory_space<vmem>>, vector<1x1x16xf32>,
        %get3A_665 = arith.constant 2 : i32
        %get3A_666 = arith.index_cast %get3A_665 : i32 to index
        %get3A_667 = arith.index_cast %scan3A_511 : i32 to index
        %get3A_668 = arith.constant 176 : index
        %get3A_669 = tpu.vector_load %arg8[%get3A_666, %get3A_667, %get3A_668] {strides = array<i32>} : memref<3x128x256xf32, #tpu.memory_space<vmem>>, vector<1x1x16xf32>,
        %get3A_670 = vector.shape_cast %get3A_669 : vector<1x1x16xf32> to vector<16xf32>
        %add3A_671 = arith.addf %get3A_670, %get3A_465 : vector<16xf32>
        %swap3A_672 = arith.constant 2 : i32
        %swap3A_673 = arith.index_cast %swap3A_672 : i32 to index
        %swap3A_674 = arith.index_cast %scan3A_511 : i32 to index
        %swap3A_675 = arith.constant 176 : index
        %swap3A_676 = tpu.vector_load %arg8[%swap3A_673, %swap3A_674, %swap3A_675] {strides = array<i32>} : memref<3x128x256xf32, #tpu.memory_space<vmem>>, vector<1x1x16xf32>,
        %swap3A_677 = vector.shape_cast %swap3A_676 : vector<1x1x16xf32> to vector<16xf32>
        %swap3A_678 = vector.shape_cast %add3A_671 : vector<16xf32> to vector<1x1x16xf32>
        tpu.vector_store %arg8[%swap3A_673, %swap3A_674, %swap3A_675], %swap3A_678 {strides = array<i32>} : memref<3x128x256xf32, #tpu.memory_space<vmem>>, vector<1x1x16xf32>,
        %get3A_679 = arith.constant 2 : i32
        %get3A_680 = arith.index_cast %get3A_679 : i32 to index
        %get3A_681 = arith.index_cast %scan3A_511 : i32 to index
        %get3A_682 = arith.constant 192 : index
        %get3A_683 = tpu.vector_load %arg8[%get3A_680, %get3A_681, %get3A_682] {strides = array<i32>} : memref<3x128x256xf32, #tpu.memory_space<vmem>>, vector<1x1x16xf32>,
        %get3A_684 = vector.shape_cast %get3A_683 : vector<1x1x16xf32> to vector<16xf32>
        %add3A_685 = arith.addf %get3A_684, %get3A_469 : vector<16xf32>
        %swap3A_686 = arith.constant 2 : i32
        %swap3A_687 = arith.index_cast %swap3A_686 : i32 to index
        %swap3A_688 = arith.index_cast %scan3A_511 : i32 to index
        %swap3A_689 = arith.constant 192 : index
        %swap3A_690 = tpu.vector_load %arg8[%swap3A_687, %swap3A_688, %swap3A_689] {strides = array<i32>} : memref<3x128x256xf32, #tpu.memory_space<vmem>>, vector<1x1x16xf32>,
        %swap3A_691 = vector.shape_cast %swap3A_690 : vector<1x1x16xf32> to vector<16xf32>
        %swap3A_692 = vector.shape_cast %add3A_685 : vector<16xf32> to vector<1x1x16xf32>
        tpu.vector_store %arg8[%swap3A_687, %swap3A_688, %swap3A_689], %swap3A_692 {strides = array<i32>} : memref<3x128x256xf32, #tpu.memory_space<vmem>>, vector<1x1x16xf32>,
        %get3A_693 = arith.constant 2 : i32
        %get3A_694 = arith.index_cast %get3A_693 : i32 to index
        %get3A_695 = arith.index_cast %scan3A_511 : i32 to index
        %get3A_696 = arith.constant 208 : index
        %get3A_697 = tpu.vector_load %arg8[%get3A_694, %get3A_695, %get3A_696] {strides = array<i32>} : memref<3x128x256xf32, #tpu.memory_space<vmem>>, vector<1x1x16xf32>,
        %get3A_698 = vector.shape_cast %get3A_697 : vector<1x1x16xf32> to vector<16xf32>
        %add3A_699 = arith.addf %get3A_698, %get3A_473 : vector<16xf32>
        %swap3A_700 = arith.constant 2 : i32
        %swap3A_701 = arith.index_cast %swap3A_700 : i32 to index
        %swap3A_702 = arith.index_cast %scan3A_511 : i32 to index
        %swap3A_703 = arith.constant 208 : index
        %swap3A_704 = tpu.vector_load %arg8[%swap3A_701, %swap3A_702, %swap3A_703] {strides = array<i32>} : memref<3x128x256xf32, #tpu.memory_space<vmem>>, vector<1x1x16xf32>,
        %swap3A_705 = vector.shape_cast %swap3A_704 : vector<1x1x16xf32> to vector<16xf32>
        %swap3A_706 = vector.shape_cast %add3A_699 : vector<16xf32> to vector<1x1x16xf32>
        tpu.vector_store %arg8[%swap3A_701, %swap3A_702, %swap3A_703], %swap3A_706 {strides = array<i32>} : memref<3x128x256xf32, #tpu.memory_space<vmem>>, vector<1x1x16xf32>,
        %get3A_707 = arith.constant 2 : i32
        %get3A_708 = arith.index_cast %get3A_707 : i32 to index
        %get3A_709 = arith.index_cast %scan3A_511 : i32 to index
        %get3A_710 = arith.constant 224 : index
        %get3A_711 = tpu.vector_load %arg8[%get3A_708, %get3A_709, %get3A_710] {strides = array<i32>} : memref<3x128x256xf32, #tpu.memory_space<vmem>>, vector<1x1x16xf32>,
        %get3A_712 = vector.shape_cast %get3A_711 : vector<1x1x16xf32> to vector<16xf32>
        %add3A_713 = arith.addf %get3A_712, %get3A_477 : vector<16xf32>
        %swap3A_714 = arith.constant 2 : i32
        %swap3A_715 = arith.index_cast %swap3A_714 : i32 to index
        %swap3A_716 = arith.index_cast %scan3A_511 : i32 to index
        %swap3A_717 = arith.constant 224 : index
        %swap3A_718 = tpu.vector_load %arg8[%swap3A_715, %swap3A_716, %swap3A_717] {strides = array<i32>} : memref<3x128x256xf32, #tpu.memory_space<vmem>>, vector<1x1x16xf32>,
        %swap3A_719 = vector.shape_cast %swap3A_718 : vector<1x1x16xf32> to vector<16xf32>
        %swap3A_720 = vector.shape_cast %add3A_713 : vector<16xf32> to vector<1x1x16xf32>
        tpu.vector_store %arg8[%swap3A_715, %swap3A_716, %swap3A_717], %swap3A_720 {strides = array<i32>} : memref<3x128x256xf32, #tpu.memory_space<vmem>>, vector<1x1x16xf32>,
        %get3A_721 = arith.constant 2 : i32
        %get3A_722 = arith.index_cast %get3A_721 : i32 to index
        %get3A_723 = arith.index_cast %scan3A_511 : i32 to index
        %get3A_724 = arith.constant 240 : index
        %get3A_725 = tpu.vector_load %arg8[%get3A_722, %get3A_723, %get3A_724] {strides = array<i32>} : memref<3x128x256xf32, #tpu.memory_space<vmem>>, vector<1x1x16xf32>,
        %get3A_726 = vector.shape_cast %get3A_725 : vector<1x1x16xf32> to vector<16xf32>
        %add3A_727 = arith.addf %get3A_726, %get3A_481 : vector<16xf32>
        %swap3A_728 = arith.constant 2 : i32
        %swap3A_729 = arith.index_cast %swap3A_728 : i32 to index
        %swap3A_730 = arith.index_cast %scan3A_511 : i32 to index
        %swap3A_731 = arith.constant 240 : index
        %swap3A_732 = tpu.vector_load %arg8[%swap3A_729, %swap3A_730, %swap3A_731] {strides = array<i32>} : memref<3x128x256xf32, #tpu.memory_space<vmem>>, vector<1x1x16xf32>,
        %swap3A_733 = vector.shape_cast %swap3A_732 : vector<1x1x16xf32> to vector<16xf32>
        %swap3A_734 = vector.shape_cast %add3A_727 : vector<16xf32> to vector<1x1x16xf32>
        tpu.vector_store %arg8[%swap3A_729, %swap3A_730, %swap3A_731], %swap3A_734 {strides = array<i32>} : memref<3x128x256xf32, #tpu.memory_space<vmem>>, vector<1x1x16xf32>,
      }
      %scan3A_487 = arith.constant 128 : i32
      %mul3A_488 = arith.constant 128 : i32
      %mul3A_489 = arith.muli %add3A_401, %mul3A_488 : i32
      %add3A_490 = arith.addi %mul3A_2, %mul3A_489 : i32
      %dma_start3A_491 = arith.constant 2 : i32
      %dma_start3A_492 = arith.constant 0 : i32
      %dma_start3A_493 = arith.constant 0 : i32
      %dma_start3A_494 = tpu.memref_slice %arg8[%dma_start3A_491, %dma_start3A_492, %dma_start3A_493] : memref<3x128x256xf32, #tpu.memory_space<vmem>> -> memref<1x128x256xf32, #tpu.memory_space<vmem>>
      %dma_start3A_495 = tpu.memref_squeeze %dma_start3A_494 : memref<1x128x256xf32, #tpu.memory_space<vmem>> -> memref<128x256xf32, #tpu.memory_space<vmem>>
      %dma_start3A_496 = arith.constant 0 : i32
      %dma_start3A_497 = tpu.memref_slice %arg5[%add3A_490, %dma_start3A_496] : memref<163840x256xf32, #tpu.memory_space<hbm>> -> memref<128x256xf32, #tpu.memory_space<hbm>>
      %dma_start3A_498 = arith.constant 0 : i32
      %dma_start3A_499 = tpu.memref_slice %arg5[%add3A_490, %dma_start3A_498] : memref<163840x256xf32, #tpu.memory_space<hbm>> -> memref<128x256xf32, #tpu.memory_space<hbm>>
      %dma_start3A_500 = arith.constant 0 : i32
      %dma_start3A_501 = arith.constant 0 : i32
      %dma_start3A_502 = tpu.memref_slice %arg8[%dma_start3A_491, %dma_start3A_500, %dma_start3A_501] : memref<3x128x256xf32, #tpu.memory_space<vmem>> -> memref<1x128x256xf32, #tpu.memory_space<vmem>>
      %dma_start3A_503 = tpu.memref_squeeze %dma_start3A_502 : memref<1x128x256xf32, #tpu.memory_space<vmem>> -> memref<128x256xf32, #tpu.memory_space<vmem>>
      tpu.enqueue_dma source(%dma_start3A_503 : memref<128x256xf32, #tpu.memory_space<vmem>>) target(%dma_start3A_499 : memref<128x256xf32, #tpu.memory_space<hbm>>) target_semaphore(%arg14 : memref<!tpu.dma_semaphore, #tpu.memory_space<semaphore_mem>>)
      %add3A_504 = arith.constant 2 : i32
      %add3A_505 = arith.addi %add3A_401, %add3A_504 : i32
      %lt3A_506 = arith.constant 40 : i32
      %lt3A_507 = arith.cmpi slt, %add3A_505, %lt3A_506 : i32
      %convert_element_type3A_508 = arith.extui %lt3A_507 : i1 to i32
      %cond3A_509 = arith.constant 0 : i32
      %cond3A_510 = arith.cmpi ne, %convert_element_type3A_508, %cond3A_509 : i32
      scf.if %cond3A_510 {
        %ge3A = arith.constant 1 : i32
        %ge3A_511 = arith.cmpi sge, %add3A_401, %ge3A : i32
        %convert_element_type3A_512 = arith.extui %ge3A_511 : i1 to i32
        %cond3A_513 = arith.constant 0 : i32
        %cond3A_514 = arith.cmpi ne, %convert_element_type3A_512, %cond3A_513 : i32
        scf.if %cond3A_514 {
          %sub3A = arith.constant 1 : i32
          %sub3A_528 = arith.subi %add3A_401, %sub3A : i32
          %mul3A_529 = arith.constant 128 : i32
          %mul3A_530 = arith.muli %sub3A_528, %mul3A_529 : i32
          %add3A_531 = arith.addi %mul3A_2, %mul3A_530 : i32
          %dma_wait3A_532 = arith.constant 1 : i32
          %dma_wait3A_533 = arith.constant 0 : i32
          %dma_wait3A_534 = arith.constant 0 : i32
          %dma_wait3A_535 = tpu.memref_slice %arg8[%dma_wait3A_532, %dma_wait3A_533, %dma_wait3A_534] : memref<3x128x256xf32, #tpu.memory_space<vmem>> -> memref<1x128x256xf32, #tpu.memory_space<vmem>>
          %dma_wait3A_536 = tpu.memref_squeeze %dma_wait3A_535 : memref<1x128x256xf32, #tpu.memory_space<vmem>> -> memref<128x256xf32, #tpu.memory_space<vmem>>
          %dma_wait3A_537 = arith.constant 0 : i32
          %dma_wait3A_538 = tpu.memref_slice %arg5[%add3A_531, %dma_wait3A_537] : memref<163840x256xf32, #tpu.memory_space<hbm>> -> memref<128x256xf32, #tpu.memory_space<hbm>>
          %dma_wait3A_539 = arith.constant 0 : i32
          %dma_wait3A_540 = tpu.memref_slice %arg5[%add3A_531, %dma_wait3A_539] : memref<163840x256xf32, #tpu.memory_space<hbm>> -> memref<128x256xf32, #tpu.memory_space<hbm>>
          %dma_wait3A_541 = arith.constant 0 : i32
          %dma_wait3A_542 = arith.constant 0 : i32
          %dma_wait3A_543 = tpu.memref_slice %arg8[%dma_wait3A_532, %dma_wait3A_541, %dma_wait3A_542] : memref<3x128x256xf32, #tpu.memory_space<vmem>> -> memref<1x128x256xf32, #tpu.memory_space<vmem>>
          %dma_wait3A_544 = tpu.memref_squeeze %dma_wait3A_543 : memref<1x128x256xf32, #tpu.memory_space<vmem>> -> memref<128x256xf32, #tpu.memory_space<vmem>>
          tpu.wait_dma2 semaphore(%arg13 : memref<!tpu.dma_semaphore, #tpu.memory_space<semaphore_mem>>) src(%dma_wait3A_544 : memref<128x256xf32, #tpu.memory_space<vmem>>) dst(%dma_wait3A_540 : memref<128x256xf32, #tpu.memory_space<hbm>>)
        } else {
        }
        %add3A_515 = arith.constant 2 : i32
        %add3A_516 = arith.addi %add3A_401, %add3A_515 : i32
        %dma_start3A_517 = arith.constant 1 : i32
        %dma_start3A_518 = arith.constant 0 : i32
        %dma_start3A_519 = arith.constant 0 : i32
        %dma_start3A_520 = tpu.memref_slice %arg8[%dma_start3A_517, %dma_start3A_518, %dma_start3A_519] : memref<3x128x256xf32, #tpu.memory_space<vmem>> -> memref<1x128x256xf32, #tpu.memory_space<vmem>>
        %dma_start3A_521 = tpu.memref_squeeze %dma_start3A_520 : memref<1x128x256xf32, #tpu.memory_space<vmem>> -> memref<128x256xf32, #tpu.memory_space<vmem>>
        %dma_start3A_522 = arith.constant 0 : i32
        %dma_start3A_523 = tpu.memref_slice %arg6[%add3A_516, %dma_start3A_522] : memref<40x128xi32, #tpu.memory_space<vmem>> -> memref<1x128xi32, #tpu.memory_space<vmem>>
        %dma_start3A_524 = tpu.memref_squeeze %dma_start3A_523 : memref<1x128xi32, #tpu.memory_space<vmem>> -> memref<128xi32, #tpu.memory_space<vmem>>
        %dma_start3A_525 = arith.constant 0 : i32
        %dma_start3A_526 = arith.constant 0 : i32
        %dma_start3A_527 = tpu.memref_slice %arg3[%dma_start3A_525, %dma_start3A_526] : memref<100000x256xf32, #tpu.memory_space<hbm>> -> memref<100000x256xf32, #tpu.memory_space<hbm>>
        tpu.enqueue_indirect_dma source(%dma_start3A_527 : memref<100000x256xf32, #tpu.memory_space<hbm>>) target(%dma_start3A_521 : memref<128x256xf32, #tpu.memory_space<vmem>>) offsets(%dma_start3A_524 : memref<128xi32, #tpu.memory_space<vmem>>) semaphore(%arg10 : memref<!tpu.dma_semaphore, #tpu.memory_space<semaphore_mem>>)
      } else {
      }
    }
    %scan3A_30 = arith.constant 13 : i32
    %dma_wait3A = arith.constant 39 : i32
    %dma_wait3A_31 = arith.constant 0 : i32
    %dma_wait3A_32 = arith.constant 0 : i32
    %dma_wait3A_33 = arith.constant 0 : i32
    %dma_wait3A_34 = tpu.memref_slice %arg8[%dma_wait3A_31, %dma_wait3A_32, %dma_wait3A_33] : memref<3x128x256xf32, #tpu.memory_space<vmem>> -> memref<1x128x256xf32, #tpu.memory_space<vmem>>
    %dma_wait3A_35 = tpu.memref_squeeze %dma_wait3A_34 : memref<1x128x256xf32, #tpu.memory_space<vmem>> -> memref<128x256xf32, #tpu.memory_space<vmem>>
    %dma_wait3A_36 = arith.constant 0 : i32
    %dma_wait3A_37 = tpu.memref_slice %arg6[%dma_wait3A, %dma_wait3A_36] : memref<40x128xi32, #tpu.memory_space<vmem>> -> memref<1x128xi32, #tpu.memory_space<vmem>>
    %dma_wait3A_38 = tpu.memref_squeeze %dma_wait3A_37 : memref<1x128xi32, #tpu.memory_space<vmem>> -> memref<128xi32, #tpu.memory_space<vmem>>
    %dma_wait3A_39 = arith.constant 0 : i32
    %dma_wait3A_40 = arith.constant 0 : i32
    %dma_wait3A_41 = tpu.memref_slice %arg3[%dma_wait3A_39, %dma_wait3A_40] : memref<100000x256xf32, #tpu.memory_space<hbm>> -> memref<100000x256xf32, #tpu.memory_space<hbm>>
    tpu.wait_indirect_dma semaphore(%arg9 : memref<!tpu.dma_semaphore, #tpu.memory_space<semaphore_mem>>) src(%dma_wait3A_41 : memref<100000x256xf32, #tpu.memory_space<hbm>>) dst(%dma_wait3A_35 : memref<128x256xf32, #tpu.memory_space<vmem>>)
    %add3A_42 = arith.constant 4992 : i32
    %add3A_43 = arith.addi %mul3A_2, %add3A_42 : i32
    %shift_right_arithmetic3A = arith.constant 14 : i32
    %shift_right_arithmetic3A_44 = arith.shrsi %add3A_43, %shift_right_arithmetic3A : i32
    %get3A = arith.index_cast %shift_right_arithmetic3A_44 : i32 to index
    %get3A_45 = arith.constant 0 : index
    %get3A_46 = tpu.vector_load %arg7[%get3A, %get3A_45] {strides = array<i32>} : memref<10x256xf32, #tpu.memory_space<vmem>>, vector<1x16xf32>,
    %get3A_47 = vector.shape_cast %get3A_46 : vector<1x16xf32> to vector<16xf32>
    %get3A_48 = arith.index_cast %shift_right_arithmetic3A_44 : i32 to index
    %get3A_49 = arith.constant 16 : index
    %get3A_50 = tpu.vector_load %arg7[%get3A_48, %get3A_49] {strides = array<i32>} : memref<10x256xf32, #tpu.memory_space<vmem>>, vector<1x16xf32>,
    %get3A_51 = vector.shape_cast %get3A_50 : vector<1x16xf32> to vector<16xf32>
    %get3A_52 = arith.index_cast %shift_right_arithmetic3A_44 : i32 to index
    %get3A_53 = arith.constant 32 : index
    %get3A_54 = tpu.vector_load %arg7[%get3A_52, %get3A_53] {strides = array<i32>} : memref<10x256xf32, #tpu.memory_space<vmem>>, vector<1x16xf32>,
    %get3A_55 = vector.shape_cast %get3A_54 : vector<1x16xf32> to vector<16xf32>
    %get3A_56 = arith.index_cast %shift_right_arithmetic3A_44 : i32 to index
    %get3A_57 = arith.constant 48 : index
    %get3A_58 = tpu.vector_load %arg7[%get3A_56, %get3A_57] {strides = array<i32>} : memref<10x256xf32, #tpu.memory_space<vmem>>, vector<1x16xf32>,
    %get3A_59 = vector.shape_cast %get3A_58 : vector<1x16xf32> to vector<16xf32>
    %get3A_60 = arith.index_cast %shift_right_arithmetic3A_44 : i32 to index
    %get3A_61 = arith.constant 64 : index
    %get3A_62 = tpu.vector_load %arg7[%get3A_60, %get3A_61] {strides = array<i32>} : memref<10x256xf32, #tpu.memory_space<vmem>>, vector<1x16xf32>,
    %get3A_63 = vector.shape_cast %get3A_62 : vector<1x16xf32> to vector<16xf32>
    %get3A_64 = arith.index_cast %shift_right_arithmetic3A_44 : i32 to index
    %get3A_65 = arith.constant 80 : index
    %get3A_66 = tpu.vector_load %arg7[%get3A_64, %get3A_65] {strides = array<i32>} : memref<10x256xf32, #tpu.memory_space<vmem>>, vector<1x16xf32>,
    %get3A_67 = vector.shape_cast %get3A_66 : vector<1x16xf32> to vector<16xf32>
    %get3A_68 = arith.index_cast %shift_right_arithmetic3A_44 : i32 to index
    %get3A_69 = arith.constant 96 : index
    %get3A_70 = tpu.vector_load %arg7[%get3A_68, %get3A_69] {strides = array<i32>} : memref<10x256xf32, #tpu.memory_space<vmem>>, vector<1x16xf32>,
    %get3A_71 = vector.shape_cast %get3A_70 : vector<1x16xf32> to vector<16xf32>
    %get3A_72 = arith.index_cast %shift_right_arithmetic3A_44 : i32 to index
    %get3A_73 = arith.constant 112 : index
    %get3A_74 = tpu.vector_load %arg7[%get3A_72, %get3A_73] {strides = array<i32>} : memref<10x256xf32, #tpu.memory_space<vmem>>, vector<1x16xf32>,
    %get3A_75 = vector.shape_cast %get3A_74 : vector<1x16xf32> to vector<16xf32>
    %get3A_76 = arith.index_cast %shift_right_arithmetic3A_44 : i32 to index
    %get3A_77 = arith.constant 128 : index
    %get3A_78 = tpu.vector_load %arg7[%get3A_76, %get3A_77] {strides = array<i32>} : memref<10x256xf32, #tpu.memory_space<vmem>>, vector<1x16xf32>,
    %get3A_79 = vector.shape_cast %get3A_78 : vector<1x16xf32> to vector<16xf32>
    %get3A_80 = arith.index_cast %shift_right_arithmetic3A_44 : i32 to index
    %get3A_81 = arith.constant 144 : index
    %get3A_82 = tpu.vector_load %arg7[%get3A_80, %get3A_81] {strides = array<i32>} : memref<10x256xf32, #tpu.memory_space<vmem>>, vector<1x16xf32>,
    %get3A_83 = vector.shape_cast %get3A_82 : vector<1x16xf32> to vector<16xf32>
    %get3A_84 = arith.index_cast %shift_right_arithmetic3A_44 : i32 to index
    %get3A_85 = arith.constant 160 : index
    %get3A_86 = tpu.vector_load %arg7[%get3A_84, %get3A_85] {strides = array<i32>} : memref<10x256xf32, #tpu.memory_space<vmem>>, vector<1x16xf32>,
    %get3A_87 = vector.shape_cast %get3A_86 : vector<1x16xf32> to vector<16xf32>
    %get3A_88 = arith.index_cast %shift_right_arithmetic3A_44 : i32 to index
    %get3A_89 = arith.constant 176 : index
    %get3A_90 = tpu.vector_load %arg7[%get3A_88, %get3A_89] {strides = array<i32>} : memref<10x256xf32, #tpu.memory_space<vmem>>, vector<1x16xf32>,
    %get3A_91 = vector.shape_cast %get3A_90 : vector<1x16xf32> to vector<16xf32>
    %get3A_92 = arith.index_cast %shift_right_arithmetic3A_44 : i32 to index
    %get3A_93 = arith.constant 192 : index
    %get3A_94 = tpu.vector_load %arg7[%get3A_92, %get3A_93] {strides = array<i32>} : memref<10x256xf32, #tpu.memory_space<vmem>>, vector<1x16xf32>,
    %get3A_95 = vector.shape_cast %get3A_94 : vector<1x16xf32> to vector<16xf32>
    %get3A_96 = arith.index_cast %shift_right_arithmetic3A_44 : i32 to index
    %get3A_97 = arith.constant 208 : index
    %get3A_98 = tpu.vector_load %arg7[%get3A_96, %get3A_97] {strides = array<i32>} : memref<10x256xf32, #tpu.memory_space<vmem>>, vector<1x16xf32>,
    %get3A_99 = vector.shape_cast %get3A_98 : vector<1x16xf32> to vector<16xf32>
    %get3A_100 = arith.index_cast %shift_right_arithmetic3A_44 : i32 to index
    %get3A_101 = arith.constant 224 : index
    %get3A_102 = tpu.vector_load %arg7[%get3A_100, %get3A_101] {strides = array<i32>} : memref<10x256xf32, #tpu.memory_space<vmem>>, vector<1x16xf32>,
    %get3A_103 = vector.shape_cast %get3A_102 : vector<1x16xf32> to vector<16xf32>
    %get3A_104 = arith.index_cast %shift_right_arithmetic3A_44 : i32 to index
    %get3A_105 = arith.constant 240 : index
    %get3A_106 = tpu.vector_load %arg7[%get3A_104, %get3A_105] {strides = array<i32>} : memref<10x256xf32, #tpu.memory_space<vmem>>, vector<1x16xf32>,
    %get3A_107 = vector.shape_cast %get3A_106 : vector<1x16xf32> to vector<16xf32>
    %scan3A_108 = arith.constant 0 : i32
    %scan3A_109 = arith.constant 0 : i32
    %scan3A_110 = arith.constant 128 : i32
    %scan3A_111 = arith.addi %scan3A_109, %scan3A_110 : i32
    %scan3A_112 = arith.constant 1 : i32
    scf.for %scan3A_174 = %scan3A_109 to %scan3A_111 step %scan3A_112  : i32 {
      %get3A_175 = arith.constant 0 : i32
      %get3A_176 = arith.index_cast %get3A_175 : i32 to index
      %get3A_177 = arith.index_cast %scan3A_174 : i32 to index
      %get3A_178 = arith.constant 0 : index
      %get3A_179 = tpu.vector_load %arg8[%get3A_176, %get3A_177, %get3A_178] {strides = array<i32>} : memref<3x128x256xf32, #tpu.memory_space<vmem>>, vector<1x1x16xf32>,
      %get3A_180 = vector.shape_cast %get3A_179 : vector<1x1x16xf32> to vector<16xf32>
      %add3A_181 = arith.addf %get3A_180, %get3A_47 : vector<16xf32>
      %swap3A = arith.constant 0 : i32
      %swap3A_182 = arith.index_cast %swap3A : i32 to index
      %swap3A_183 = arith.index_cast %scan3A_174 : i32 to index
      %swap3A_184 = arith.constant 0 : index
      %swap3A_185 = tpu.vector_load %arg8[%swap3A_182, %swap3A_183, %swap3A_184] {strides = array<i32>} : memref<3x128x256xf32, #tpu.memory_space<vmem>>, vector<1x1x16xf32>,
      %swap3A_186 = vector.shape_cast %swap3A_185 : vector<1x1x16xf32> to vector<16xf32>
      %swap3A_187 = vector.shape_cast %add3A_181 : vector<16xf32> to vector<1x1x16xf32>
      tpu.vector_store %arg8[%swap3A_182, %swap3A_183, %swap3A_184], %swap3A_187 {strides = array<i32>} : memref<3x128x256xf32, #tpu.memory_space<vmem>>, vector<1x1x16xf32>,
      %get3A_188 = arith.constant 0 : i32
      %get3A_189 = arith.index_cast %get3A_188 : i32 to index
      %get3A_190 = arith.index_cast %scan3A_174 : i32 to index
      %get3A_191 = arith.constant 16 : index
      %get3A_192 = tpu.vector_load %arg8[%get3A_189, %get3A_190, %get3A_191] {strides = array<i32>} : memref<3x128x256xf32, #tpu.memory_space<vmem>>, vector<1x1x16xf32>,
      %get3A_193 = vector.shape_cast %get3A_192 : vector<1x1x16xf32> to vector<16xf32>
      %add3A_194 = arith.addf %get3A_193, %get3A_51 : vector<16xf32>
      %swap3A_195 = arith.constant 0 : i32
      %swap3A_196 = arith.index_cast %swap3A_195 : i32 to index
      %swap3A_197 = arith.index_cast %scan3A_174 : i32 to index
      %swap3A_198 = arith.constant 16 : index
      %swap3A_199 = tpu.vector_load %arg8[%swap3A_196, %swap3A_197, %swap3A_198] {strides = array<i32>} : memref<3x128x256xf32, #tpu.memory_space<vmem>>, vector<1x1x16xf32>,
      %swap3A_200 = vector.shape_cast %swap3A_199 : vector<1x1x16xf32> to vector<16xf32>
      %swap3A_201 = vector.shape_cast %add3A_194 : vector<16xf32> to vector<1x1x16xf32>
      tpu.vector_store %arg8[%swap3A_196, %swap3A_197, %swap3A_198], %swap3A_201 {strides = array<i32>} : memref<3x128x256xf32, #tpu.memory_space<vmem>>, vector<1x1x16xf32>,
      %get3A_202 = arith.constant 0 : i32
      %get3A_203 = arith.index_cast %get3A_202 : i32 to index
      %get3A_204 = arith.index_cast %scan3A_174 : i32 to index
      %get3A_205 = arith.constant 32 : index
      %get3A_206 = tpu.vector_load %arg8[%get3A_203, %get3A_204, %get3A_205] {strides = array<i32>} : memref<3x128x256xf32, #tpu.memory_space<vmem>>, vector<1x1x16xf32>,
      %get3A_207 = vector.shape_cast %get3A_206 : vector<1x1x16xf32> to vector<16xf32>
      %add3A_208 = arith.addf %get3A_207, %get3A_55 : vector<16xf32>
      %swap3A_209 = arith.constant 0 : i32
      %swap3A_210 = arith.index_cast %swap3A_209 : i32 to index
      %swap3A_211 = arith.index_cast %scan3A_174 : i32 to index
      %swap3A_212 = arith.constant 32 : index
      %swap3A_213 = tpu.vector_load %arg8[%swap3A_210, %swap3A_211, %swap3A_212] {strides = array<i32>} : memref<3x128x256xf32, #tpu.memory_space<vmem>>, vector<1x1x16xf32>,
      %swap3A_214 = vector.shape_cast %swap3A_213 : vector<1x1x16xf32> to vector<16xf32>
      %swap3A_215 = vector.shape_cast %add3A_208 : vector<16xf32> to vector<1x1x16xf32>
      tpu.vector_store %arg8[%swap3A_210, %swap3A_211, %swap3A_212], %swap3A_215 {strides = array<i32>} : memref<3x128x256xf32, #tpu.memory_space<vmem>>, vector<1x1x16xf32>,
      %get3A_216 = arith.constant 0 : i32
      %get3A_217 = arith.index_cast %get3A_216 : i32 to index
      %get3A_218 = arith.index_cast %scan3A_174 : i32 to index
      %get3A_219 = arith.constant 48 : index
      %get3A_220 = tpu.vector_load %arg8[%get3A_217, %get3A_218, %get3A_219] {strides = array<i32>} : memref<3x128x256xf32, #tpu.memory_space<vmem>>, vector<1x1x16xf32>,
      %get3A_221 = vector.shape_cast %get3A_220 : vector<1x1x16xf32> to vector<16xf32>
      %add3A_222 = arith.addf %get3A_221, %get3A_59 : vector<16xf32>
      %swap3A_223 = arith.constant 0 : i32
      %swap3A_224 = arith.index_cast %swap3A_223 : i32 to index
      %swap3A_225 = arith.index_cast %scan3A_174 : i32 to index
      %swap3A_226 = arith.constant 48 : index
      %swap3A_227 = tpu.vector_load %arg8[%swap3A_224, %swap3A_225, %swap3A_226] {strides = array<i32>} : memref<3x128x256xf32, #tpu.memory_space<vmem>>, vector<1x1x16xf32>,
      %swap3A_228 = vector.shape_cast %swap3A_227 : vector<1x1x16xf32> to vector<16xf32>
      %swap3A_229 = vector.shape_cast %add3A_222 : vector<16xf32> to vector<1x1x16xf32>
      tpu.vector_store %arg8[%swap3A_224, %swap3A_225, %swap3A_226], %swap3A_229 {strides = array<i32>} : memref<3x128x256xf32, #tpu.memory_space<vmem>>, vector<1x1x16xf32>,
      %get3A_230 = arith.constant 0 : i32
      %get3A_231 = arith.index_cast %get3A_230 : i32 to index
      %get3A_232 = arith.index_cast %scan3A_174 : i32 to index
      %get3A_233 = arith.constant 64 : index
      %get3A_234 = tpu.vector_load %arg8[%get3A_231, %get3A_232, %get3A_233] {strides = array<i32>} : memref<3x128x256xf32, #tpu.memory_space<vmem>>, vector<1x1x16xf32>,
      %get3A_235 = vector.shape_cast %get3A_234 : vector<1x1x16xf32> to vector<16xf32>
      %add3A_236 = arith.addf %get3A_235, %get3A_63 : vector<16xf32>
      %swap3A_237 = arith.constant 0 : i32
      %swap3A_238 = arith.index_cast %swap3A_237 : i32 to index
      %swap3A_239 = arith.index_cast %scan3A_174 : i32 to index
      %swap3A_240 = arith.constant 64 : index
      %swap3A_241 = tpu.vector_load %arg8[%swap3A_238, %swap3A_239, %swap3A_240] {strides = array<i32>} : memref<3x128x256xf32, #tpu.memory_space<vmem>>, vector<1x1x16xf32>,
      %swap3A_242 = vector.shape_cast %swap3A_241 : vector<1x1x16xf32> to vector<16xf32>
      %swap3A_243 = vector.shape_cast %add3A_236 : vector<16xf32> to vector<1x1x16xf32>
      tpu.vector_store %arg8[%swap3A_238, %swap3A_239, %swap3A_240], %swap3A_243 {strides = array<i32>} : memref<3x128x256xf32, #tpu.memory_space<vmem>>, vector<1x1x16xf32>,
      %get3A_244 = arith.constant 0 : i32
      %get3A_245 = arith.index_cast %get3A_244 : i32 to index
      %get3A_246 = arith.index_cast %scan3A_174 : i32 to index
      %get3A_247 = arith.constant 80 : index
      %get3A_248 = tpu.vector_load %arg8[%get3A_245, %get3A_246, %get3A_247] {strides = array<i32>} : memref<3x128x256xf32, #tpu.memory_space<vmem>>, vector<1x1x16xf32>,
      %get3A_249 = vector.shape_cast %get3A_248 : vector<1x1x16xf32> to vector<16xf32>
      %add3A_250 = arith.addf %get3A_249, %get3A_67 : vector<16xf32>
      %swap3A_251 = arith.constant 0 : i32
      %swap3A_252 = arith.index_cast %swap3A_251 : i32 to index
      %swap3A_253 = arith.index_cast %scan3A_174 : i32 to index
      %swap3A_254 = arith.constant 80 : index
      %swap3A_255 = tpu.vector_load %arg8[%swap3A_252, %swap3A_253, %swap3A_254] {strides = array<i32>} : memref<3x128x256xf32, #tpu.memory_space<vmem>>, vector<1x1x16xf32>,
      %swap3A_256 = vector.shape_cast %swap3A_255 : vector<1x1x16xf32> to vector<16xf32>
      %swap3A_257 = vector.shape_cast %add3A_250 : vector<16xf32> to vector<1x1x16xf32>
      tpu.vector_store %arg8[%swap3A_252, %swap3A_253, %swap3A_254], %swap3A_257 {strides = array<i32>} : memref<3x128x256xf32, #tpu.memory_space<vmem>>, vector<1x1x16xf32>,
      %get3A_258 = arith.constant 0 : i32
      %get3A_259 = arith.index_cast %get3A_258 : i32 to index
      %get3A_260 = arith.index_cast %scan3A_174 : i32 to index
      %get3A_261 = arith.constant 96 : index
      %get3A_262 = tpu.vector_load %arg8[%get3A_259, %get3A_260, %get3A_261] {strides = array<i32>} : memref<3x128x256xf32, #tpu.memory_space<vmem>>, vector<1x1x16xf32>,
      %get3A_263 = vector.shape_cast %get3A_262 : vector<1x1x16xf32> to vector<16xf32>
      %add3A_264 = arith.addf %get3A_263, %get3A_71 : vector<16xf32>
      %swap3A_265 = arith.constant 0 : i32
      %swap3A_266 = arith.index_cast %swap3A_265 : i32 to index
      %swap3A_267 = arith.index_cast %scan3A_174 : i32 to index
      %swap3A_268 = arith.constant 96 : index
      %swap3A_269 = tpu.vector_load %arg8[%swap3A_266, %swap3A_267, %swap3A_268] {strides = array<i32>} : memref<3x128x256xf32, #tpu.memory_space<vmem>>, vector<1x1x16xf32>,
      %swap3A_270 = vector.shape_cast %swap3A_269 : vector<1x1x16xf32> to vector<16xf32>
      %swap3A_271 = vector.shape_cast %add3A_264 : vector<16xf32> to vector<1x1x16xf32>
      tpu.vector_store %arg8[%swap3A_266, %swap3A_267, %swap3A_268], %swap3A_271 {strides = array<i32>} : memref<3x128x256xf32, #tpu.memory_space<vmem>>, vector<1x1x16xf32>,
      %get3A_272 = arith.constant 0 : i32
      %get3A_273 = arith.index_cast %get3A_272 : i32 to index
      %get3A_274 = arith.index_cast %scan3A_174 : i32 to index
      %get3A_275 = arith.constant 112 : index
      %get3A_276 = tpu.vector_load %arg8[%get3A_273, %get3A_274, %get3A_275] {strides = array<i32>} : memref<3x128x256xf32, #tpu.memory_space<vmem>>, vector<1x1x16xf32>,
      %get3A_277 = vector.shape_cast %get3A_276 : vector<1x1x16xf32> to vector<16xf32>
      %add3A_278 = arith.addf %get3A_277, %get3A_75 : vector<16xf32>
      %swap3A_279 = arith.constant 0 : i32
      %swap3A_280 = arith.index_cast %swap3A_279 : i32 to index
      %swap3A_281 = arith.index_cast %scan3A_174 : i32 to index
      %swap3A_282 = arith.constant 112 : index
      %swap3A_283 = tpu.vector_load %arg8[%swap3A_280, %swap3A_281, %swap3A_282] {strides = array<i32>} : memref<3x128x256xf32, #tpu.memory_space<vmem>>, vector<1x1x16xf32>,
      %swap3A_284 = vector.shape_cast %swap3A_283 : vector<1x1x16xf32> to vector<16xf32>
      %swap3A_285 = vector.shape_cast %add3A_278 : vector<16xf32> to vector<1x1x16xf32>
      tpu.vector_store %arg8[%swap3A_280, %swap3A_281, %swap3A_282], %swap3A_285 {strides = array<i32>} : memref<3x128x256xf32, #tpu.memory_space<vmem>>, vector<1x1x16xf32>,
      %get3A_286 = arith.constant 0 : i32
      %get3A_287 = arith.index_cast %get3A_286 : i32 to index
      %get3A_288 = arith.index_cast %scan3A_174 : i32 to index
      %get3A_289 = arith.constant 128 : index
      %get3A_290 = tpu.vector_load %arg8[%get3A_287, %get3A_288, %get3A_289] {strides = array<i32>} : memref<3x128x256xf32, #tpu.memory_space<vmem>>, vector<1x1x16xf32>,
      %get3A_291 = vector.shape_cast %get3A_290 : vector<1x1x16xf32> to vector<16xf32>
      %add3A_292 = arith.addf %get3A_291, %get3A_79 : vector<16xf32>
      %swap3A_293 = arith.constant 0 : i32
      %swap3A_294 = arith.index_cast %swap3A_293 : i32 to index
      %swap3A_295 = arith.index_cast %scan3A_174 : i32 to index
      %swap3A_296 = arith.constant 128 : index
      %swap3A_297 = tpu.vector_load %arg8[%swap3A_294, %swap3A_295, %swap3A_296] {strides = array<i32>} : memref<3x128x256xf32, #tpu.memory_space<vmem>>, vector<1x1x16xf32>,
      %swap3A_298 = vector.shape_cast %swap3A_297 : vector<1x1x16xf32> to vector<16xf32>
      %swap3A_299 = vector.shape_cast %add3A_292 : vector<16xf32> to vector<1x1x16xf32>
      tpu.vector_store %arg8[%swap3A_294, %swap3A_295, %swap3A_296], %swap3A_299 {strides = array<i32>} : memref<3x128x256xf32, #tpu.memory_space<vmem>>, vector<1x1x16xf32>,
      %get3A_300 = arith.constant 0 : i32
      %get3A_301 = arith.index_cast %get3A_300 : i32 to index
      %get3A_302 = arith.index_cast %scan3A_174 : i32 to index
      %get3A_303 = arith.constant 144 : index
      %get3A_304 = tpu.vector_load %arg8[%get3A_301, %get3A_302, %get3A_303] {strides = array<i32>} : memref<3x128x256xf32, #tpu.memory_space<vmem>>, vector<1x1x16xf32>,
      %get3A_305 = vector.shape_cast %get3A_304 : vector<1x1x16xf32> to vector<16xf32>
      %add3A_306 = arith.addf %get3A_305, %get3A_83 : vector<16xf32>
      %swap3A_307 = arith.constant 0 : i32
      %swap3A_308 = arith.index_cast %swap3A_307 : i32 to index
      %swap3A_309 = arith.index_cast %scan3A_174 : i32 to index
      %swap3A_310 = arith.constant 144 : index
      %swap3A_311 = tpu.vector_load %arg8[%swap3A_308, %swap3A_309, %swap3A_310] {strides = array<i32>} : memref<3x128x256xf32, #tpu.memory_space<vmem>>, vector<1x1x16xf32>,
      %swap3A_312 = vector.shape_cast %swap3A_311 : vector<1x1x16xf32> to vector<16xf32>
      %swap3A_313 = vector.shape_cast %add3A_306 : vector<16xf32> to vector<1x1x16xf32>
      tpu.vector_store %arg8[%swap3A_308, %swap3A_309, %swap3A_310], %swap3A_313 {strides = array<i32>} : memref<3x128x256xf32, #tpu.memory_space<vmem>>, vector<1x1x16xf32>,
      %get3A_314 = arith.constant 0 : i32
      %get3A_315 = arith.index_cast %get3A_314 : i32 to index
      %get3A_316 = arith.index_cast %scan3A_174 : i32 to index
      %get3A_317 = arith.constant 160 : index
      %get3A_318 = tpu.vector_load %arg8[%get3A_315, %get3A_316, %get3A_317] {strides = array<i32>} : memref<3x128x256xf32, #tpu.memory_space<vmem>>, vector<1x1x16xf32>,
      %get3A_319 = vector.shape_cast %get3A_318 : vector<1x1x16xf32> to vector<16xf32>
      %add3A_320 = arith.addf %get3A_319, %get3A_87 : vector<16xf32>
      %swap3A_321 = arith.constant 0 : i32
      %swap3A_322 = arith.index_cast %swap3A_321 : i32 to index
      %swap3A_323 = arith.index_cast %scan3A_174 : i32 to index
      %swap3A_324 = arith.constant 160 : index
      %swap3A_325 = tpu.vector_load %arg8[%swap3A_322, %swap3A_323, %swap3A_324] {strides = array<i32>} : memref<3x128x256xf32, #tpu.memory_space<vmem>>, vector<1x1x16xf32>,
      %swap3A_326 = vector.shape_cast %swap3A_325 : vector<1x1x16xf32> to vector<16xf32>
      %swap3A_327 = vector.shape_cast %add3A_320 : vector<16xf32> to vector<1x1x16xf32>
      tpu.vector_store %arg8[%swap3A_322, %swap3A_323, %swap3A_324], %swap3A_327 {strides = array<i32>} : memref<3x128x256xf32, #tpu.memory_space<vmem>>, vector<1x1x16xf32>,
      %get3A_328 = arith.constant 0 : i32
      %get3A_329 = arith.index_cast %get3A_328 : i32 to index
      %get3A_330 = arith.index_cast %scan3A_174 : i32 to index
      %get3A_331 = arith.constant 176 : index
      %get3A_332 = tpu.vector_load %arg8[%get3A_329, %get3A_330, %get3A_331] {strides = array<i32>} : memref<3x128x256xf32, #tpu.memory_space<vmem>>, vector<1x1x16xf32>,
      %get3A_333 = vector.shape_cast %get3A_332 : vector<1x1x16xf32> to vector<16xf32>
      %add3A_334 = arith.addf %get3A_333, %get3A_91 : vector<16xf32>
      %swap3A_335 = arith.constant 0 : i32
      %swap3A_336 = arith.index_cast %swap3A_335 : i32 to index
      %swap3A_337 = arith.index_cast %scan3A_174 : i32 to index
      %swap3A_338 = arith.constant 176 : index
      %swap3A_339 = tpu.vector_load %arg8[%swap3A_336, %swap3A_337, %swap3A_338] {strides = array<i32>} : memref<3x128x256xf32, #tpu.memory_space<vmem>>, vector<1x1x16xf32>,
      %swap3A_340 = vector.shape_cast %swap3A_339 : vector<1x1x16xf32> to vector<16xf32>
      %swap3A_341 = vector.shape_cast %add3A_334 : vector<16xf32> to vector<1x1x16xf32>
      tpu.vector_store %arg8[%swap3A_336, %swap3A_337, %swap3A_338], %swap3A_341 {strides = array<i32>} : memref<3x128x256xf32, #tpu.memory_space<vmem>>, vector<1x1x16xf32>,
      %get3A_342 = arith.constant 0 : i32
      %get3A_343 = arith.index_cast %get3A_342 : i32 to index
      %get3A_344 = arith.index_cast %scan3A_174 : i32 to index
      %get3A_345 = arith.constant 192 : index
      %get3A_346 = tpu.vector_load %arg8[%get3A_343, %get3A_344, %get3A_345] {strides = array<i32>} : memref<3x128x256xf32, #tpu.memory_space<vmem>>, vector<1x1x16xf32>,
      %get3A_347 = vector.shape_cast %get3A_346 : vector<1x1x16xf32> to vector<16xf32>
      %add3A_348 = arith.addf %get3A_347, %get3A_95 : vector<16xf32>
      %swap3A_349 = arith.constant 0 : i32
      %swap3A_350 = arith.index_cast %swap3A_349 : i32 to index
      %swap3A_351 = arith.index_cast %scan3A_174 : i32 to index
      %swap3A_352 = arith.constant 192 : index
      %swap3A_353 = tpu.vector_load %arg8[%swap3A_350, %swap3A_351, %swap3A_352] {strides = array<i32>} : memref<3x128x256xf32, #tpu.memory_space<vmem>>, vector<1x1x16xf32>,
      %swap3A_354 = vector.shape_cast %swap3A_353 : vector<1x1x16xf32> to vector<16xf32>
      %swap3A_355 = vector.shape_cast %add3A_348 : vector<16xf32> to vector<1x1x16xf32>
      tpu.vector_store %arg8[%swap3A_350, %swap3A_351, %swap3A_352], %swap3A_355 {strides = array<i32>} : memref<3x128x256xf32, #tpu.memory_space<vmem>>, vector<1x1x16xf32>,
      %get3A_356 = arith.constant 0 : i32
      %get3A_357 = arith.index_cast %get3A_356 : i32 to index
      %get3A_358 = arith.index_cast %scan3A_174 : i32 to index
      %get3A_359 = arith.constant 208 : index
      %get3A_360 = tpu.vector_load %arg8[%get3A_357, %get3A_358, %get3A_359] {strides = array<i32>} : memref<3x128x256xf32, #tpu.memory_space<vmem>>, vector<1x1x16xf32>,
      %get3A_361 = vector.shape_cast %get3A_360 : vector<1x1x16xf32> to vector<16xf32>
      %add3A_362 = arith.addf %get3A_361, %get3A_99 : vector<16xf32>
      %swap3A_363 = arith.constant 0 : i32
      %swap3A_364 = arith.index_cast %swap3A_363 : i32 to index
      %swap3A_365 = arith.index_cast %scan3A_174 : i32 to index
      %swap3A_366 = arith.constant 208 : index
      %swap3A_367 = tpu.vector_load %arg8[%swap3A_364, %swap3A_365, %swap3A_366] {strides = array<i32>} : memref<3x128x256xf32, #tpu.memory_space<vmem>>, vector<1x1x16xf32>,
      %swap3A_368 = vector.shape_cast %swap3A_367 : vector<1x1x16xf32> to vector<16xf32>
      %swap3A_369 = vector.shape_cast %add3A_362 : vector<16xf32> to vector<1x1x16xf32>
      tpu.vector_store %arg8[%swap3A_364, %swap3A_365, %swap3A_366], %swap3A_369 {strides = array<i32>} : memref<3x128x256xf32, #tpu.memory_space<vmem>>, vector<1x1x16xf32>,
      %get3A_370 = arith.constant 0 : i32
      %get3A_371 = arith.index_cast %get3A_370 : i32 to index
      %get3A_372 = arith.index_cast %scan3A_174 : i32 to index
      %get3A_373 = arith.constant 224 : index
      %get3A_374 = tpu.vector_load %arg8[%get3A_371, %get3A_372, %get3A_373] {strides = array<i32>} : memref<3x128x256xf32, #tpu.memory_space<vmem>>, vector<1x1x16xf32>,
      %get3A_375 = vector.shape_cast %get3A_374 : vector<1x1x16xf32> to vector<16xf32>
      %add3A_376 = arith.addf %get3A_375, %get3A_103 : vector<16xf32>
      %swap3A_377 = arith.constant 0 : i32
      %swap3A_378 = arith.index_cast %swap3A_377 : i32 to index
      %swap3A_379 = arith.index_cast %scan3A_174 : i32 to index
      %swap3A_380 = arith.constant 224 : index
      %swap3A_381 = tpu.vector_load %arg8[%swap3A_378, %swap3A_379, %swap3A_380] {strides = array<i32>} : memref<3x128x256xf32, #tpu.memory_space<vmem>>, vector<1x1x16xf32>,
      %swap3A_382 = vector.shape_cast %swap3A_381 : vector<1x1x16xf32> to vector<16xf32>
      %swap3A_383 = vector.shape_cast %add3A_376 : vector<16xf32> to vector<1x1x16xf32>
      tpu.vector_store %arg8[%swap3A_378, %swap3A_379, %swap3A_380], %swap3A_383 {strides = array<i32>} : memref<3x128x256xf32, #tpu.memory_space<vmem>>, vector<1x1x16xf32>,
      %get3A_384 = arith.constant 0 : i32
      %get3A_385 = arith.index_cast %get3A_384 : i32 to index
      %get3A_386 = arith.index_cast %scan3A_174 : i32 to index
      %get3A_387 = arith.constant 240 : index
      %get3A_388 = tpu.vector_load %arg8[%get3A_385, %get3A_386, %get3A_387] {strides = array<i32>} : memref<3x128x256xf32, #tpu.memory_space<vmem>>, vector<1x1x16xf32>,
      %get3A_389 = vector.shape_cast %get3A_388 : vector<1x1x16xf32> to vector<16xf32>
      %add3A_390 = arith.addf %get3A_389, %get3A_107 : vector<16xf32>
      %swap3A_391 = arith.constant 0 : i32
      %swap3A_392 = arith.index_cast %swap3A_391 : i32 to index
      %swap3A_393 = arith.index_cast %scan3A_174 : i32 to index
      %swap3A_394 = arith.constant 240 : index
      %swap3A_395 = tpu.vector_load %arg8[%swap3A_392, %swap3A_393, %swap3A_394] {strides = array<i32>} : memref<3x128x256xf32, #tpu.memory_space<vmem>>, vector<1x1x16xf32>,
      %swap3A_396 = vector.shape_cast %swap3A_395 : vector<1x1x16xf32> to vector<16xf32>
      %swap3A_397 = vector.shape_cast %add3A_390 : vector<16xf32> to vector<1x1x16xf32>
      tpu.vector_store %arg8[%swap3A_392, %swap3A_393, %swap3A_394], %swap3A_397 {strides = array<i32>} : memref<3x128x256xf32, #tpu.memory_space<vmem>>, vector<1x1x16xf32>,
    }
    %scan3A_113 = arith.constant 128 : i32
    %add3A_114 = arith.constant 4992 : i32
    %add3A_115 = arith.addi %mul3A_2, %add3A_114 : i32
    %dma_start3A_116 = arith.constant 0 : i32
    %dma_start3A_117 = arith.constant 0 : i32
    %dma_start3A_118 = arith.constant 0 : i32
    %dma_start3A_119 = tpu.memref_slice %arg8[%dma_start3A_116, %dma_start3A_117, %dma_start3A_118] : memref<3x128x256xf32, #tpu.memory_space<vmem>> -> memref<1x128x256xf32, #tpu.memory_space<vmem>>
    %dma_start3A_120 = tpu.memref_squeeze %dma_start3A_119 : memref<1x128x256xf32, #tpu.memory_space<vmem>> -> memref<128x256xf32, #tpu.memory_space<vmem>>
    %dma_start3A_121 = arith.constant 0 : i32
    %dma_start3A_122 = tpu.memref_slice %arg5[%add3A_115, %dma_start3A_121] : memref<163840x256xf32, #tpu.memory_space<hbm>> -> memref<128x256xf32, #tpu.memory_space<hbm>>
    %dma_start3A_123 = arith.constant 0 : i32
    %dma_start3A_124 = tpu.memref_slice %arg5[%add3A_115, %dma_start3A_123] : memref<163840x256xf32, #tpu.memory_space<hbm>> -> memref<128x256xf32, #tpu.memory_space<hbm>>
    %dma_start3A_125 = arith.constant 0 : i32
    %dma_start3A_126 = arith.constant 0 : i32
    %dma_start3A_127 = tpu.memref_slice %arg8[%dma_start3A_116, %dma_start3A_125, %dma_start3A_126] : memref<3x128x256xf32, #tpu.memory_space<vmem>> -> memref<1x128x256xf32, #tpu.memory_space<vmem>>
    %dma_start3A_128 = tpu.memref_squeeze %dma_start3A_127 : memref<1x128x256xf32, #tpu.memory_space<vmem>> -> memref<128x256xf32, #tpu.memory_space<vmem>>
    tpu.enqueue_dma source(%dma_start3A_128 : memref<128x256xf32, #tpu.memory_space<vmem>>) target(%dma_start3A_124 : memref<128x256xf32, #tpu.memory_space<hbm>>) target_semaphore(%arg12 : memref<!tpu.dma_semaphore, #tpu.memory_space<semaphore_mem>>)
    %add3A_129 = arith.constant 4736 : i32
    %add3A_130 = arith.addi %mul3A_2, %add3A_129 : i32
    %dma_wait3A_131 = arith.constant 1 : i32
    %dma_wait3A_132 = arith.constant 0 : i32
    %dma_wait3A_133 = arith.constant 0 : i32
    %dma_wait3A_134 = tpu.memref_slice %arg8[%dma_wait3A_131, %dma_wait3A_132, %dma_wait3A_133] : memref<3x128x256xf32, #tpu.memory_space<vmem>> -> memref<1x128x256xf32, #tpu.memory_space<vmem>>
    %dma_wait3A_135 = tpu.memref_squeeze %dma_wait3A_134 : memref<1x128x256xf32, #tpu.memory_space<vmem>> -> memref<128x256xf32, #tpu.memory_space<vmem>>
    %dma_wait3A_136 = arith.constant 0 : i32
    %dma_wait3A_137 = tpu.memref_slice %arg5[%add3A_130, %dma_wait3A_136] : memref<163840x256xf32, #tpu.memory_space<hbm>> -> memref<128x256xf32, #tpu.memory_space<hbm>>
    %dma_wait3A_138 = arith.constant 0 : i32
    %dma_wait3A_139 = tpu.memref_slice %arg5[%add3A_130, %dma_wait3A_138] : memref<163840x256xf32, #tpu.memory_space<hbm>> -> memref<128x256xf32, #tpu.memory_space<hbm>>
    %dma_wait3A_140 = arith.constant 0 : i32
    %dma_wait3A_141 = arith.constant 0 : i32
    %dma_wait3A_142 = tpu.memref_slice %arg8[%dma_wait3A_131, %dma_wait3A_140, %dma_wait3A_141] : memref<3x128x256xf32, #tpu.memory_space<vmem>> -> memref<1x128x256xf32, #tpu.memory_space<vmem>>
    %dma_wait3A_143 = tpu.memref_squeeze %dma_wait3A_142 : memref<1x128x256xf32, #tpu.memory_space<vmem>> -> memref<128x256xf32, #tpu.memory_space<vmem>>
    tpu.wait_dma2 semaphore(%arg13 : memref<!tpu.dma_semaphore, #tpu.memory_space<semaphore_mem>>) src(%dma_wait3A_143 : memref<128x256xf32, #tpu.memory_space<vmem>>) dst(%dma_wait3A_139 : memref<128x256xf32, #tpu.memory_space<hbm>>)
    %add3A_144 = arith.constant 4864 : i32
    %add3A_145 = arith.addi %mul3A_2, %add3A_144 : i32
    %dma_wait3A_146 = arith.constant 2 : i32
    %dma_wait3A_147 = arith.constant 0 : i32
    %dma_wait3A_148 = arith.constant 0 : i32
    %dma_wait3A_149 = tpu.memref_slice %arg8[%dma_wait3A_146, %dma_wait3A_147, %dma_wait3A_148] : memref<3x128x256xf32, #tpu.memory_space<vmem>> -> memref<1x128x256xf32, #tpu.memory_space<vmem>>
    %dma_wait3A_150 = tpu.memref_squeeze %dma_wait3A_149 : memref<1x128x256xf32, #tpu.memory_space<vmem>> -> memref<128x256xf32, #tpu.memory_space<vmem>>
    %dma_wait3A_151 = arith.constant 0 : i32
    %dma_wait3A_152 = tpu.memref_slice %arg5[%add3A_145, %dma_wait3A_151] : memref<163840x256xf32, #tpu.memory_space<hbm>> -> memref<128x256xf32, #tpu.memory_space<hbm>>
    %dma_wait3A_153 = arith.constant 0 : i32
    %dma_wait3A_154 = tpu.memref_slice %arg5[%add3A_145, %dma_wait3A_153] : memref<163840x256xf32, #tpu.memory_space<hbm>> -> memref<128x256xf32, #tpu.memory_space<hbm>>
    %dma_wait3A_155 = arith.constant 0 : i32
    %dma_wait3A_156 = arith.constant 0 : i32
    %dma_wait3A_157 = tpu.memref_slice %arg8[%dma_wait3A_146, %dma_wait3A_155, %dma_wait3A_156] : memref<3x128x256xf32, #tpu.memory_space<vmem>> -> memref<1x128x256xf32, #tpu.memory_space<vmem>>
    %dma_wait3A_158 = tpu.memref_squeeze %dma_wait3A_157 : memref<1x128x256xf32, #tpu.memory_space<vmem>> -> memref<128x256xf32, #tpu.memory_space<vmem>>
    tpu.wait_dma2 semaphore(%arg14 : memref<!tpu.dma_semaphore, #tpu.memory_space<semaphore_mem>>) src(%dma_wait3A_158 : memref<128x256xf32, #tpu.memory_space<vmem>>) dst(%dma_wait3A_154 : memref<128x256xf32, #tpu.memory_space<hbm>>)
    %add3A_159 = arith.constant 4992 : i32
    %add3A_160 = arith.addi %mul3A_2, %add3A_159 : i32
    %dma_wait3A_161 = arith.constant 0 : i32
    %dma_wait3A_162 = arith.constant 0 : i32
    %dma_wait3A_163 = arith.constant 0 : i32
    %dma_wait3A_164 = tpu.memref_slice %arg8[%dma_wait3A_161, %dma_wait3A_162, %dma_wait3A_163] : memref<3x128x256xf32, #tpu.memory_space<vmem>> -> memref<1x128x256xf32, #tpu.memory_space<vmem>>
    %dma_wait3A_165 = tpu.memref_squeeze %dma_wait3A_164 : memref<1x128x256xf32, #tpu.memory_space<vmem>> -> memref<128x256xf32, #tpu.memory_space<vmem>>
    %dma_wait3A_166 = arith.constant 0 : i32
    %dma_wait3A_167 = tpu.memref_slice %arg5[%add3A_160, %dma_wait3A_166] : memref<163840x256xf32, #tpu.memory_space<hbm>> -> memref<128x256xf32, #tpu.memory_space<hbm>>
    %dma_wait3A_168 = arith.constant 0 : i32
    %dma_wait3A_169 = tpu.memref_slice %arg5[%add3A_160, %dma_wait3A_168] : memref<163840x256xf32, #tpu.memory_space<hbm>> -> memref<128x256xf32, #tpu.memory_space<hbm>>
    %dma_wait3A_170 = arith.constant 0 : i32
    %dma_wait3A_171 = arith.constant 0 : i32
    %dma_wait3A_172 = tpu.memref_slice %arg8[%dma_wait3A_161, %dma_wait3A_170, %dma_wait3A_171] : memref<3x128x256xf32, #tpu.memory_space<vmem>> -> memref<1x128x256xf32, #tpu.memory_space<vmem>>
    %dma_wait3A_173 = tpu.memref_squeeze %dma_wait3A_172 : memref<1x128x256xf32, #tpu.memory_space<vmem>> -> memref<128x256xf32, #tpu.memory_space<vmem>>
    tpu.wait_dma2 semaphore(%arg12 : memref<!tpu.dma_semaphore, #tpu.memory_space<semaphore_mem>>) src(%dma_wait3A_173 : memref<128x256xf32, #tpu.memory_space<vmem>>) dst(%dma_wait3A_169 : memref<128x256xf32, #tpu.memory_space<hbm>>)
    return
  }
}

</mosaic_0001>

<sc_bundles>
// kernel: kernel.3.cloned.1.call-start
scs
__scs_entry_jumppad:
0x0: {  	(pc) =	sbr.rel $0x88, $3  }
0x1: {  	(tag) =	ssettag $0x0;
	lr =	simm.s32 $0x1  }
0x2: {  	[smem:$0x3F9E] =	sst lr;
	_ =	strace $0xD0000000  }
0x3: {  	_ = 	snop  }
0x4: {  	_ = 	snop  }
0x5: {  	_ = 	snop  }
0x6: {  	_ = 	snop  }
0x7: {  	_ = 	snop  }
__scs_overlays_trampoline_lowered:
0x8: {  	[smem:$0x3FAD] =	sst s0  }
0x9: {  	[smem:$0x3FAE] =	sst s1  }
0xa: {  	[smem:$0x3FAF] =	sst s2  }
0xb: {  	[smem:$0x3FB0] =	sst s3  }
0xc: {  	[smem:$0x3FB1] =	sst s4  }
0xd: {  	[smem:$0x3FB2] =	sst s5  }
0xe: {  	[smem:$0x3FB3] =	sst s6  }
0xf: {  	[smem:$0x3FB4] =	sst s7  }
0x10: {  	[smem:$0x3FB5] =	sst s8  }
0x11: {  	[smem:$0x3FB6] =	sst s9;
	s0 =	simm.s32 @!p0 $0x0  }
0x12: {  	s1 =	sld [smem:$0x3F9C];
	s0 =	simm.s32 @p0 $0x1  }
0x13: {  	[smem:$0x3FB7] =	sst s0;
	s0 =	simm.s32 @!p1 $0x0  }
0x14: {  	s2 =	sld [smem:$0x3F9B];
	s0 =	simm.s32 @p1 $0x1  }
0x15: {  	[smem:$0x3FB8] =	sst s0;
	s0 =	simm.s32 @!p2 $0x0  }
0x16: {  	s3 =	sld [smem:$0x3FDB];
	s0 =	simm.s32 @p2 $0x1  }
0x17: {  	s4 =	simm.s32 $0x1BF5;
	[smem:$0x3FBA] =	sst s0  }
0x18: {  	s0 =	sld [smem:$0x3F9D];
	_ =	swait.ge [sflag:s4], $0x0  }
0x19: {  	s7 =	sld [smem:$0x3F9E]  }
0x1a: {  	s8 =	sadd.s32 $0xFFFFE003, lr  }
0x1b: {  	s9 =	sadd.s32 $0xFFFFFEF7, lr;
	s5 =	simm.s32 $0xFFFFFFFF;
	p2 =	slt.u32 s8, $0xFFFFF086  }
0x1c: {  	p1 =	slt.u32 s9, $0xF7A;
	s5 =	simm.s32 @!p2 $0x0  }
0x1d: {  	s5 =	simm.s32 @p1 $0x1;
	p0 =	seq.s32 s7, s2  }
0x1e: {  	s7 =	smul.u32 @!p0 $0xF7A, s2;
	p2 =	seq.s32 @!p0 s5, $0x0  }
0x1f: {  	s9 =	smul.u32 $0xF7A, s1;
	s8 =	simm.s32 @!p0 $0x1BF5;
	p2 =	por !p2, p0  }
0x20: {  	[sflag:s8] =	ssyncset.s32 @!p0 $0xFFFFF086;
	s6 =	sadd.s32 @!p0 s3, s7;
	s7 =	simm.s32 @!p0 $0x108  }
0x21: {  	s3 =	sadd.s32 s3, s9;
	s6 =	sadd.s32 @!p0 $0x88, s6;
	s7 =	simm.s32 @p2 $0x1082  }
0x22: {  	[simem:s7], [sflag:s8] =	dma.local @!p0 [hbm:s6], $0xF7A  }
0x23: {  	s9 =	sor.u32 $0xD0000000, s2;
	s6 =	simm.s32 $0x108;
	_ =	swait.ge @!p0 [sflag:s8], $0x0  }
0x24: {  	s3 =	sadd.s32 $0x88, s3;
	s6 =	simm.s32 @!p1 $0x1082;
	[sflag:s4] =	ssyncset.s32 $0xFFFFF086  }
0x25: {  	[simem:s6], [sflag:s4] =	dma.local [hbm:s3], $0xF7A  }
0x26: {  	[smem:$0x3F9E] =	sst s1;
	(tag) =	ssettag s2;
	_ =	strace s9  }
0x27: {  	s1 =	sld [smem:$0x3FAE]  }
0x28: {  	s2 =	sld [smem:$0x3FAF]  }
0x29: {  	s4 =	sld [smem:$0x3FB1]  }
0x2a: {  	p0 =	seq.s32 s5, $0x0;
	s5 =	sld [smem:$0x3FB2]  }
0x2b: {  	s6 =	sld [smem:$0x3FB3]  }
0x2c: {  	s7 =	sld [smem:$0x3FB4]  }
0x2d: {  	s3 =	simm.s32 $0x108;
	s8 =	sld [smem:$0x3FB5]  }
0x2e: {  	s3 =	simm.s32 @!p0 $0x1082;
	s9 =	sld [smem:$0x3FB6]  }
0x2f: {  	lr =	sadd.s32 s0, s3;
	s0 =	sld [smem:$0x3FAD]  }
0x30: {  	s3 =	sld [smem:$0x3FB0]  }
0x31: {  	[smem:$0x3FB9] =	sst s10  }
0x32: {  	s10 =	sld [smem:$0x3FB7];
	_ =	sdelay $0x3  }
0x33: {  	p0 =	seq.s32 s10, $0x1;
	s10 =	sld [smem:$0x3FB9];
	_ =	sdelay $0x3  }
0x34: {  	[smem:$0x3FB9] =	sst s10  }
0x35: {  	s10 =	sld [smem:$0x3FB8];
	_ =	sdelay $0x3  }
0x36: {  	p1 =	seq.s32 s10, $0x1;
	s10 =	sld [smem:$0x3FB9];
	_ =	sdelay $0x3  }
0x37: {  	[smem:$0x3FB9] =	sst s10  }
0x38: {  	s10 =	sld [smem:$0x3FBA]  }
0x39: {  	_ = 	snop;
	(pc) =	sbr.ind lr, $3  }
0x3a: {  	_ = 	snop  }
0x3b: {  	_ = 	snop  }
0x3c: {  	p2 =	seq.s32 s10, $0x1;
	s10 =	sld [smem:$0x3FB9]  }
0x3d: {  	_ =	shalt  }
0x3e: {  	_ =	shalt  }
0x3f: {  	_ =	shalt  }
0x40: {  	_ =	shalt  }
0x41: {  	_ =	shalt  }
0x42: {  	_ =	shalt  }
0x43: {  	_ =	shalt  }
0x44: {  	_ =	shalt  }
0x45: {  	_ =	shalt  }
0x46: {  	_ =	shalt  }
0x47: {  	_ =	shalt  }
0x48: {  	_ =	shalt  }
0x49: {  	_ =	shalt  }
0x4a: {  	_ =	shalt  }
0x4b: {  	_ =	shalt  }
0x4c: {  	_ =	shalt  }
0x4d: {  	_ =	shalt  }
0x4e: {  	_ =	shalt  }
0x4f: {  	_ =	shalt  }
0x50: {  	_ =	shalt  }
0x51: {  	_ =	shalt  }
0x52: {  	_ =	shalt  }
0x53: {  	_ =	shalt  }
0x54: {  	_ =	shalt  }
0x55: {  	_ =	shalt  }
0x56: {  	_ =	shalt  }
0x57: {  	_ =	shalt  }
0x58: {  	_ =	shalt  }
0x59: {  	_ =	shalt  }
0x5a: {  	_ =	shalt  }
0x5b: {  	_ =	shalt  }
0x5c: {  	_ =	shalt  }
0x5d: {  	_ =	shalt  }
0x5e: {  	_ =	shalt  }
0x5f: {  	_ =	shalt  }
0x60: {  	_ =	shalt  }
0x61: {  	_ =	shalt  }
0x62: {  	_ =	shalt  }
0x63: {  	_ =	shalt  }
0x64: {  	_ =	shalt  }
0x65: {  	_ =	shalt  }
0x66: {  	_ =	shalt  }
0x67: {  	_ =	shalt  }
0x68: {  	_ =	shalt  }
0x69: {  	_ =	shalt  }
0x6a: {  	_ =	shalt  }
0x6b: {  	_ =	shalt  }
0x6c: {  	_ =	shalt  }
0x6d: {  	_ =	shalt  }
0x6e: {  	_ =	shalt  }
0x6f: {  	_ =	shalt  }
0x70: {  	_ =	shalt  }
0x71: {  	_ =	shalt  }
0x72: {  	_ =	shalt  }
0x73: {  	_ =	shalt  }
0x74: {  	_ =	shalt  }
0x75: {  	_ =	shalt  }
0x76: {  	_ =	shalt  }
0x77: {  	_ =	shalt  }
0x78: {  	_ =	shalt  }
0x79: {  	_ =	shalt  }
0x7a: {  	_ =	shalt  }
0x7b: {  	_ =	shalt  }
0x7c: {  	_ =	shalt  }
0x7d: {  	_ =	shalt  }
0x7e: {  	_ =	shalt  }
0x7f: {  	_ =	shalt  }
0x80: {  	_ =	shalt  }
0x81: {  	_ =	shalt  }
0x82: {  	_ =	shalt  }
0x83: {  	_ =	shalt  }
0x84: {  	_ =	shalt  }
0x85: {  	_ =	shalt  }
0x86: {  	_ =	shalt  }
0x87: {  	_ =	shalt  }
.Lfunc_end0:
.L_simem_size_0:
called_computation_lowered:
.L_overlay_start_0:
0x88: {  	s2 =	sld [smem:$0x3FD9]  }
0x89: {  	s3 =	sld [smem:$0x3FFE];
	_ =	sdelay $0x1  }
0x8a: {  	s1 =	srdreg.scid  }
0x8b: {  	s0 =	sand.u32 $0x1, s1  }
0x8c: {  	s17 =	sshll.u32 s0, $0xA;
	s2 =	sadd.s32 s3, s2  }
0x8d: {  	s2 =	sadd.s32 s2, s17  }
0x8e: {  	[smem:$0x3FC5] =	sst s2  }
0x8f: {  	_ = 	snop  }
0x90: {  	s2 =	sld [smem:$0x3FC8]  }
0x91: {  	s18 =	sld [smem:$0x3FC7]  }
0x92: {  	s4 =	sld [smem:$0x3FD0];
	(tm) =	ssettm $0x1  }
0x93: {  	s5 =	sld [smem:$0x3FFB];
	_ =	sdelay $0x3  }
0x94: {  	_ =	strace s5  }
0x95: {  	s5 =	sld [smem:$0x3FFC];
	_ =	sdelay $0x3  }
0x96: {  	_ =	strace s5  }
0x97: {  	s5 =	sld [smem:$0x3FFD];
	_ =	sdelay $0x3  }
0x98: {  	_ =	strace s5  }
0x99: {  	_ =	strace $0x8FFFFFFF  }
0x9a: {  	s19 =	sld [smem:$0x3FDB];
	_ =	sdelay $0x1  }
0x9b: {  	s6 =	simm.s32 $_scs_section_size  }
0x9c: {  	s7 =	simm.s32 $_size__tile_overlayer_lowered;
	s8 =	simm.s32 $_tile_overlayer_lowered  }
0x9d: {  	s22 =	simm.s32 $0x1BFF;
	s21 =	sshll.u32 s8, $0x1;
	s5 =	sadd.s32 s6, s19  }
0x9e: {  	s9 =	simm.s32 $0x0;
	s20 =	sshll.u32 s7, $0x1;
	s7 =	sadd.s32 s21, s5  }
0x9f: {  	[timem:s9], [sflag:s22] =	dma.local [hbm:s7], s20  }
0xa0: {  	_ =	swait.ge [sflag:s22], s20  }
0xa1: {  	s6 =	ssub.s32 $0x0, s20;
	[sflag:s22] =	ssyncset.done $0x0  }
0xa2: {  	[sflag:s22] =	ssyncadd.s32 s6;
	_ =	sdelay $0x1  }
0xa3: {  	s23 =	simm.s32 $0x1B8B  }
0xa4: {  	_ =	swait.ge [sflag:s23], $0x1  }
0xa5: {  	[sflag:s23] =	ssyncset.done $0x0  }
0xa6: {  	s25 =	simm.s32 $0x1B8E;
	s24 =	sld [smem:$0x3FFE];
	[sflag:s23] =	ssyncadd.s32 $0xFFFFFFFF  }
0xa7: {  	s26 =	simm.s32 $execute0_lowered;
	[smem:$0x3FD2] =	sst s25  }
0xa8: {  	s7 =	sshll.u32 s26, $0x1;
	_ =	strace $0x80000046;
	[dreg:$0x1] =	wrdreg $0xFFFFFFFF  }
0xa9: {  	s28 =	simm.s32 $_size_execute0_lowered;
	s5 =	sadd.s32 s5, s7;
	[dreg:$0x0] =	wrdreg $0x0  }
0xaa: {  	s7 =	sshll.u32 s28, $0x1;
	[dreg:$0x2] =	wrdreg s5  }
0xab: {  	[dreg:$0x3] =	wrdreg s7  }
0xac: {  	[dreg:$0x4] =	wrdreg $0xC0  }
0xad: {  	_ =	task [dreg:s9], $0x5FFFF  }
0xae: {  	[dreg:$0x1] =	wrdreg $0xFFFFFFFF  }
0xaf: {  	[dreg:$0x0] =	wrdreg $0x60  }
0xb0: {  	[dreg:$0x2] =	wrdreg s24  }
0xb1: {  	[dreg:$0x3] =	wrdreg s2  }
0xb2: {  	[dreg:$0x4] =	wrdreg s18  }
0xb3: {  	[dreg:$0x5] =	wrdreg s4  }
0xb4: {  	[dreg:$0x6] =	wrdreg $0x9  }
0xb5: {  	_ =	task.clear_ibuf [dreg:s9], $0x7FFFF;
	_ =	strace $0x90000046  }
0xb6: {  	s29 =	simm.s32 $0x9;
	_ =	strace $0x80000048  }
0xb7: {  	_ =	swait.ge [sflag:s29], $0x1  }
0xb8: {  	[sflag:s29] =	ssyncadd.s32 $0xFFFFFFFF  }
0xb9: {  	_ =	strace $0x90000048  }
0xba: {  	_ =	sfence  }
0xbb: {  	s30 =	sld [smem:$0x0];
	_ =	sdelay $0x2  }
0xbc: {  	s31 =	sshll.u32 s1, $0xD;
	s1 =	sshrl.u32 s1, $0x2  }
0xbd: {  	s3 =	sand.u32 $0x4000, s31;
	s1 =	sadd.s32 s1, s30  }
0xbe: {  	s0 =	sor.u32 s3, s0;
	s1 =	sshll.u32 s1, $0x11  }
0xbf: {  	s0 =	sor.u32 s1, s0  }
0xc0: {  	s0 =	sadd.s32 $0x8F2B, s0  }
0xc1: {  	[sflag:s0] =	ssyncadd.remote.s32 $0x1  }
0xc2: {  	_ =	sfence.sel $0xFFFF  }
0xc3: {  	[dreg:$0x0] =	wrdreg $0xFFFFFFFF;
	(pc) =	sbr.abs _section_cstart, $3  }
0xc4: {  	[dreg:$0x1] =	wrdreg $0xFFFFFFFF  }
0xc5: {  	_ =	task.clear_ibuf [dreg:s9], $0x2FFFF;
	_ =	strace $0x9FFFFFFF  }
0xc6: {  	(tm) =	ssettm $0x7FFFFFFF  }
0xc7: {  	_ =	shalt  }
tec
execute0_lowered:
.L_overlay_start_1:
0x0: {  	(tag) =	ssettag $0x1  }
0x1: {  	s0 =	rddreg [dreg:$0x0]  }
0x2: {  	s1 =	rddreg [dreg:$0x1];
	s2 =	srdreg.scid  }
0x3: {  	s3 =	stileid.u32;
	s4 =	rddreg [dreg:$0x3]  }
0x4: {  	s5 =	simm.s32 $0x0;
	s15 =	simm.s32 $0x2400;
	s28 =	simm.s32 $0x8400  }
0x5: {  	s29 =	simm.s32 $0x8C00;
	s30 =	simm.s32 $0x9400;
	s31 =	simm.s32 $0x9C00  }
0x6: {  	s9 =	simm.s32 $0x1;
	s13 =	simm.s32 $0x12400;
	s16 =	simm.s32 $0x18400  }
0x7: {  	s17 =	simm.s32 $0x19400;
	s11 =	simm.s32 $0x19C00;
	s18 =	simm.s32 $0x2  }
0x8: {  	s12 =	simm.s32 $0x4;
	s2 =	sand.u32 $0x1, s2;
	s3 =	sshll.u32 s3, $0x1  }
0x9: {  	s19 =	simm.s32 $0x3;
	s3 =	sor.u32 s2, s3;
	s2 =	ssub.s32 $0x2, s2  }
0xa: {  	[smem:$0x7FF] =	sst s5;
	s6 =	smul.u32 $0x1400, s3;
	s21 =	sshrl.u32 s2, $0x1  }
0xb: {  	s10 =	simm.s32 $0x5;
	_ =	strace $0x80000047;
	s2 =	ssub.s32 s2, s21  }
0xc: {  	s3 =	sshrl.u32 s6, $0x3;
	s7 =	sadd.s32 $0x1380, s6;
	s26 =	smax.u32 s2, $0x1  }
0xd: {  	s2 =	simm.s32 $0xA400;
	s0 =	sadd.s32 s3, s0;
	s22 =	sshrl.u32 s7, $0x6  }
0xe: {  	s8 =	sshrl.u32 s7, $0x7;
	s25 =	sshll.u32 s7, $0x5;
	[dreg:$0x9] =	wrdreg s26  }
0xf: {  	s0 =	sadd.s32 $0x400, s0;
	s23 =	sand.u32 $0x1800, s22;
	s24 =	sand.u32 $0x380, s8  }
0x10: {  	s26 =	simm.s32 $0x7C00;
	[dreg:$0x5] =	wrdreg s0;
	s3 =	sor.u32 s24, s23  }
0x11: {  	v2 =	vlaneseq.u32;
	s7 =	simm.s32 $0x18C00;
	s0 =	sadd.s32 s4, s25;
	[dreg:$0x6] =	wrdreg s3  }
0x12: {  	vm0 =	vmmov $0xffff;
	v1 =	vshrl.u32 v2, $0x3;
	s8 =	sor.u32 $0x80, s6;
	s3 =	sadd.s32 $0x1400, s3;
	[dreg:$0x8] =	wrdreg s0  }
0x13: {  	v0 =	vand.u32 $0x7, v2;
	v2 =	vor.u32 $0x8, v2;
	v1 =	vmul.u32 $0x8, v1;
	s25 =	simm.s32 $0x7400;
	[dreg:$0x7] =	wrdreg s3;
	s3 =	simm.s32 $0x0  }
.LBB2_1:
0x14: {  	[dreg:$0xa] =	wrdreg s3  }
0x15: {  	s0 =	rddreg [dreg:$0x5];
	s20 =	simm.s32 $0x7  }
0x16: {  	[tilespmem:s5], [sflag:$0x7] =	stream.linear.gather [hbm4b:s0+s5], $0x1400, $0x38;
	[tilespmem:$0x1A400] =	vst v63  }
0x17: {  	_ =	swait.ge [sflag:s20], $0x1400  }
0x18: {  	[sflag:s20] =	ssyncset.done $0x0  }
0x19: {  	[sflag:s20] =	ssyncadd.s32 $0xFFFFEC00  }
0x1a: {  	s14 =	simm.s32 $0x1400;
	s21 =	rddreg [dreg:$0x2]  }
0x1b: {  	[tilespmem:s14], [sflag:$0x7] =	stream.linear.gather [hbm4b:s21+s5], $0x1000, $0x38;
	[tilespmem:$0x1A400] =	vst v63  }
0x1c: {  	_ =	swait.ge [sflag:s20], $0x1000  }
0x1d: {  	[sflag:s20] =	ssyncset.done $0x0  }
0x1e: {  	[sflag:s20] =	ssyncadd.s32 $0xFFFFF000  }
0x1f: {  	v3 =	vld [tilespmem:$0x0];
	_ =	sdelay $0x4  }
0x20: {  	v4 =	vshll.u32 v3, $0x1  }
0x21: {  	v3 =	vand.u32 $0x7, v3;
	v4 =	vand.u32 $0xFFFFFFF0, v4  }
0x22: {  	v3 =	vor.u32 v3, v4  }
0x23: {  	v4 =	vperm.xlane v3, v0;
	_ =	sdelay $0x1  }
0x24: {  	v3 =	vperm.xlane v3, v2;
	v4 =	vadd.s32 v1, v4;
	_ =	sdelay $0x1  }
0x25: {  	v3 =	vadd.s32 v1, v3;
	_ =	sdelay $0x2  }
0x26: {  	[tilespmem:s15], [sflag:$0x1] =	stream.indirect_vreg.gather [hbm4b:s1+s5], $0x80, v4, vm0, $0xb8;
	[tilespmem:$0x1A400] =	vst v63  }
0x27: {  	s22 =	simm.s32 $0x2C00  }
0x28: {  	[tilespmem:s22], [sflag:$0x1] =	stream.indirect_vreg.gather [hbm4b:s1+s5], $0x80, v3, vm0, $0xb8;
	[tilespmem:$0x1A400] =	vst v63  }
0x29: {  	v3 =	vld [tilespmem:$0x10];
	_ =	sdelay $0x4  }
0x2a: {  	v49 =	vshll.u32 v3, $0x1  }
0x2b: {  	v3 =	vand.u32 $0x7, v3;
	v4 =	vand.u32 $0xFFFFFFF0, v49  }
0x2c: {  	v3 =	vor.u32 v3, v4  }
0x2d: {  	v4 =	vperm.xlane v3, v0;
	_ =	sdelay $0x1  }
0x2e: {  	v3 =	vperm.xlane v3, v2;
	v4 =	vadd.s32 v1, v4;
	_ =	sdelay $0x1  }
0x2f: {  	v3 =	vadd.s32 v1, v3;
	_ =	sdelay $0x1  }
0x30: {  	s23 =	simm.s32 $0x3400  }
0x31: {  	[tilespmem:s23], [sflag:$0x1] =	stream.indirect_vreg.gather [hbm4b:s1+s5], $0x80, v4, vm0, $0xb8;
	[tilespmem:$0x1A400] =	vst v63  }
0x32: {  	s24 =	simm.s32 $0x3C00  }
0x33: {  	[tilespmem:s24], [sflag:$0x1] =	stream.indirect_vreg.gather [hbm4b:s1+s5], $0x80, v3, vm0, $0xb8;
	[tilespmem:$0x1A400] =	vst v63  }
0x34: {  	v3 =	vld [tilespmem:$0x20];
	_ =	sdelay $0x4  }
0x35: {  	v50 =	vshll.u32 v3, $0x1  }
0x36: {  	v3 =	vand.u32 $0x7, v3;
	v4 =	vand.u32 $0xFFFFFFF0, v50  }
0x37: {  	v3 =	vor.u32 v3, v4  }
0x38: {  	v4 =	vperm.xlane v3, v0;
	_ =	sdelay $0x1  }
0x39: {  	v3 =	vperm.xlane v3, v2;
	v4 =	vadd.s32 v1, v4;
	_ =	sdelay $0x1  }
0x3a: {  	v3 =	vadd.s32 v1, v3;
	_ =	sdelay $0x1  }
0x3b: {  	s3 =	simm.s32 $0x4400  }
0x3c: {  	[tilespmem:s3], [sflag:$0x1] =	stream.indirect_vreg.gather [hbm4b:s1+s5], $0x80, v4, vm0, $0xb8;
	[tilespmem:$0x1A400] =	vst v63  }
0x3d: {  	s14 =	simm.s32 $0x4C00  }
0x3e: {  	[tilespmem:s14], [sflag:$0x1] =	stream.indirect_vreg.gather [hbm4b:s1+s5], $0x80, v3, vm0, $0xb8;
	[tilespmem:$0x1A400] =	vst v63  }
0x3f: {  	v3 =	vld [tilespmem:$0x30];
	_ =	sdelay $0x4  }
0x40: {  	v51 =	vshll.u32 v3, $0x1  }
0x41: {  	v3 =	vand.u32 $0x7, v3;
	v4 =	vand.u32 $0xFFFFFFF0, v51  }
0x42: {  	v3 =	vor.u32 v3, v4  }
0x43: {  	v4 =	vperm.xlane v3, v0;
	_ =	sdelay $0x1  }
0x44: {  	v3 =	vperm.xlane v3, v2;
	v4 =	vadd.s32 v1, v4;
	_ =	sdelay $0x1  }
0x45: {  	v3 =	vadd.s32 v1, v3;
	_ =	sdelay $0x1  }
0x46: {  	s20 =	simm.s32 $0x5400  }
0x47: {  	[tilespmem:s20], [sflag:$0x1] =	stream.indirect_vreg.gather [hbm4b:s1+s5], $0x80, v4, vm0, $0xb8;
	[tilespmem:$0x1A400] =	vst v63  }
0x48: {  	s21 =	simm.s32 $0x5C00  }
0x49: {  	[tilespmem:s21], [sflag:$0x1] =	stream.indirect_vreg.gather [hbm4b:s1+s5], $0x80, v3, vm0, $0xb8;
	[tilespmem:$0x1A400] =	vst v63  }
0x4a: {  	v3 =	vld [tilespmem:$0x40];
	_ =	sdelay $0x4  }
0x4b: {  	v52 =	vshll.u32 v3, $0x1  }
0x4c: {  	v3 =	vand.u32 $0x7, v3;
	v4 =	vand.u32 $0xFFFFFFF0, v52  }
0x4d: {  	v3 =	vor.u32 v3, v4  }
0x4e: {  	v4 =	vperm.xlane v3, v0;
	_ =	sdelay $0x1  }
0x4f: {  	v3 =	vperm.xlane v3, v2;
	v4 =	vadd.s32 v1, v4;
	_ =	sdelay $0x1  }
0x50: {  	v3 =	vadd.s32 v1, v3;
	_ =	sdelay $0x1  }
0x51: {  	s22 =	simm.s32 $0x6400  }
0x52: {  	[tilespmem:s22], [sflag:$0x1] =	stream.indirect_vreg.gather [hbm4b:s1+s5], $0x80, v4, vm0, $0xb8;
	[tilespmem:$0x1A400] =	vst v63  }
0x53: {  	s23 =	simm.s32 $0x6C00  }
0x54: {  	[tilespmem:s23], [sflag:$0x1] =	stream.indirect_vreg.gather [hbm4b:s1+s5], $0x80, v3, vm0, $0xb8;
	[tilespmem:$0x1A400] =	vst v63  }
0x55: {  	v3 =	vld [tilespmem:$0x50];
	_ =	sdelay $0x4  }
0x56: {  	v53 =	vshll.u32 v3, $0x1  }
0x57: {  	v3 =	vand.u32 $0x7, v3;
	v4 =	vand.u32 $0xFFFFFFF0, v53  }
0x58: {  	v3 =	vor.u32 v3, v4  }
0x59: {  	v4 =	vperm.xlane v3, v0;
	_ =	sdelay $0x1  }
0x5a: {  	v3 =	vperm.xlane v3, v2;
	v4 =	vadd.s32 v1, v4;
	_ =	sdelay $0x1  }
0x5b: {  	v3 =	vadd.s32 v1, v3;
	_ =	sdelay $0x2  }
0x5c: {  	[tilespmem:s25], [sflag:$0x1] =	stream.indirect_vreg.gather [hbm4b:s1+s5], $0x80, v4, vm0, $0xb8;
	[tilespmem:$0x1A400] =	vst v63  }
0x5d: {  	_ = 	snop  }
0x5e: {  	[tilespmem:s26], [sflag:$0x1] =	stream.indirect_vreg.gather [hbm4b:s1+s5], $0x80, v3, vm0, $0xb8;
	[tilespmem:$0x1A400] =	vst v63  }
0x5f: {  	v3 =	vld [tilespmem:$0x60];
	_ =	sdelay $0x4  }
0x60: {  	v54 =	vshll.u32 v3, $0x1  }
0x61: {  	v3 =	vand.u32 $0x7, v3;
	v4 =	vand.u32 $0xFFFFFFF0, v54  }
0x62: {  	v3 =	vor.u32 v3, v4  }
0x63: {  	v4 =	vperm.xlane v3, v0;
	_ =	sdelay $0x1  }
0x64: {  	v3 =	vperm.xlane v3, v2;
	v4 =	vadd.s32 v1, v4;
	_ =	sdelay $0x1  }
0x65: {  	v3 =	vadd.s32 v1, v3;
	_ =	sdelay $0x2  }
0x66: {  	[tilespmem:s28], [sflag:$0x1] =	stream.indirect_vreg.gather [hbm4b:s1+s5], $0x80, v4, vm0, $0xb8;
	[tilespmem:$0x1A400] =	vst v63  }
0x67: {  	_ = 	snop  }
0x68: {  	[tilespmem:s29], [sflag:$0x1] =	stream.indirect_vreg.gather [hbm4b:s1+s5], $0x80, v3, vm0, $0xb8;
	[tilespmem:$0x1A400] =	vst v63  }
0x69: {  	v3 =	vld [tilespmem:$0x70];
	_ =	sdelay $0x4  }
0x6a: {  	v55 =	vshll.u32 v3, $0x1  }
0x6b: {  	v3 =	vand.u32 $0x7, v3;
	v4 =	vand.u32 $0xFFFFFFF0, v55  }
0x6c: {  	v3 =	vor.u32 v3, v4  }
0x6d: {  	v4 =	vperm.xlane v3, v0;
	_ =	sdelay $0x1  }
0x6e: {  	v3 =	vperm.xlane v3, v2;
	v4 =	vadd.s32 v1, v4;
	_ =	sdelay $0x1  }
0x6f: {  	v3 =	vadd.s32 v1, v3;
	_ =	sdelay $0x2  }
0x70: {  	[tilespmem:s30], [sflag:$0x1] =	stream.indirect_vreg.gather [hbm4b:s1+s5], $0x80, v4, vm0, $0xb8;
	[tilespmem:$0x1A400] =	vst v63  }
0x71: {  	_ = 	snop  }
0x72: {  	[tilespmem:s31], [sflag:$0x1] =	stream.indirect_vreg.gather [hbm4b:s1+s5], $0x80, v3, vm0, $0xb8;
	[tilespmem:$0x1A400] =	vst v63  }
0x73: {  	v3 =	vld [tilespmem:$0x80];
	_ =	sdelay $0x4  }
0x74: {  	v56 =	vshll.u32 v3, $0x1  }
0x75: {  	v3 =	vand.u32 $0x7, v3;
	v4 =	vand.u32 $0xFFFFFFF0, v56  }
0x76: {  	v3 =	vor.u32 v3, v4  }
0x77: {  	v4 =	vperm.xlane v3, v0;
	_ =	sdelay $0x1  }
0x78: {  	v3 =	vperm.xlane v3, v2;
	v4 =	vadd.s32 v1, v4;
	_ =	sdelay $0x1  }
0x79: {  	v3 =	vadd.s32 v1, v3;
	_ =	sdelay $0x2  }
0x7a: {  	[tilespmem:s2], [sflag:$0x2] =	stream.indirect_vreg.gather [hbm4b:s1+s5], $0x80, v4, vm0, $0xb8;
	[tilespmem:$0x1A400] =	vst v63  }
0x7b: {  	s24 =	simm.s32 $0xAC00  }
0x7c: {  	[tilespmem:s24], [sflag:$0x2] =	stream.indirect_vreg.gather [hbm4b:s1+s5], $0x80, v3, vm0, $0xb8;
	[tilespmem:$0x1A400] =	vst v63  }
0x7d: {  	v3 =	vld [tilespmem:$0x90];
	_ =	sdelay $0x4  }
0x7e: {  	v57 =	vshll.u32 v3, $0x1  }
0x7f: {  	v3 =	vand.u32 $0x7, v3;
	v4 =	vand.u32 $0xFFFFFFF0, v57  }
0x80: {  	v3 =	vor.u32 v3, v4  }
0x81: {  	v4 =	vperm.xlane v3, v0;
	_ =	sdelay $0x1  }
0x82: {  	v3 =	vperm.xlane v3, v2;
	v4 =	vadd.s32 v1, v4;
	_ =	sdelay $0x1  }
0x83: {  	v3 =	vadd.s32 v1, v3;
	_ =	sdelay $0x1  }
0x84: {  	s3 =	simm.s32 $0xB400  }
0x85: {  	[tilespmem:s3], [sflag:$0x2] =	stream.indirect_vreg.gather [hbm4b:s1+s5], $0x80, v4, vm0, $0xb8;
	[tilespmem:$0x1A400] =	vst v63  }
0x86: {  	s14 =	simm.s32 $0xBC00  }
0x87: {  	[tilespmem:s14], [sflag:$0x2] =	stream.indirect_vreg.gather [hbm4b:s1+s5], $0x80, v3, vm0, $0xb8;
	[tilespmem:$0x1A400] =	vst v63  }
0x88: {  	v3 =	vld [tilespmem:$0xA0];
	_ =	sdelay $0x4  }
0x89: {  	v58 =	vshll.u32 v3, $0x1  }
0x8a: {  	v3 =	vand.u32 $0x7, v3;
	v4 =	vand.u32 $0xFFFFFFF0, v58  }
0x8b: {  	v3 =	vor.u32 v3, v4  }
0x8c: {  	v4 =	vperm.xlane v3, v0;
	_ =	sdelay $0x1  }
0x8d: {  	v3 =	vperm.xlane v3, v2;
	v4 =	vadd.s32 v1, v4;
	_ =	sdelay $0x1  }
0x8e: {  	v3 =	vadd.s32 v1, v3;
	_ =	sdelay $0x1  }
0x8f: {  	s20 =	simm.s32 $0xC400  }
0x90: {  	[tilespmem:s20], [sflag:$0x2] =	stream.indirect_vreg.gather [hbm4b:s1+s5], $0x80, v4, vm0, $0xb8;
	[tilespmem:$0x1A400] =	vst v63  }
0x91: {  	s21 =	simm.s32 $0xCC00  }
0x92: {  	[tilespmem:s21], [sflag:$0x2] =	stream.indirect_vreg.gather [hbm4b:s1+s5], $0x80, v3, vm0, $0xb8;
	[tilespmem:$0x1A400] =	vst v63  }
0x93: {  	v3 =	vld [tilespmem:$0xB0];
	_ =	sdelay $0x4  }
0x94: {  	v59 =	vshll.u32 v3, $0x1  }
0x95: {  	v3 =	vand.u32 $0x7, v3;
	v4 =	vand.u32 $0xFFFFFFF0, v59  }
0x96: {  	v3 =	vor.u32 v3, v4  }
0x97: {  	v4 =	vperm.xlane v3, v0;
	_ =	sdelay $0x1  }
0x98: {  	v3 =	vperm.xlane v3, v2;
	v4 =	vadd.s32 v1, v4;
	_ =	sdelay $0x1  }
0x99: {  	v3 =	vadd.s32 v1, v3;
	_ =	sdelay $0x1  }
0x9a: {  	s22 =	simm.s32 $0xD400  }
0x9b: {  	[tilespmem:s22], [sflag:$0x2] =	stream.indirect_vreg.gather [hbm4b:s1+s5], $0x80, v4, vm0, $0xb8;
	[tilespmem:$0x1A400] =	vst v63  }
0x9c: {  	s23 =	simm.s32 $0xDC00  }
0x9d: {  	[tilespmem:s23], [sflag:$0x2] =	stream.indirect_vreg.gather [hbm4b:s1+s5], $0x80, v3, vm0, $0xb8;
	[tilespmem:$0x1A400] =	vst v63  }
0x9e: {  	v3 =	vld [tilespmem:$0xC0];
	_ =	sdelay $0x4  }
0x9f: {  	v60 =	vshll.u32 v3, $0x1  }
0xa0: {  	v3 =	vand.u32 $0x7, v3;
	v4 =	vand.u32 $0xFFFFFFF0, v60  }
0xa1: {  	v3 =	vor.u32 v3, v4  }
0xa2: {  	v4 =	vperm.xlane v3, v0;
	_ =	sdelay $0x1  }
0xa3: {  	v3 =	vperm.xlane v3, v2;
	v4 =	vadd.s32 v1, v4;
	_ =	sdelay $0x1  }
0xa4: {  	v3 =	vadd.s32 v1, v3;
	_ =	sdelay $0x1  }
0xa5: {  	s24 =	simm.s32 $0xE400  }
0xa6: {  	[tilespmem:s24], [sflag:$0x2] =	stream.indirect_vreg.gather [hbm4b:s1+s5], $0x80, v4, vm0, $0xb8;
	[tilespmem:$0x1A400] =	vst v63  }
0xa7: {  	s3 =	simm.s32 $0xEC00  }
0xa8: {  	[tilespmem:s3], [sflag:$0x2] =	stream.indirect_vreg.gather [hbm4b:s1+s5], $0x80, v3, vm0, $0xb8;
	[tilespmem:$0x1A400] =	vst v63  }
0xa9: {  	v3 =	vld [tilespmem:$0xD0];
	_ =	sdelay $0x4  }
0xaa: {  	v61 =	vshll.u32 v3, $0x1  }
0xab: {  	v3 =	vand.u32 $0x7, v3;
	v4 =	vand.u32 $0xFFFFFFF0, v61  }
0xac: {  	v3 =	vor.u32 v3, v4  }
0xad: {  	v4 =	vperm.xlane v3, v0;
	_ =	sdelay $0x1  }
0xae: {  	v3 =	vperm.xlane v3, v2;
	v4 =	vadd.s32 v1, v4;
	_ =	sdelay $0x1  }
0xaf: {  	v3 =	vadd.s32 v1, v3;
	_ =	sdelay $0x1  }
0xb0: {  	s14 =	simm.s32 $0xF400  }
0xb1: {  	[tilespmem:s14], [sflag:$0x2] =	stream.indirect_vreg.gather [hbm4b:s1+s5], $0x80, v4, vm0, $0xb8;
	[tilespmem:$0x1A400] =	vst v63  }
0xb2: {  	s20 =	simm.s32 $0xFC00  }
0xb3: {  	[tilespmem:s20], [sflag:$0x2] =	stream.indirect_vreg.gather [hbm4b:s1+s5], $0x80, v3, vm0, $0xb8;
	[tilespmem:$0x1A400] =	vst v63  }
0xb4: {  	v3 =	vld [tilespmem:$0xE0];
	_ =	sdelay $0x4  }
0xb5: {  	v62 =	vshll.u32 v3, $0x1  }
0xb6: {  	v3 =	vand.u32 $0x7, v3;
	v4 =	vand.u32 $0xFFFFFFF0, v62  }
0xb7: {  	v3 =	vor.u32 v3, v4  }
0xb8: {  	v4 =	vperm.xlane v3, v0;
	_ =	sdelay $0x1  }
0xb9: {  	v3 =	vperm.xlane v3, v2;
	v4 =	vadd.s32 v1, v4;
	_ =	sdelay $0x1  }
0xba: {  	v3 =	vadd.s32 v1, v3;
	_ =	sdelay $0x1  }
0xbb: {  	s21 =	simm.s32 $0x10400  }
0xbc: {  	[tilespmem:s21], [sflag:$0x2] =	stream.indirect_vreg.gather [hbm4b:s1+s5], $0x80, v4, vm0, $0xb8;
	[tilespmem:$0x1A400] =	vst v63  }
0xbd: {  	s22 =	simm.s32 $0x10C00  }
0xbe: {  	[tilespmem:s22], [sflag:$0x2] =	stream.indirect_vreg.gather [hbm4b:s1+s5], $0x80, v3, vm0, $0xb8;
	[tilespmem:$0x1A400] =	vst v63  }
0xbf: {  	v3 =	vld [tilespmem:$0xF0];
	_ =	sdelay $0x4  }
0xc0: {  	v63 =	vshll.u32 v3, $0x1  }
0xc1: {  	v3 =	vand.u32 $0x7, v3;
	v4 =	vand.u32 $0xFFFFFFF0, v63  }
0xc2: {  	v3 =	vor.u32 v3, v4  }
0xc3: {  	v4 =	vperm.xlane v3, v0;
	_ =	sdelay $0x1  }
0xc4: {  	v3 =	vperm.xlane v3, v2;
	v4 =	vadd.s32 v1, v4;
	_ =	sdelay $0x1  }
0xc5: {  	v3 =	vadd.s32 v1, v3;
	_ =	sdelay $0x1  }
0xc6: {  	s23 =	simm.s32 $0x11400  }
0xc7: {  	[tilespmem:s23], [sflag:$0x2] =	stream.indirect_vreg.gather [hbm4b:s1+s5], $0x80, v4, vm0, $0xb8;
	[tilespmem:$0x1A400] =	vst v63  }
0xc8: {  	s24 =	simm.s32 $0x11C00;
	s20 =	simm.s32 $0x0  }
0xc9: {  	[tilespmem:s24], [sflag:$0x2] =	stream.indirect_vreg.gather [hbm4b:s1+s5], $0x80, v3, vm0, $0xb8;
	[tilespmem:$0x1A400] =	vst v63  }
.LBB2_2:
0xca: {  	s0 =	smul.u32 $0x180, s20;
	_ =	sdelay $0x1  }
0xcb: {  	s21 =	sadd.s32 s6, s0  }
0xcc: {  	_ =	swait.ge [sflag:s9], $0x8000;
	s3 =	sshrl.u32 s21, $0x6;
	s22 =	sshrl.u32 s21, $0x7  }
0xcd: {  	[sflag:s9] =	ssyncset.done $0x0;
	s3 =	sand.u32 $0x1FFF800, s3;
	s22 =	sand.u32 $0x380, s22  }
0xce: {  	[sflag:s9] =	ssyncadd.s32 $0xFFFF8000;
	s3 =	sor.u32 s22, s3  }
0xcf: {  	v3 =	vld [tilespmem:s3+$0x1400]  }
0xd0: {  	v6 =	vld [tilespmem:s3+$0x1410]  }
0xd1: {  	v9 =	vld [tilespmem:s3+$0x1420]  }
0xd2: {  	v11 =	vld [tilespmem:s3+$0x1430]  }
0xd3: {  	v12 =	vld [tilespmem:s3+$0x1440]  }
0xd4: {  	v14 =	vld [tilespmem:s3+$0x1450]  }
0xd5: {  	v15 =	vld [tilespmem:s3+$0x1460]  }
0xd6: {  	v17 =	vld [tilespmem:s3+$0x1470]  }
0xd7: {  	v18 =	vld [tilespmem:s3+$0x1800]  }
0xd8: {  	v16 =	vld [tilespmem:s3+$0x1810]  }
0xd9: {  	v13 =	vld [tilespmem:s3+$0x1820]  }
0xda: {  	v10 =	vld [tilespmem:s3+$0x1830]  }
0xdb: {  	v7 =	vld [tilespmem:s3+$0x1840]  }
0xdc: {  	s24 =	simm.s32 $0x0;
	v4 =	vld [tilespmem:s3+$0x1850]  }
0xdd: {  	s23 =	sand.u32 $0x7800, s24;
	s22 =	sand.u32 $0x380, s24;
	v5 =	vld [tilespmem:s3+$0x1860]  }
0xde: {  	v8 =	vld [tilespmem:s3+$0x1870];
	s22 =	sor.u32 s22, s23  }
0xdf: {  	v19 =	vld [tilespmem:s22+$0x2400]  }
0xe0: {  	v20 =	vld [tilespmem:s22+$0x2410]  }
0xe1: {  	v21 =	vld [tilespmem:s22+$0x2420]  }
0xe2: {  	v22 =	vld [tilespmem:s22+$0x2430]  }
0xe3: {  	v23 =	vld [tilespmem:s22+$0x2440]  }
0xe4: {  	v24 =	vld [tilespmem:s22+$0x2450];
	v19 =	vadd.f32 v19, v3  }
0xe5: {  	v25 =	vld [tilespmem:s22+$0x2460];
	v20 =	vadd.f32 v20, v6  }
0xe6: {  	v26 =	vld [tilespmem:s22+$0x2470];
	[tilespmem:s22+$0x2400] =	vst v19;
	v19 =	vadd.f32 v21, v9  }
0xe7: {  	v27 =	vld [tilespmem:s22+$0x2800];
	[tilespmem:s22+$0x2410] =	vst v20;
	v20 =	vadd.f32 v22, v11  }
0xe8: {  	v22 =	vld [tilespmem:s22+$0x2810];
	[tilespmem:s22+$0x2420] =	vst v19;
	v19 =	vadd.f32 v23, v12  }
0xe9: {  	v21 =	vld [tilespmem:s22+$0x2820];
	[tilespmem:s22+$0x2430] =	vst v20;
	v20 =	vadd.f32 v24, v14  }
0xea: {  	v23 =	vadd.f32 v25, v15;
	[tilespmem:s22+$0x2440] =	vst v19;
	v19 =	vld [tilespmem:s22+$0x2830]  }
0xeb: {  	v25 =	vadd.f32 v26, v17;
	[tilespmem:s22+$0x2450] =	vst v20;
	v20 =	vld [tilespmem:s22+$0x2840]  }
0xec: {  	s3 =	simm.s32 $0x80;
	s23 =	simm.s32 $0x100;
	v24 =	vadd.f32 v27, v18;
	[tilespmem:s22+$0x2460] =	vst v23;
	v23 =	vld [tilespmem:s22+$0x2850]  }
.LBB2_3:
0xed: {  	s14 =	sand.u32 $0x7800, s23;
	s24 =	sand.u32 $0x380, s3;
	p0 =	sne.s32 s23, $0x7F00;
	[tilespmem:s22+$0x2470] =	vst v25;
	v22 =	vadd.f32 v22, v16;
	v25 =	vld [tilespmem:s22+$0x2860]  }
0xee: {  	s14 =	sor.u32 s24, s14;
	[tilespmem:s22+$0x2800] =	vst v24;
	v21 =	vadd.f32 v21, v13;
	v24 =	vld [tilespmem:s22+$0x2870]  }
0xef: {  	v26 =	vld [tilespmem:s14+$0x2400];
	[tilespmem:s22+$0x2810] =	vst v22;
	v19 =	vadd.f32 v19, v10  }
0xf0: {  	v22 =	vld [tilespmem:s14+$0x2410];
	[tilespmem:s22+$0x2820] =	vst v21;
	v20 =	vadd.f32 v20, v7  }
0xf1: {  	v21 =	vld [tilespmem:s14+$0x2420];
	[tilespmem:s22+$0x2830] =	vst v19;
	v19 =	vadd.f32 v23, v4  }
0xf2: {  	v23 =	vld [tilespmem:s14+$0x2430];
	[tilespmem:s22+$0x2840] =	vst v20;
	v20 =	vadd.f32 v25, v5  }
0xf3: {  	v25 =	vld [tilespmem:s14+$0x2440];
	[tilespmem:s22+$0x2850] =	vst v19;
	v19 =	vadd.f32 v24, v8  }
0xf4: {  	v24 =	vadd.f32 v26, v3;
	v26 =	vld [tilespmem:s14+$0x2450];
	[tilespmem:s22+$0x2860] =	vst v20  }
0xf5: {  	v20 =	vadd.f32 v22, v6;
	v27 =	vld [tilespmem:s14+$0x2460];
	[tilespmem:s22+$0x2870] =	vst v19;
	s22 =	smov.u32 s14  }
0xf6: {  	[tilespmem:s22+$0x2400] =	vst v24;
	v19 =	vadd.f32 v21, v9;
	v24 =	vld [tilespmem:s22+$0x2470]  }
0xf7: {  	[tilespmem:s22+$0x2410] =	vst v20;
	v20 =	vadd.f32 v23, v11;
	v23 =	vld [tilespmem:s22+$0x2800]  }
.Ltmp0:
0xf8: {  	[tilespmem:s22+$0x2420] =	vst v19;
	v19 =	vadd.f32 v25, v12;
	v22 =	vld [tilespmem:s22+$0x2810];
	(pc) =	sbr.rel @p0 .LBB2_3-.Ltmp0, $4  }
0xf9: {  	[tilespmem:s22+$0x2430] =	vst v20;
	v20 =	vadd.f32 v26, v14;
	v21 =	vld [tilespmem:s22+$0x2820]  }
0xfa: {  	[tilespmem:s22+$0x2440] =	vst v19;
	v26 =	vadd.f32 v27, v15;
	v19 =	vld [tilespmem:s22+$0x2830]  }
0xfb: {  	[tilespmem:s22+$0x2450] =	vst v20;
	v25 =	vadd.f32 v24, v17;
	v20 =	vld [tilespmem:s22+$0x2840]  }
0xfc: {  	s3 =	sadd.s32 $0x80, s3;
	s23 =	sadd.s32 $0x100, s23;
	[tilespmem:s22+$0x2460] =	vst v26;
	v24 =	vadd.f32 v23, v18;
	v23 =	vld [tilespmem:s22+$0x2850]  }
0xfd: {  	[tilespmem:s22+$0x2470] =	vst v25;
	v3 =	vadd.f32 v22, v16;
	v6 =	vld [tilespmem:s22+$0x2860]  }
0xfe: {  	v11 =	vld [tilespmem:s22+$0x2870];
	[tilespmem:s22+$0x2800] =	vst v24;
	v9 =	vadd.f32 v21, v13  }
0xff: {  	[tilespmem:s22+$0x2810] =	vst v3;
	v3 =	vadd.f32 v19, v10  }
0x100: {  	[tilespmem:s22+$0x2820] =	vst v9;
	v7 =	vadd.f32 v20, v7  }
0x101: {  	[tilespmem:s22+$0x2830] =	vst v3;
	v3 =	vadd.f32 v23, v4  }
0x102: {  	[tilespmem:s22+$0x2840] =	vst v7;
	v4 =	vadd.f32 v6, v5  }
0x103: {  	[tilespmem:s22+$0x2850] =	vst v3;
	v3 =	vadd.f32 v11, v8  }
0x104: {  	s3 =	sshll.u32 s21, $0x5;
	p0 =	seq.s32 s20, $0x0;
	[tilespmem:s22+$0x2860] =	vst v4  }
0x105: {  	s23 =	smul.u32 $0x3, s20;
	s3 =	sadd.s32 s4, s3;
	s14 =	simm.s32 @!p0 $0x6;
	[tilespmem:s22+$0x2870] =	vst v3  }
0x106: {  	[hbm4b:s3+s5] =	stream.linear.scatter [tilespmem:s15], [sflag:$0x4], $0x8000, $0x38;
	[tilespmem:$0x1A400] =	vst v63  }
0x107: {  	s3 =	sadd.s32 $0x2, s23;
	_ =	swait.ge @!p0 [sflag:s14], $0x8000  }
0x108: {  	s21 =	sshll.u32 s3, $0x7;
	[sflag:s14] =	ssyncset.done @!p0 $0x0  }
0x109: {  	s3 =	sand.u32 $0x3FFFFF80, s21;
	[sflag:s14] =	ssyncadd.s32 @!p0 $0xFFFF8000  }
0x10a: {  	v3 =	vld [tilespmem:s3+$0x0];
	_ =	sdelay $0x4  }
0x10b: {  	v4 =	vshll.u32 v3, $0x1  }
0x10c: {  	v3 =	vand.u32 $0x7, v3;
	v4 =	vand.u32 $0xFFFFFFF0, v4  }
0x10d: {  	v3 =	vor.u32 v3, v4  }
0x10e: {  	v4 =	vperm.xlane v3, v0;
	_ =	sdelay $0x1  }
0x10f: {  	v3 =	vperm.xlane v3, v2;
	v4 =	vadd.s32 v1, v4;
	_ =	sdelay $0x1  }
0x110: {  	v3 =	vadd.s32 v1, v3;
	_ =	sdelay $0x1  }
0x111: {  	s22 =	simm.s32 $0x0  }
0x112: {  	[tilespmem:s13], [sflag:$0x3] =	stream.indirect_vreg.gather [hbm4b:s1+s22], $0x80, v4, vm0, $0xb8;
	[tilespmem:$0x1A400] =	vst v63  }
0x113: {  	s24 =	simm.s32 $0x12C00  }
0x114: {  	[tilespmem:s24], [sflag:$0x3] =	stream.indirect_vreg.gather [hbm4b:s1+s22], $0x80, v3, vm0, $0xb8;
	[tilespmem:$0x1A400] =	vst v63  }
0x115: {  	v3 =	vld [tilespmem:s3+$0x10];
	_ =	sdelay $0x4  }
0x116: {  	v4 =	vshll.u32 v3, $0x1  }
0x117: {  	v3 =	vand.u32 $0x7, v3;
	v4 =	vand.u32 $0xFFFFFFF0, v4  }
0x118: {  	v3 =	vor.u32 v3, v4  }
0x119: {  	v4 =	vperm.xlane v3, v0;
	_ =	sdelay $0x1  }
0x11a: {  	v3 =	vperm.xlane v3, v2;
	v4 =	vadd.s32 v1, v4;
	_ =	sdelay $0x1  }
0x11b: {  	v3 =	vadd.s32 v1, v3;
	_ =	sdelay $0x1  }
0x11c: {  	s23 =	simm.s32 $0x13400  }
0x11d: {  	[tilespmem:s23], [sflag:$0x3] =	stream.indirect_vreg.gather [hbm4b:s1+s22], $0x80, v4, vm0, $0xb8;
	[tilespmem:$0x1A400] =	vst v63  }
0x11e: {  	s24 =	simm.s32 $0x13C00  }
0x11f: {  	[tilespmem:s24], [sflag:$0x3] =	stream.indirect_vreg.gather [hbm4b:s1+s22], $0x80, v3, vm0, $0xb8;
	[tilespmem:$0x1A400] =	vst v63  }
0x120: {  	v3 =	vld [tilespmem:s3+$0x20];
	_ =	sdelay $0x4  }
0x121: {  	v4 =	vshll.u32 v3, $0x1  }
0x122: {  	v3 =	vand.u32 $0x7, v3;
	v4 =	vand.u32 $0xFFFFFFF0, v4  }
0x123: {  	v3 =	vor.u32 v3, v4  }
0x124: {  	v4 =	vperm.xlane v3, v0;
	_ =	sdelay $0x1  }
0x125: {  	v3 =	vperm.xlane v3, v2;
	v4 =	vadd.s32 v1, v4;
	_ =	sdelay $0x1  }
0x126: {  	v3 =	vadd.s32 v1, v3;
	_ =	sdelay $0x1  }
0x127: {  	s23 =	simm.s32 $0x14400  }
0x128: {  	[tilespmem:s23], [sflag:$0x3] =	stream.indirect_vreg.gather [hbm4b:s1+s22], $0x80, v4, vm0, $0xb8;
	[tilespmem:$0x1A400] =	vst v63  }
0x129: {  	s24 =	simm.s32 $0x14C00  }
0x12a: {  	[tilespmem:s24], [sflag:$0x3] =	stream.indirect_vreg.gather [hbm4b:s1+s22], $0x80, v3, vm0, $0xb8;
	[tilespmem:$0x1A400] =	vst v63  }
0x12b: {  	v3 =	vld [tilespmem:s3+$0x30];
	_ =	sdelay $0x4  }
0x12c: {  	v4 =	vshll.u32 v3, $0x1  }
0x12d: {  	v3 =	vand.u32 $0x7, v3;
	v4 =	vand.u32 $0xFFFFFFF0, v4  }
0x12e: {  	v3 =	vor.u32 v3, v4  }
0x12f: {  	v4 =	vperm.xlane v3, v0;
	_ =	sdelay $0x1  }
0x130: {  	v3 =	vperm.xlane v3, v2;
	v4 =	vadd.s32 v1, v4;
	_ =	sdelay $0x1  }
0x131: {  	v3 =	vadd.s32 v1, v3;
	_ =	sdelay $0x1  }
0x132: {  	s23 =	simm.s32 $0x15400  }
0x133: {  	[tilespmem:s23], [sflag:$0x3] =	stream.indirect_vreg.gather [hbm4b:s1+s22], $0x80, v4, vm0, $0xb8;
	[tilespmem:$0x1A400] =	vst v63  }
0x134: {  	s24 =	simm.s32 $0x15C00  }
0x135: {  	[tilespmem:s24], [sflag:$0x3] =	stream.indirect_vreg.gather [hbm4b:s1+s22], $0x80, v3, vm0, $0xb8;
	[tilespmem:$0x1A400] =	vst v63  }
0x136: {  	v3 =	vld [tilespmem:s3+$0x40];
	_ =	sdelay $0x4  }
0x137: {  	v4 =	vshll.u32 v3, $0x1  }
0x138: {  	v3 =	vand.u32 $0x7, v3;
	v4 =	vand.u32 $0xFFFFFFF0, v4  }
0x139: {  	v3 =	vor.u32 v3, v4  }
0x13a: {  	v4 =	vperm.xlane v3, v0;
	_ =	sdelay $0x1  }
0x13b: {  	v3 =	vperm.xlane v3, v2;
	v4 =	vadd.s32 v1, v4;
	_ =	sdelay $0x1  }
0x13c: {  	v3 =	vadd.s32 v1, v3;
	_ =	sdelay $0x1  }
0x13d: {  	s23 =	simm.s32 $0x16400  }
0x13e: {  	[tilespmem:s23], [sflag:$0x3] =	stream.indirect_vreg.gather [hbm4b:s1+s22], $0x80, v4, vm0, $0xb8;
	[tilespmem:$0x1A400] =	vst v63  }
0x13f: {  	s24 =	simm.s32 $0x16C00  }
0x140: {  	[tilespmem:s24], [sflag:$0x3] =	stream.indirect_vreg.gather [hbm4b:s1+s22], $0x80, v3, vm0, $0xb8;
	[tilespmem:$0x1A400] =	vst v63  }
0x141: {  	v3 =	vld [tilespmem:s3+$0x50];
	_ =	sdelay $0x4  }
0x142: {  	v4 =	vshll.u32 v3, $0x1  }
0x143: {  	v3 =	vand.u32 $0x7, v3;
	v4 =	vand.u32 $0xFFFFFFF0, v4  }
0x144: {  	v3 =	vor.u32 v3, v4  }
0x145: {  	v4 =	vperm.xlane v3, v0;
	_ =	sdelay $0x1  }
0x146: {  	v3 =	vperm.xlane v3, v2;
	v4 =	vadd.s32 v1, v4;
	_ =	sdelay $0x1  }
0x147: {  	v3 =	vadd.s32 v1, v3;
	_ =	sdelay $0x1  }
0x148: {  	s23 =	simm.s32 $0x17400  }
0x149: {  	[tilespmem:s23], [sflag:$0x3] =	stream.indirect_vreg.gather [hbm4b:s1+s22], $0x80, v4, vm0, $0xb8;
	[tilespmem:$0x1A400] =	vst v63  }
0x14a: {  	s24 =	simm.s32 $0x17C00  }
0x14b: {  	[tilespmem:s24], [sflag:$0x3] =	stream.indirect_vreg.gather [hbm4b:s1+s22], $0x80, v3, vm0, $0xb8;
	[tilespmem:$0x1A400] =	vst v63  }
0x14c: {  	v3 =	vld [tilespmem:s3+$0x60];
	_ =	sdelay $0x4  }
0x14d: {  	v4 =	vshll.u32 v3, $0x1  }
0x14e: {  	v3 =	vand.u32 $0x7, v3;
	v4 =	vand.u32 $0xFFFFFFF0, v4  }
0x14f: {  	v3 =	vor.u32 v3, v4  }
0x150: {  	v4 =	vperm.xlane v3, v0;
	_ =	sdelay $0x1  }
0x151: {  	v3 =	vperm.xlane v3, v2;
	v4 =	vadd.s32 v1, v4;
	_ =	sdelay $0x1  }
0x152: {  	v3 =	vadd.s32 v1, v3;
	_ =	sdelay $0x2  }
0x153: {  	[tilespmem:s16], [sflag:$0x3] =	stream.indirect_vreg.gather [hbm4b:s1+s22], $0x80, v4, vm0, $0xb8;
	[tilespmem:$0x1A400] =	vst v63  }
0x154: {  	_ = 	snop  }
0x155: {  	[tilespmem:s7], [sflag:$0x3] =	stream.indirect_vreg.gather [hbm4b:s1+s22], $0x80, v3, vm0, $0xb8;
	[tilespmem:$0x1A400] =	vst v63  }
0x156: {  	v3 =	vld [tilespmem:s3+$0x70];
	_ =	sdelay $0x4  }
0x157: {  	v4 =	vshll.u32 v3, $0x1  }
0x158: {  	v3 =	vand.u32 $0x7, v3;
	v4 =	vand.u32 $0xFFFFFFF0, v4  }
0x159: {  	v3 =	vor.u32 v3, v4  }
0x15a: {  	v4 =	vperm.xlane v3, v0;
	_ =	sdelay $0x1  }
0x15b: {  	v3 =	vperm.xlane v3, v2;
	v4 =	vadd.s32 v1, v4;
	_ =	sdelay $0x1  }
0x15c: {  	v3 =	vadd.s32 v1, v3;
	_ =	sdelay $0x2  }
0x15d: {  	[tilespmem:s17], [sflag:$0x3] =	stream.indirect_vreg.gather [hbm4b:s1+s22], $0x80, v4, vm0, $0xb8;
	[tilespmem:$0x1A400] =	vst v63  }
0x15e: {  	s0 =	sadd.s32 s0, s8  }
0x15f: {  	[tilespmem:s11], [sflag:$0x3] =	stream.indirect_vreg.gather [hbm4b:s1+s22], $0x80, v3, vm0, $0xb8;
	[tilespmem:$0x1A400] =	vst v63  }
0x160: {  	s14 =	sshrl.u32 s0, $0x6;
	s23 =	sshrl.u32 s0, $0x7;
	_ =	swait.ge [sflag:s18], $0x8000  }
0x161: {  	s3 =	sand.u32 $0x1FFF800, s14;
	s14 =	sand.u32 $0x380, s23;
	[sflag:s18] =	ssyncset.done $0x0  }
0x162: {  	s3 =	sor.u32 s14, s3;
	[sflag:s18] =	ssyncadd.s32 $0xFFFF8000  }
0x163: {  	v4 =	vld [tilespmem:s3+$0x1400]  }
0x164: {  	v7 =	vld [tilespmem:s3+$0x1410]  }
0x165: {  	v9 =	vld [tilespmem:s3+$0x1420]  }
0x166: {  	v11 =	vld [tilespmem:s3+$0x1430]  }
0x167: {  	v12 =	vld [tilespmem:s3+$0x1440]  }
0x168: {  	v14 =	vld [tilespmem:s3+$0x1450]  }
0x169: {  	v15 =	vld [tilespmem:s3+$0x1460]  }
0x16a: {  	v17 =	vld [tilespmem:s3+$0x1470]  }
0x16b: {  	v18 =	vld [tilespmem:s3+$0x1800]  }
0x16c: {  	v16 =	vld [tilespmem:s3+$0x1810]  }
0x16d: {  	v13 =	vld [tilespmem:s3+$0x1820]  }
0x16e: {  	v10 =	vld [tilespmem:s3+$0x1830]  }
0x16f: {  	v8 =	vld [tilespmem:s3+$0x1840]  }
0x170: {  	v5 =	vld [tilespmem:s3+$0x1850]  }
0x171: {  	s24 =	sand.u32 $0x7800, s22;
	s22 =	sand.u32 $0x380, s22;
	v3 =	vld [tilespmem:s3+$0x1860]  }
0x172: {  	s22 =	sor.u32 s22, s24;
	v6 =	vld [tilespmem:s3+$0x1870]  }
0x173: {  	v19 =	vld [tilespmem:s22+$0xA400]  }
0x174: {  	v20 =	vld [tilespmem:s22+$0xA410]  }
0x175: {  	v21 =	vld [tilespmem:s22+$0xA420]  }
0x176: {  	v22 =	vld [tilespmem:s22+$0xA430]  }
0x177: {  	v23 =	vld [tilespmem:s22+$0xA440]  }
0x178: {  	v24 =	vld [tilespmem:s22+$0xA450];
	v19 =	vadd.f32 v19, v4  }
0x179: {  	v25 =	vld [tilespmem:s22+$0xA460];
	v20 =	vadd.f32 v20, v7  }
0x17a: {  	v26 =	vld [tilespmem:s22+$0xA470];
	[tilespmem:s22+$0xA400] =	vst v19;
	v19 =	vadd.f32 v21, v9  }
0x17b: {  	v27 =	vld [tilespmem:s22+$0xA800];
	[tilespmem:s22+$0xA410] =	vst v20;
	v20 =	vadd.f32 v22, v11  }
0x17c: {  	v22 =	vld [tilespmem:s22+$0xA810];
	[tilespmem:s22+$0xA420] =	vst v19;
	v19 =	vadd.f32 v23, v12  }
0x17d: {  	v21 =	vld [tilespmem:s22+$0xA820];
	[tilespmem:s22+$0xA430] =	vst v20;
	v20 =	vadd.f32 v24, v14  }
0x17e: {  	v23 =	vadd.f32 v25, v15;
	[tilespmem:s22+$0xA440] =	vst v19;
	v19 =	vld [tilespmem:s22+$0xA830]  }
0x17f: {  	v25 =	vadd.f32 v26, v17;
	[tilespmem:s22+$0xA450] =	vst v20;
	v20 =	vld [tilespmem:s22+$0xA840]  }
0x180: {  	s23 =	simm.s32 $0x100;
	s3 =	simm.s32 $0x80;
	v24 =	vadd.f32 v27, v18;
	[tilespmem:s22+$0xA460] =	vst v23;
	v23 =	vld [tilespmem:s22+$0xA850]  }
.LBB2_5:
0x181: {  	s14 =	sand.u32 $0x7800, s23;
	s24 =	sand.u32 $0x380, s3;
	p0 =	sne.s32 s23, $0x7F00;
	[tilespmem:s22+$0xA470] =	vst v25;
	v22 =	vadd.f32 v22, v16;
	v25 =	vld [tilespmem:s22+$0xA860]  }
0x182: {  	s14 =	sor.u32 s24, s14;
	[tilespmem:s22+$0xA800] =	vst v24;
	v21 =	vadd.f32 v21, v13;
	v24 =	vld [tilespmem:s22+$0xA870]  }
0x183: {  	v26 =	vld [tilespmem:s14+$0xA400];
	[tilespmem:s22+$0xA810] =	vst v22;
	v19 =	vadd.f32 v19, v10  }
0x184: {  	v22 =	vld [tilespmem:s14+$0xA410];
	[tilespmem:s22+$0xA820] =	vst v21;
	v20 =	vadd.f32 v20, v8  }
0x185: {  	v21 =	vld [tilespmem:s14+$0xA420];
	[tilespmem:s22+$0xA830] =	vst v19;
	v19 =	vadd.f32 v23, v5  }
0x186: {  	v23 =	vld [tilespmem:s14+$0xA430];
	[tilespmem:s22+$0xA840] =	vst v20;
	v20 =	vadd.f32 v25, v3  }
0x187: {  	v25 =	vld [tilespmem:s14+$0xA440];
	[tilespmem:s22+$0xA850] =	vst v19;
	v19 =	vadd.f32 v24, v6  }
0x188: {  	v24 =	vadd.f32 v26, v4;
	v26 =	vld [tilespmem:s14+$0xA450];
	[tilespmem:s22+$0xA860] =	vst v20  }
0x189: {  	v20 =	vadd.f32 v22, v7;
	v27 =	vld [tilespmem:s14+$0xA460];
	[tilespmem:s22+$0xA870] =	vst v19;
	s22 =	smov.u32 s14  }
0x18a: {  	[tilespmem:s22+$0xA400] =	vst v24;
	v19 =	vadd.f32 v21, v9;
	v24 =	vld [tilespmem:s22+$0xA470]  }
0x18b: {  	[tilespmem:s22+$0xA410] =	vst v20;
	v20 =	vadd.f32 v23, v11;
	v23 =	vld [tilespmem:s22+$0xA800]  }
.Ltmp1:
0x18c: {  	[tilespmem:s22+$0xA420] =	vst v19;
	v19 =	vadd.f32 v25, v12;
	v22 =	vld [tilespmem:s22+$0xA810];
	(pc) =	sbr.rel @p0 .LBB2_5-.Ltmp1, $4  }
0x18d: {  	[tilespmem:s22+$0xA430] =	vst v20;
	v20 =	vadd.f32 v26, v14;
	v21 =	vld [tilespmem:s22+$0xA820]  }
0x18e: {  	[tilespmem:s22+$0xA440] =	vst v19;
	v26 =	vadd.f32 v27, v15;
	v19 =	vld [tilespmem:s22+$0xA830]  }
0x18f: {  	[tilespmem:s22+$0xA450] =	vst v20;
	v25 =	vadd.f32 v24, v17;
	v20 =	vld [tilespmem:s22+$0xA840]  }
0x190: {  	s3 =	sadd.s32 $0x80, s3;
	s23 =	sadd.s32 $0x100, s23;
	[tilespmem:s22+$0xA460] =	vst v26;
	v24 =	vadd.f32 v23, v18;
	v23 =	vld [tilespmem:s22+$0xA850]  }
0x191: {  	[tilespmem:s22+$0xA470] =	vst v25;
	v4 =	vadd.f32 v22, v16;
	v7 =	vld [tilespmem:s22+$0xA860]  }
0x192: {  	v11 =	vld [tilespmem:s22+$0xA870];
	[tilespmem:s22+$0xA800] =	vst v24;
	v9 =	vadd.f32 v21, v13  }
0x193: {  	[tilespmem:s22+$0xA810] =	vst v4;
	v4 =	vadd.f32 v19, v10  }
0x194: {  	[tilespmem:s22+$0xA820] =	vst v9;
	v8 =	vadd.f32 v20, v8  }
0x195: {  	[tilespmem:s22+$0xA830] =	vst v4;
	v4 =	vadd.f32 v23, v5  }
0x196: {  	[tilespmem:s22+$0xA840] =	vst v8;
	v3 =	vadd.f32 v7, v3  }
0x197: {  	[tilespmem:s22+$0xA850] =	vst v4;
	v4 =	vadd.f32 v11, v6  }
0x198: {  	s0 =	sshll.u32 s0, $0x5;
	[tilespmem:s22+$0xA860] =	vst v3  }
0x199: {  	s0 =	sadd.s32 s4, s0;
	[tilespmem:s22+$0xA870] =	vst v4;
	s22 =	simm.s32 $0x0  }
0x19a: {  	[hbm4b:s0+s22] =	stream.linear.scatter [tilespmem:s2], [sflag:$0x5], $0x8000, $0x38;
	[tilespmem:$0x1A400] =	vst v63  }
0x19b: {  	s23 =	smul.u32 $0x600, s20;
	_ =	swait.ge [sflag:s12], $0x8000  }
0x19c: {  	[sflag:s12] =	ssyncset.done $0x0  }
0x19d: {  	s0 =	sshra.s32 s23, $0x2;
	[sflag:s12] =	ssyncadd.s32 $0xFFFF8000  }
0x19e: {  	v3 =	vld [tilespmem:s0+$0x180];
	_ =	sdelay $0x4  }
0x19f: {  	v4 =	vshll.u32 v3, $0x1  }
0x1a0: {  	v3 =	vand.u32 $0x7, v3;
	v4 =	vand.u32 $0xFFFFFFF0, v4  }
0x1a1: {  	v3 =	vor.u32 v3, v4  }
0x1a2: {  	v4 =	vperm.xlane v3, v0;
	_ =	sdelay $0x1  }
0x1a3: {  	v3 =	vperm.xlane v3, v2;
	v4 =	vadd.s32 v1, v4;
	_ =	sdelay $0x1  }
0x1a4: {  	v3 =	vadd.s32 v1, v3;
	_ =	sdelay $0x2  }
0x1a5: {  	[tilespmem:s15], [sflag:$0x1] =	stream.indirect_vreg.gather [hbm4b:s1+s22], $0x80, v4, vm0, $0xb8;
	[tilespmem:$0x1A400] =	vst v63  }
0x1a6: {  	s3 =	simm.s32 $0x2C00  }
0x1a7: {  	[tilespmem:s3], [sflag:$0x1] =	stream.indirect_vreg.gather [hbm4b:s1+s22], $0x80, v3, vm0, $0xb8;
	[tilespmem:$0x1A400] =	vst v63  }
0x1a8: {  	v3 =	vld [tilespmem:s0+$0x190];
	_ =	sdelay $0x4  }
0x1a9: {  	v4 =	vshll.u32 v3, $0x1  }
0x1aa: {  	v3 =	vand.u32 $0x7, v3;
	v4 =	vand.u32 $0xFFFFFFF0, v4  }
0x1ab: {  	v3 =	vor.u32 v3, v4  }
0x1ac: {  	v4 =	vperm.xlane v3, v0;
	_ =	sdelay $0x1  }
0x1ad: {  	v3 =	vperm.xlane v3, v2;
	v4 =	vadd.s32 v1, v4;
	_ =	sdelay $0x1  }
0x1ae: {  	v3 =	vadd.s32 v1, v3;
	_ =	sdelay $0x1  }
0x1af: {  	s24 =	simm.s32 $0x3400  }
0x1b0: {  	[tilespmem:s24], [sflag:$0x1] =	stream.indirect_vreg.gather [hbm4b:s1+s22], $0x80, v4, vm0, $0xb8;
	[tilespmem:$0x1A400] =	vst v63  }
0x1b1: {  	s14 =	simm.s32 $0x3C00  }
0x1b2: {  	[tilespmem:s14], [sflag:$0x1] =	stream.indirect_vreg.gather [hbm4b:s1+s22], $0x80, v3, vm0, $0xb8;
	[tilespmem:$0x1A400] =	vst v63  }
0x1b3: {  	v3 =	vld [tilespmem:s0+$0x1A0];
	_ =	sdelay $0x4  }
0x1b4: {  	v4 =	vshll.u32 v3, $0x1  }
0x1b5: {  	v3 =	vand.u32 $0x7, v3;
	v4 =	vand.u32 $0xFFFFFFF0, v4  }
0x1b6: {  	v3 =	vor.u32 v3, v4  }
0x1b7: {  	v4 =	vperm.xlane v3, v0;
	_ =	sdelay $0x1  }
0x1b8: {  	v3 =	vperm.xlane v3, v2;
	v4 =	vadd.s32 v1, v4;
	_ =	sdelay $0x1  }
0x1b9: {  	v3 =	vadd.s32 v1, v3;
	_ =	sdelay $0x1  }
0x1ba: {  	s23 =	simm.s32 $0x4400  }
0x1bb: {  	[tilespmem:s23], [sflag:$0x1] =	stream.indirect_vreg.gather [hbm4b:s1+s22], $0x80, v4, vm0, $0xb8;
	[tilespmem:$0x1A400] =	vst v63  }
0x1bc: {  	s24 =	simm.s32 $0x4C00  }
0x1bd: {  	[tilespmem:s24], [sflag:$0x1] =	stream.indirect_vreg.gather [hbm4b:s1+s22], $0x80, v3, vm0, $0xb8;
	[tilespmem:$0x1A400] =	vst v63  }
0x1be: {  	v3 =	vld [tilespmem:s0+$0x1B0];
	_ =	sdelay $0x4  }
0x1bf: {  	v4 =	vshll.u32 v3, $0x1  }
0x1c0: {  	v3 =	vand.u32 $0x7, v3;
	v4 =	vand.u32 $0xFFFFFFF0, v4  }
0x1c1: {  	v3 =	vor.u32 v3, v4  }
0x1c2: {  	v4 =	vperm.xlane v3, v0;
	_ =	sdelay $0x1  }
0x1c3: {  	v3 =	vperm.xlane v3, v2;
	v4 =	vadd.s32 v1, v4;
	_ =	sdelay $0x1  }
0x1c4: {  	v3 =	vadd.s32 v1, v3;
	_ =	sdelay $0x1  }
0x1c5: {  	s14 =	simm.s32 $0x5400  }
0x1c6: {  	[tilespmem:s14], [sflag:$0x1] =	stream.indirect_vreg.gather [hbm4b:s1+s22], $0x80, v4, vm0, $0xb8;
	[tilespmem:$0x1A400] =	vst v63  }
0x1c7: {  	s23 =	simm.s32 $0x5C00  }
0x1c8: {  	[tilespmem:s23], [sflag:$0x1] =	stream.indirect_vreg.gather [hbm4b:s1+s22], $0x80, v3, vm0, $0xb8;
	[tilespmem:$0x1A400] =	vst v63  }
0x1c9: {  	v3 =	vld [tilespmem:s0+$0x1C0];
	_ =	sdelay $0x4  }
0x1ca: {  	v4 =	vshll.u32 v3, $0x1  }
0x1cb: {  	v3 =	vand.u32 $0x7, v3;
	v4 =	vand.u32 $0xFFFFFFF0, v4  }
0x1cc: {  	v3 =	vor.u32 v3, v4  }
0x1cd: {  	v4 =	vperm.xlane v3, v0;
	_ =	sdelay $0x1  }
0x1ce: {  	v3 =	vperm.xlane v3, v2;
	v4 =	vadd.s32 v1, v4;
	_ =	sdelay $0x1  }
0x1cf: {  	v3 =	vadd.s32 v1, v3;
	_ =	sdelay $0x1  }
0x1d0: {  	s24 =	simm.s32 $0x6400  }
0x1d1: {  	[tilespmem:s24], [sflag:$0x1] =	stream.indirect_vreg.gather [hbm4b:s1+s22], $0x80, v4, vm0, $0xb8;
	[tilespmem:$0x1A400] =	vst v63  }
0x1d2: {  	s14 =	simm.s32 $0x6C00  }
0x1d3: {  	[tilespmem:s14], [sflag:$0x1] =	stream.indirect_vreg.gather [hbm4b:s1+s22], $0x80, v3, vm0, $0xb8;
	[tilespmem:$0x1A400] =	vst v63  }
0x1d4: {  	v3 =	vld [tilespmem:s0+$0x1D0];
	_ =	sdelay $0x4  }
0x1d5: {  	v4 =	vshll.u32 v3, $0x1  }
0x1d6: {  	v3 =	vand.u32 $0x7, v3;
	v4 =	vand.u32 $0xFFFFFFF0, v4  }
0x1d7: {  	v3 =	vor.u32 v3, v4  }
0x1d8: {  	v4 =	vperm.xlane v3, v0;
	_ =	sdelay $0x1  }
0x1d9: {  	v3 =	vperm.xlane v3, v2;
	v4 =	vadd.s32 v1, v4;
	_ =	sdelay $0x1  }
0x1da: {  	v3 =	vadd.s32 v1, v3;
	_ =	sdelay $0x2  }
0x1db: {  	[tilespmem:s25], [sflag:$0x1] =	stream.indirect_vreg.gather [hbm4b:s1+s22], $0x80, v4, vm0, $0xb8;
	[tilespmem:$0x1A400] =	vst v63  }
0x1dc: {  	_ = 	snop  }
0x1dd: {  	[tilespmem:s26], [sflag:$0x1] =	stream.indirect_vreg.gather [hbm4b:s1+s22], $0x80, v3, vm0, $0xb8;
	[tilespmem:$0x1A400] =	vst v63  }
0x1de: {  	v3 =	vld [tilespmem:s0+$0x1E0];
	_ =	sdelay $0x4  }
0x1df: {  	v4 =	vshll.u32 v3, $0x1  }
0x1e0: {  	v3 =	vand.u32 $0x7, v3;
	v4 =	vand.u32 $0xFFFFFFF0, v4  }
0x1e1: {  	v3 =	vor.u32 v3, v4  }
0x1e2: {  	v4 =	vperm.xlane v3, v0;
	_ =	sdelay $0x1  }
0x1e3: {  	v3 =	vperm.xlane v3, v2;
	v4 =	vadd.s32 v1, v4;
	_ =	sdelay $0x1  }
0x1e4: {  	v3 =	vadd.s32 v1, v3;
	_ =	sdelay $0x2  }
0x1e5: {  	[tilespmem:s28], [sflag:$0x1] =	stream.indirect_vreg.gather [hbm4b:s1+s22], $0x80, v4, vm0, $0xb8;
	[tilespmem:$0x1A400] =	vst v63  }
0x1e6: {  	_ = 	snop  }
0x1e7: {  	[tilespmem:s29], [sflag:$0x1] =	stream.indirect_vreg.gather [hbm4b:s1+s22], $0x80, v3, vm0, $0xb8;
	[tilespmem:$0x1A400] =	vst v63  }
0x1e8: {  	v3 =	vld [tilespmem:s0+$0x1F0];
	_ =	sdelay $0x4  }
0x1e9: {  	v4 =	vshll.u32 v3, $0x1  }
0x1ea: {  	v3 =	vand.u32 $0x7, v3;
	v4 =	vand.u32 $0xFFFFFFF0, v4  }
0x1eb: {  	v3 =	vor.u32 v3, v4  }
0x1ec: {  	v4 =	vperm.xlane v3, v0;
	_ =	sdelay $0x1  }
0x1ed: {  	v3 =	vperm.xlane v3, v2;
	v4 =	vadd.s32 v1, v4;
	_ =	sdelay $0x1  }
0x1ee: {  	v3 =	vadd.s32 v1, v3;
	_ =	sdelay $0x2  }
0x1ef: {  	[tilespmem:s30], [sflag:$0x1] =	stream.indirect_vreg.gather [hbm4b:s1+s22], $0x80, v4, vm0, $0xb8;
	[tilespmem:$0x1A400] =	vst v63  }
0x1f0: {  	s21 =	sadd.s32 s6, s21  }
0x1f1: {  	[tilespmem:s31], [sflag:$0x1] =	stream.indirect_vreg.gather [hbm4b:s1+s22], $0x80, v3, vm0, $0xb8;
	[tilespmem:$0x1A400] =	vst v63  }
0x1f2: {  	s23 =	sshrl.u32 s21, $0x6;
	s14 =	sshrl.u32 s21, $0x7;
	_ =	swait.ge [sflag:s19], $0x8000  }
0x1f3: {  	s3 =	sand.u32 $0x1FFF800, s23;
	s14 =	sand.u32 $0x380, s14;
	[sflag:s19] =	ssyncset.done $0x0  }
0x1f4: {  	s3 =	sor.u32 s14, s3;
	[sflag:s19] =	ssyncadd.s32 $0xFFFF8000  }
0x1f5: {  	v4 =	vld [tilespmem:s3+$0x1400]  }
0x1f6: {  	v7 =	vld [tilespmem:s3+$0x1410]  }
0x1f7: {  	v9 =	vld [tilespmem:s3+$0x1420]  }
0x1f8: {  	v11 =	vld [tilespmem:s3+$0x1430]  }
0x1f9: {  	v12 =	vld [tilespmem:s3+$0x1440]  }
0x1fa: {  	v14 =	vld [tilespmem:s3+$0x1450]  }
0x1fb: {  	v15 =	vld [tilespmem:s3+$0x1460]  }
0x1fc: {  	v17 =	vld [tilespmem:s3+$0x1470]  }
0x1fd: {  	v18 =	vld [tilespmem:s3+$0x1800]  }
0x1fe: {  	v16 =	vld [tilespmem:s3+$0x1810]  }
0x1ff: {  	v13 =	vld [tilespmem:s3+$0x1820]  }
0x200: {  	v10 =	vld [tilespmem:s3+$0x1830]  }
0x201: {  	v8 =	vld [tilespmem:s3+$0x1840]  }
0x202: {  	v5 =	vld [tilespmem:s3+$0x1850]  }
0x203: {  	s24 =	sand.u32 $0x7800, s22;
	s22 =	sand.u32 $0x380, s22;
	v3 =	vld [tilespmem:s3+$0x1860]  }
0x204: {  	s22 =	sor.u32 s22, s24;
	v6 =	vld [tilespmem:s3+$0x1870]  }
0x205: {  	v19 =	vld [tilespmem:s22+$0x12400]  }
0x206: {  	v20 =	vld [tilespmem:s22+$0x12410]  }
0x207: {  	v21 =	vld [tilespmem:s22+$0x12420]  }
0x208: {  	v22 =	vld [tilespmem:s22+$0x12430]  }
0x209: {  	v23 =	vld [tilespmem:s22+$0x12440]  }
0x20a: {  	v24 =	vld [tilespmem:s22+$0x12450];
	v19 =	vadd.f32 v19, v4  }
0x20b: {  	v25 =	vld [tilespmem:s22+$0x12460];
	v20 =	vadd.f32 v20, v7  }
0x20c: {  	v26 =	vld [tilespmem:s22+$0x12470];
	[tilespmem:s22+$0x12400] =	vst v19;
	v19 =	vadd.f32 v21, v9  }
0x20d: {  	v27 =	vld [tilespmem:s22+$0x12800];
	[tilespmem:s22+$0x12410] =	vst v20;
	v20 =	vadd.f32 v22, v11  }
0x20e: {  	v22 =	vld [tilespmem:s22+$0x12810];
	[tilespmem:s22+$0x12420] =	vst v19;
	v19 =	vadd.f32 v23, v12  }
0x20f: {  	v21 =	vld [tilespmem:s22+$0x12820];
	[tilespmem:s22+$0x12430] =	vst v20;
	v20 =	vadd.f32 v24, v14  }
0x210: {  	v23 =	vadd.f32 v25, v15;
	[tilespmem:s22+$0x12440] =	vst v19;
	v19 =	vld [tilespmem:s22+$0x12830]  }
0x211: {  	v25 =	vadd.f32 v26, v17;
	[tilespmem:s22+$0x12450] =	vst v20;
	v20 =	vld [tilespmem:s22+$0x12840]  }
0x212: {  	s23 =	simm.s32 $0x100;
	s3 =	simm.s32 $0x80;
	v24 =	vadd.f32 v27, v18;
	[tilespmem:s22+$0x12460] =	vst v23;
	v23 =	vld [tilespmem:s22+$0x12850]  }
.LBB2_7:
0x213: {  	s14 =	sand.u32 $0x7800, s23;
	s24 =	sand.u32 $0x380, s3;
	p0 =	sne.s32 s23, $0x7F00;
	[tilespmem:s22+$0x12470] =	vst v25;
	v22 =	vadd.f32 v22, v16;
	v25 =	vld [tilespmem:s22+$0x12860]  }
0x214: {  	s14 =	sor.u32 s24, s14;
	[tilespmem:s22+$0x12800] =	vst v24;
	v21 =	vadd.f32 v21, v13;
	v24 =	vld [tilespmem:s22+$0x12870]  }
0x215: {  	v26 =	vld [tilespmem:s14+$0x12400];
	[tilespmem:s22+$0x12810] =	vst v22;
	v19 =	vadd.f32 v19, v10  }
0x216: {  	v22 =	vld [tilespmem:s14+$0x12410];
	[tilespmem:s22+$0x12820] =	vst v21;
	v20 =	vadd.f32 v20, v8  }
0x217: {  	v21 =	vld [tilespmem:s14+$0x12420];
	[tilespmem:s22+$0x12830] =	vst v19;
	v19 =	vadd.f32 v23, v5  }
0x218: {  	v23 =	vld [tilespmem:s14+$0x12430];
	[tilespmem:s22+$0x12840] =	vst v20;
	v20 =	vadd.f32 v25, v3  }
0x219: {  	v25 =	vld [tilespmem:s14+$0x12440];
	[tilespmem:s22+$0x12850] =	vst v19;
	v19 =	vadd.f32 v24, v6  }
0x21a: {  	v24 =	vadd.f32 v26, v4;
	v26 =	vld [tilespmem:s14+$0x12450];
	[tilespmem:s22+$0x12860] =	vst v20  }
0x21b: {  	v20 =	vadd.f32 v22, v7;
	v27 =	vld [tilespmem:s14+$0x12460];
	[tilespmem:s22+$0x12870] =	vst v19;
	s22 =	smov.u32 s14  }
0x21c: {  	[tilespmem:s22+$0x12400] =	vst v24;
	v19 =	vadd.f32 v21, v9;
	v24 =	vld [tilespmem:s22+$0x12470]  }
0x21d: {  	[tilespmem:s22+$0x12410] =	vst v20;
	v20 =	vadd.f32 v23, v11;
	v23 =	vld [tilespmem:s22+$0x12800]  }
.Ltmp2:
0x21e: {  	[tilespmem:s22+$0x12420] =	vst v19;
	v19 =	vadd.f32 v25, v12;
	v22 =	vld [tilespmem:s22+$0x12810];
	(pc) =	sbr.rel @p0 .LBB2_7-.Ltmp2, $4  }
0x21f: {  	[tilespmem:s22+$0x12430] =	vst v20;
	v20 =	vadd.f32 v26, v14;
	v21 =	vld [tilespmem:s22+$0x12820]  }
0x220: {  	[tilespmem:s22+$0x12440] =	vst v19;
	v26 =	vadd.f32 v27, v15;
	v19 =	vld [tilespmem:s22+$0x12830]  }
0x221: {  	[tilespmem:s22+$0x12450] =	vst v20;
	v25 =	vadd.f32 v24, v17;
	v20 =	vld [tilespmem:s22+$0x12840]  }
0x222: {  	s3 =	sadd.s32 $0x80, s3;
	s23 =	sadd.s32 $0x100, s23;
	[tilespmem:s22+$0x12460] =	vst v26;
	v24 =	vadd.f32 v23, v18;
	v23 =	vld [tilespmem:s22+$0x12850]  }
0x223: {  	[tilespmem:s22+$0x12470] =	vst v25;
	v4 =	vadd.f32 v22, v16;
	v7 =	vld [tilespmem:s22+$0x12860]  }
0x224: {  	v11 =	vld [tilespmem:s22+$0x12870];
	[tilespmem:s22+$0x12800] =	vst v24;
	v9 =	vadd.f32 v21, v13  }
0x225: {  	[tilespmem:s22+$0x12810] =	vst v4;
	v61 =	vadd.f32 v19, v10  }
0x226: {  	[tilespmem:s22+$0x12820] =	vst v9;
	v8 =	vadd.f32 v20, v8  }
0x227: {  	p0 =	seq.s32 s20, $0xC;
	[tilespmem:s22+$0x12830] =	vst v61;
	v62 =	vadd.f32 v23, v5  }
.Ltmp3:
0x228: {  	[tilespmem:s22+$0x12840] =	vst v8;
	v3 =	vadd.f32 v7, v3;
	(pc) =	sbr.rel @p0 .LBB2_10-.Ltmp3, $4  }
0x229: {  	v63 =	vadd.f32 v11, v6;
	[tilespmem:s22+$0x12850] =	vst v62  }
0x22a: {  	s3 =	sshll.u32 s21, $0x5;
	[tilespmem:s22+$0x12860] =	vst v3  }
0x22b: {  	s3 =	sadd.s32 s4, s3;
	[tilespmem:s22+$0x12870] =	vst v63  }
0x22c: {  	[hbm4b:s3+s5] =	stream.linear.scatter [tilespmem:s13], [sflag:$0x6], $0x8000, $0x38;
	[tilespmem:$0x1A400] =	vst v63  }
0x22d: {  	_ =	swait.ge [sflag:s10], $0x8000  }
0x22e: {  	[sflag:s10] =	ssyncset.done $0x0  }
0x22f: {  	[sflag:s10] =	ssyncadd.s32 $0xFFFF8000  }
0x230: {  	v3 =	vld [tilespmem:s0+$0x200];
	_ =	sdelay $0x4  }
0x231: {  	v4 =	vshll.u32 v3, $0x1  }
0x232: {  	v3 =	vand.u32 $0x7, v3;
	v4 =	vand.u32 $0xFFFFFFF0, v4  }
0x233: {  	v3 =	vor.u32 v3, v4  }
0x234: {  	v4 =	vperm.xlane v3, v0;
	_ =	sdelay $0x1  }
0x235: {  	v3 =	vperm.xlane v3, v2;
	v4 =	vadd.s32 v1, v4;
	_ =	sdelay $0x1  }
0x236: {  	v3 =	vadd.s32 v1, v3;
	_ =	sdelay $0x2  }
0x237: {  	[tilespmem:s2], [sflag:$0x2] =	stream.indirect_vreg.gather [hbm4b:s1+s5], $0x80, v4, vm0, $0xb8;
	[tilespmem:$0x1A400] =	vst v63  }
0x238: {  	s3 =	simm.s32 $0xAC00  }
0x239: {  	[tilespmem:s3], [sflag:$0x2] =	stream.indirect_vreg.gather [hbm4b:s1+s5], $0x80, v3, vm0, $0xb8;
	[tilespmem:$0x1A400] =	vst v63  }
0x23a: {  	v3 =	vld [tilespmem:s0+$0x210];
	_ =	sdelay $0x4  }
0x23b: {  	v57 =	vshll.u32 v3, $0x1  }
0x23c: {  	v3 =	vand.u32 $0x7, v3;
	v4 =	vand.u32 $0xFFFFFFF0, v57  }
0x23d: {  	v3 =	vor.u32 v3, v4  }
0x23e: {  	v4 =	vperm.xlane v3, v0;
	_ =	sdelay $0x1  }
0x23f: {  	v3 =	vperm.xlane v3, v2;
	v4 =	vadd.s32 v1, v4;
	_ =	sdelay $0x1  }
0x240: {  	v3 =	vadd.s32 v1, v3;
	_ =	sdelay $0x1  }
0x241: {  	s21 =	simm.s32 $0xB400  }
0x242: {  	[tilespmem:s21], [sflag:$0x2] =	stream.indirect_vreg.gather [hbm4b:s1+s5], $0x80, v4, vm0, $0xb8;
	[tilespmem:$0x1A400] =	vst v63  }
0x243: {  	s22 =	simm.s32 $0xBC00  }
0x244: {  	[tilespmem:s22], [sflag:$0x2] =	stream.indirect_vreg.gather [hbm4b:s1+s5], $0x80, v3, vm0, $0xb8;
	[tilespmem:$0x1A400] =	vst v63  }
0x245: {  	v3 =	vld [tilespmem:s0+$0x220];
	_ =	sdelay $0x4  }
0x246: {  	v58 =	vshll.u32 v3, $0x1  }
0x247: {  	v3 =	vand.u32 $0x7, v3;
	v4 =	vand.u32 $0xFFFFFFF0, v58  }
0x248: {  	v3 =	vor.u32 v3, v4  }
0x249: {  	v4 =	vperm.xlane v3, v0;
	_ =	sdelay $0x1  }
0x24a: {  	v3 =	vperm.xlane v3, v2;
	v4 =	vadd.s32 v1, v4;
	_ =	sdelay $0x1  }
0x24b: {  	v3 =	vadd.s32 v1, v3;
	_ =	sdelay $0x1  }
0x24c: {  	s23 =	simm.s32 $0xC400  }
0x24d: {  	[tilespmem:s23], [sflag:$0x2] =	stream.indirect_vreg.gather [hbm4b:s1+s5], $0x80, v4, vm0, $0xb8;
	[tilespmem:$0x1A400] =	vst v63  }
0x24e: {  	s24 =	simm.s32 $0xCC00  }
0x24f: {  	[tilespmem:s24], [sflag:$0x2] =	stream.indirect_vreg.gather [hbm4b:s1+s5], $0x80, v3, vm0, $0xb8;
	[tilespmem:$0x1A400] =	vst v63  }
0x250: {  	v3 =	vld [tilespmem:s0+$0x230];
	_ =	sdelay $0x4  }
0x251: {  	v59 =	vshll.u32 v3, $0x1  }
0x252: {  	v3 =	vand.u32 $0x7, v3;
	v4 =	vand.u32 $0xFFFFFFF0, v59  }
0x253: {  	v3 =	vor.u32 v3, v4  }
0x254: {  	v4 =	vperm.xlane v3, v0;
	_ =	sdelay $0x1  }
0x255: {  	v3 =	vperm.xlane v3, v2;
	v4 =	vadd.s32 v1, v4;
	_ =	sdelay $0x1  }
0x256: {  	v3 =	vadd.s32 v1, v3;
	_ =	sdelay $0x1  }
0x257: {  	s14 =	simm.s32 $0xD400  }
0x258: {  	[tilespmem:s14], [sflag:$0x2] =	stream.indirect_vreg.gather [hbm4b:s1+s5], $0x80, v4, vm0, $0xb8;
	[tilespmem:$0x1A400] =	vst v63  }
0x259: {  	s21 =	simm.s32 $0xDC00  }
0x25a: {  	[tilespmem:s21], [sflag:$0x2] =	stream.indirect_vreg.gather [hbm4b:s1+s5], $0x80, v3, vm0, $0xb8;
	[tilespmem:$0x1A400] =	vst v63  }
0x25b: {  	v3 =	vld [tilespmem:s0+$0x240];
	_ =	sdelay $0x4  }
0x25c: {  	v60 =	vshll.u32 v3, $0x1  }
0x25d: {  	v3 =	vand.u32 $0x7, v3;
	v4 =	vand.u32 $0xFFFFFFF0, v60  }
0x25e: {  	v3 =	vor.u32 v3, v4  }
0x25f: {  	v4 =	vperm.xlane v3, v0;
	_ =	sdelay $0x1  }
0x260: {  	v3 =	vperm.xlane v3, v2;
	v4 =	vadd.s32 v1, v4;
	_ =	sdelay $0x1  }
0x261: {  	v3 =	vadd.s32 v1, v3;
	_ =	sdelay $0x1  }
0x262: {  	s22 =	simm.s32 $0xE400  }
0x263: {  	[tilespmem:s22], [sflag:$0x2] =	stream.indirect_vreg.gather [hbm4b:s1+s5], $0x80, v4, vm0, $0xb8;
	[tilespmem:$0x1A400] =	vst v63  }
0x264: {  	s23 =	simm.s32 $0xEC00  }
0x265: {  	[tilespmem:s23], [sflag:$0x2] =	stream.indirect_vreg.gather [hbm4b:s1+s5], $0x80, v3, vm0, $0xb8;
	[tilespmem:$0x1A400] =	vst v63  }
0x266: {  	v3 =	vld [tilespmem:s0+$0x250];
	_ =	sdelay $0x4  }
0x267: {  	v61 =	vshll.u32 v3, $0x1  }
0x268: {  	v3 =	vand.u32 $0x7, v3;
	v4 =	vand.u32 $0xFFFFFFF0, v61  }
0x269: {  	v3 =	vor.u32 v3, v4  }
0x26a: {  	v4 =	vperm.xlane v3, v0;
	_ =	sdelay $0x1  }
0x26b: {  	v3 =	vperm.xlane v3, v2;
	v4 =	vadd.s32 v1, v4;
	_ =	sdelay $0x1  }
0x26c: {  	v3 =	vadd.s32 v1, v3;
	_ =	sdelay $0x1  }
0x26d: {  	s24 =	simm.s32 $0xF400  }
0x26e: {  	[tilespmem:s24], [sflag:$0x2] =	stream.indirect_vreg.gather [hbm4b:s1+s5], $0x80, v4, vm0, $0xb8;
	[tilespmem:$0x1A400] =	vst v63  }
0x26f: {  	s14 =	simm.s32 $0xFC00  }
0x270: {  	[tilespmem:s14], [sflag:$0x2] =	stream.indirect_vreg.gather [hbm4b:s1+s5], $0x80, v3, vm0, $0xb8;
	[tilespmem:$0x1A400] =	vst v63  }
0x271: {  	v3 =	vld [tilespmem:s0+$0x260];
	_ =	sdelay $0x4  }
0x272: {  	v62 =	vshll.u32 v3, $0x1  }
0x273: {  	v3 =	vand.u32 $0x7, v3;
	v4 =	vand.u32 $0xFFFFFFF0, v62  }
0x274: {  	v3 =	vor.u32 v3, v4  }
0x275: {  	v4 =	vperm.xlane v3, v0;
	_ =	sdelay $0x1  }
0x276: {  	v3 =	vperm.xlane v3, v2;
	v4 =	vadd.s32 v1, v4;
	_ =	sdelay $0x1  }
0x277: {  	v3 =	vadd.s32 v1, v3;
	_ =	sdelay $0x1  }
0x278: {  	s21 =	simm.s32 $0x10400  }
0x279: {  	[tilespmem:s21], [sflag:$0x2] =	stream.indirect_vreg.gather [hbm4b:s1+s5], $0x80, v4, vm0, $0xb8;
	[tilespmem:$0x1A400] =	vst v63  }
0x27a: {  	s22 =	simm.s32 $0x10C00  }
0x27b: {  	[tilespmem:s22], [sflag:$0x2] =	stream.indirect_vreg.gather [hbm4b:s1+s5], $0x80, v3, vm0, $0xb8;
	[tilespmem:$0x1A400] =	vst v63  }
0x27c: {  	v3 =	vld [tilespmem:s0+$0x270];
	_ =	sdelay $0x4  }
0x27d: {  	v63 =	vshll.u32 v3, $0x1  }
0x27e: {  	v3 =	vand.u32 $0x7, v3;
	v4 =	vand.u32 $0xFFFFFFF0, v63  }
0x27f: {  	v3 =	vor.u32 v3, v4  }
0x280: {  	v4 =	vperm.xlane v3, v0;
	_ =	sdelay $0x1  }
0x281: {  	v3 =	vperm.xlane v3, v2;
	v4 =	vadd.s32 v1, v4;
	_ =	sdelay $0x1  }
0x282: {  	v3 =	vadd.s32 v1, v3  }
.Ltmp4:
0x283: {  	_ = 	snop;
	(pc) =	sbr.rel .LBB2_2-.Ltmp4, $4  }
0x284: {  	s23 =	simm.s32 $0x11400  }
0x285: {  	[tilespmem:s23], [sflag:$0x2] =	stream.indirect_vreg.gather [hbm4b:s1+s5], $0x80, v4, vm0, $0xb8;
	[tilespmem:$0x1A400] =	vst v63  }
0x286: {  	s20 =	sadd.s32 $0x1, s20;
	s24 =	simm.s32 $0x11C00  }
0x287: {  	[tilespmem:s24], [sflag:$0x2] =	stream.indirect_vreg.gather [hbm4b:s1+s5], $0x80, v3, vm0, $0xb8;
	[tilespmem:$0x1A400] =	vst v63  }
.LBB2_10:
0x288: {  	_ =	swait.ge [sflag:s9], $0x8000  }
0x289: {  	[sflag:s9] =	ssyncset.done $0x0  }
0x28a: {  	s0 =	rddreg [dreg:$0x6];
	[sflag:s9] =	ssyncadd.s32 $0xFFFF8000  }
0x28b: {  	s14 =	rddreg [dreg:$0x7];
	v3 =	vld [tilespmem:s0+$0x1400]  }
0x28c: {  	v6 =	vld [tilespmem:s14+$0x10]  }
0x28d: {  	v9 =	vld [tilespmem:s14+$0x20]  }
0x28e: {  	v11 =	vld [tilespmem:s14+$0x30]  }
0x28f: {  	v12 =	vld [tilespmem:s14+$0x40]  }
0x290: {  	v14 =	vld [tilespmem:s14+$0x50]  }
0x291: {  	v15 =	vld [tilespmem:s14+$0x60]  }
0x292: {  	v17 =	vld [tilespmem:s14+$0x70]  }
0x293: {  	v18 =	vld [tilespmem:s14+$0x400]  }
0x294: {  	v16 =	vld [tilespmem:s14+$0x410]  }
0x295: {  	v13 =	vld [tilespmem:s14+$0x420]  }
0x296: {  	v10 =	vld [tilespmem:s14+$0x430]  }
0x297: {  	v7 =	vld [tilespmem:s14+$0x440]  }
0x298: {  	s24 =	simm.s32 $0x0;
	v4 =	vld [tilespmem:s14+$0x450]  }
0x299: {  	s3 =	sand.u32 $0x7800, s24;
	v5 =	vld [tilespmem:s14+$0x460];
	s0 =	sand.u32 $0x380, s24  }
0x29a: {  	v8 =	vld [tilespmem:s14+$0x470];
	s0 =	sor.u32 s0, s3  }
0x29b: {  	v19 =	vld [tilespmem:s0+$0x2400]  }
0x29c: {  	v20 =	vld [tilespmem:s0+$0x2410]  }
0x29d: {  	v21 =	vld [tilespmem:s0+$0x2420]  }
0x29e: {  	v22 =	vld [tilespmem:s0+$0x2430]  }
0x29f: {  	v23 =	vld [tilespmem:s0+$0x2440]  }
0x2a0: {  	v24 =	vld [tilespmem:s0+$0x2450];
	v19 =	vadd.f32 v19, v3  }
0x2a1: {  	v25 =	vld [tilespmem:s0+$0x2460];
	v20 =	vadd.f32 v20, v6  }
0x2a2: {  	v26 =	vld [tilespmem:s0+$0x2470];
	[tilespmem:s0+$0x2400] =	vst v19;
	v19 =	vadd.f32 v21, v9  }
0x2a3: {  	v27 =	vld [tilespmem:s0+$0x2800];
	[tilespmem:s0+$0x2410] =	vst v20;
	v20 =	vadd.f32 v22, v11  }
0x2a4: {  	v22 =	vld [tilespmem:s0+$0x2810];
	[tilespmem:s0+$0x2420] =	vst v19;
	v19 =	vadd.f32 v23, v12  }
0x2a5: {  	v21 =	vld [tilespmem:s0+$0x2820];
	[tilespmem:s0+$0x2430] =	vst v20;
	v20 =	vadd.f32 v24, v14  }
0x2a6: {  	v23 =	vadd.f32 v25, v15;
	[tilespmem:s0+$0x2440] =	vst v19;
	v19 =	vld [tilespmem:s0+$0x2830]  }
0x2a7: {  	v25 =	vadd.f32 v26, v17;
	[tilespmem:s0+$0x2450] =	vst v20;
	v20 =	vld [tilespmem:s0+$0x2840]  }
0x2a8: {  	s20 =	simm.s32 $0x100;
	s3 =	simm.s32 $0x80;
	v24 =	vadd.f32 v27, v18;
	[tilespmem:s0+$0x2460] =	vst v23;
	v23 =	vld [tilespmem:s0+$0x2850]  }
.LBB2_11:
0x2a9: {  	s14 =	sand.u32 $0x7800, s20;
	s21 =	sand.u32 $0x380, s3;
	p0 =	sne.s32 s20, $0x7F00;
	[tilespmem:s0+$0x2470] =	vst v25;
	v22 =	vadd.f32 v22, v16;
	v25 =	vld [tilespmem:s0+$0x2860]  }
0x2aa: {  	s14 =	sor.u32 s21, s14;
	[tilespmem:s0+$0x2800] =	vst v24;
	v21 =	vadd.f32 v21, v13;
	v24 =	vld [tilespmem:s0+$0x2870]  }
0x2ab: {  	v26 =	vld [tilespmem:s14+$0x2400];
	[tilespmem:s0+$0x2810] =	vst v22;
	v19 =	vadd.f32 v19, v10  }
0x2ac: {  	v22 =	vld [tilespmem:s14+$0x2410];
	[tilespmem:s0+$0x2820] =	vst v21;
	v20 =	vadd.f32 v20, v7  }
0x2ad: {  	v21 =	vld [tilespmem:s14+$0x2420];
	[tilespmem:s0+$0x2830] =	vst v19;
	v19 =	vadd.f32 v23, v4  }
0x2ae: {  	v23 =	vld [tilespmem:s14+$0x2430];
	[tilespmem:s0+$0x2840] =	vst v20;
	v20 =	vadd.f32 v25, v5  }
0x2af: {  	v25 =	vld [tilespmem:s14+$0x2440];
	[tilespmem:s0+$0x2850] =	vst v19;
	v19 =	vadd.f32 v24, v8  }
0x2b0: {  	v24 =	vadd.f32 v26, v3;
	v26 =	vld [tilespmem:s14+$0x2450];
	[tilespmem:s0+$0x2860] =	vst v20  }
0x2b1: {  	v20 =	vadd.f32 v22, v6;
	v27 =	vld [tilespmem:s14+$0x2460];
	[tilespmem:s0+$0x2870] =	vst v19;
	s0 =	smov.u32 s14  }
0x2b2: {  	[tilespmem:s0+$0x2400] =	vst v24;
	v19 =	vadd.f32 v21, v9;
	v24 =	vld [tilespmem:s0+$0x2470]  }
0x2b3: {  	[tilespmem:s0+$0x2410] =	vst v20;
	v20 =	vadd.f32 v23, v11;
	v23 =	vld [tilespmem:s0+$0x2800]  }
.Ltmp5:
0x2b4: {  	[tilespmem:s0+$0x2420] =	vst v19;
	v19 =	vadd.f32 v25, v12;
	v22 =	vld [tilespmem:s0+$0x2810];
	(pc) =	sbr.rel @p0 .LBB2_11-.Ltmp5, $4  }
0x2b5: {  	[tilespmem:s0+$0x2430] =	vst v20;
	v20 =	vadd.f32 v26, v14;
	v21 =	vld [tilespmem:s0+$0x2820]  }
0x2b6: {  	[tilespmem:s0+$0x2440] =	vst v19;
	v26 =	vadd.f32 v27, v15;
	v19 =	vld [tilespmem:s0+$0x2830]  }
0x2b7: {  	[tilespmem:s0+$0x2450] =	vst v20;
	v25 =	vadd.f32 v24, v17;
	v20 =	vld [tilespmem:s0+$0x2840]  }
0x2b8: {  	s3 =	sadd.s32 $0x80, s3;
	s20 =	sadd.s32 $0x100, s20;
	[tilespmem:s0+$0x2460] =	vst v26;
	v24 =	vadd.f32 v23, v18;
	v23 =	vld [tilespmem:s0+$0x2850]  }
0x2b9: {  	[tilespmem:s0+$0x2470] =	vst v25;
	v3 =	vadd.f32 v22, v16;
	v6 =	vld [tilespmem:s0+$0x2860]  }
0x2ba: {  	v11 =	vld [tilespmem:s0+$0x2870];
	[tilespmem:s0+$0x2800] =	vst v24;
	v9 =	vadd.f32 v21, v13  }
0x2bb: {  	[tilespmem:s0+$0x2810] =	vst v3;
	v3 =	vadd.f32 v19, v10  }
0x2bc: {  	[tilespmem:s0+$0x2820] =	vst v9;
	v7 =	vadd.f32 v20, v7  }
0x2bd: {  	[tilespmem:s0+$0x2830] =	vst v3;
	v3 =	vadd.f32 v23, v4  }
0x2be: {  	[tilespmem:s0+$0x2840] =	vst v7;
	v63 =	vadd.f32 v6, v5  }
0x2bf: {  	[tilespmem:s0+$0x2850] =	vst v3;
	v3 =	vadd.f32 v11, v8  }
0x2c0: {  	[tilespmem:s0+$0x2860] =	vst v63  }
0x2c1: {  	s22 =	rddreg [dreg:$0x8];
	[tilespmem:s0+$0x2870] =	vst v3  }
0x2c2: {  	[hbm4b:s22+s5] =	stream.linear.scatter [tilespmem:s15], [sflag:$0x4], $0x8000, $0x38;
	[tilespmem:$0x1A400] =	vst v63  }
0x2c3: {  	_ =	swait.ge [sflag:s10], $0x8000  }
0x2c4: {  	[sflag:s10] =	ssyncset.done $0x0  }
0x2c5: {  	s23 =	simm.s32 $0x6;
	[sflag:s10] =	ssyncadd.s32 $0xFFFF8000  }
0x2c6: {  	_ =	swait.ge [sflag:s23], $0x8000  }
0x2c7: {  	[sflag:s23] =	ssyncset.done $0x0  }
0x2c8: {  	[sflag:s23] =	ssyncadd.s32 $0xFFFF8000  }
0x2c9: {  	_ =	swait.ge [sflag:s12], $0x8000  }
0x2ca: {  	s3 =	rddreg [dreg:$0xa]  }
0x2cb: {  	s24 =	rddreg [dreg:$0x9];
	s3 =	sadd.s32 $0x1, s3  }
0x2cc: {  	p0 =	sne.s32 s3, s24  }
.Ltmp6:
0x2cd: {  	_ = 	snop;
	(pc) =	sbr.rel @p0 .LBB2_1-.Ltmp6, $3  }
0x2ce: {  	_ =	sdelay $0x1  }
0x2cf: {  	[sflag:s12] =	ssyncset.done $0x0  }
0x2d0: {  	[sflag:s12] =	ssyncadd.s32 $0xFFFF8000  }
0x2d1: {  	_ =	sfence.sel $0x180000  }
0x2d2: {  	[bflag:$0x0] =	sbarrier.arrive $0xFFFF  }
0x2d3: {  	_ =	strace $0x90000047  }
0x2d4: {  	s0 =	stileid.u32;
	[bflag:$0x2] =	sbarrier.arrive $0xFFFF  }
0x2d5: {  	p0 =	sne.s32 s0, $0x0;
	s0 =	rddreg [dreg:$0x4]  }
0x2d6: {  	s0 =	sadd.s32 @!p0 $0x100000, s0  }
0x2d7: {  	[sflag:s0] =	ssyncadd.tile.s32 @!p0 $0x1;
	_ =	shalt  }
.Lfunc_end2:
_tile_overlayer_lowered:
.L_overlay_start_2:
0x2d8: {  	(tag) =	ssettag $0x2  }
0x2d9: {  	s0 =	rddreg [dreg:$0x0];
	s2 =	stileid.u32  }
0x2da: {  	s1 =	rddreg [dreg:$0x1];
	p0 =	sne.s32 s2, $0x0  }
0x2db: {  	s3 =	rddreg [dreg:$0x2];
	[bflag:$0x3] =	sbarrier.arrive $0xFFFF;
	s2 =	simm.s32 @!p0 $0x1C07  }
0x2dc: {  	[timem:s3], [sflag:s2] =	dma.local @!p0 [hbm:s0], s1  }
0x2dd: {  	s0 =	simm.s32 @!p0 $0x7  }
0x2de: {  	_ =	swait.ge @!p0 [sflag:s0], s1  }
0x2df: {  	s1 =	ssub.s32 @!p0 $0x0, s1;
	[sflag:s0] =	ssyncset.done @!p0 $0x0  }
0x2e0: {  	[sflag:s0] =	ssyncadd.s32 @!p0 s1  }
0x2e1: {  	[bflag:$0x3] =	sbarrier.arrive $0xFFFF  }
0x2e2: {  	_ =	shalt  }

</sc_bundles>
